<compile_context>
chip_gen: v7x
topology: tpu7x:2x2x1
jax: 0.10.2.dev20260603
libtpu: 0.0.44.dev20260713+nightly
codegen_flags: <defaults>
</compile_context>

<pallas_src>
import functools

import jax
import jax.numpy as jnp
from jax import lax
from jax.experimental import pallas as pl
from jax.experimental.pallas import tpu as pltpu
from jax.experimental.pallas import tpu_sc as plsc

N = 50000
E = 800000
D_IN = 128
D_HID = 64
N_CLASS = 2

NC = 2
NS = 16
NW = NC * NS
NP = 50176
NP4 = NP // 4
SLC4 = NP4 // NS
EP = 802816
EPW = EP // NW
C = 128
AW = 16
NCHUNK = EPW // C
GRP = C // 16

R = 400
GRID = N // R


def _pre_body(beta_ref, x_ref, w1_ref, b1_ref, w2_ref, b2_ref, wc_ref,
              hnz_ref, z_ref):
    x = x_ref[...]
    h = jnp.maximum(jnp.dot(x, w1_ref[...], preferred_element_type=jnp.float32)
                    + b1_ref[...], 0.0)
    h = jnp.dot(h, w2_ref[...], preferred_element_type=jnp.float32) + b2_ref[...]
    nrm2 = jnp.sum(h * h, axis=1, keepdims=True)
    inv = lax.rsqrt(jnp.maximum(nrm2, 1e-24))
    hn = h * inv
    z01 = jnp.dot(h, wc_ref[...], preferred_element_type=jnp.float32)
    wself = jnp.exp(beta_ref[0] * jnp.sum(hn * hn, axis=1, keepdims=True))
    z_ref[...] = jnp.concatenate(
        [z01, wself, jnp.zeros((R, 13), jnp.float32)], axis=1)
    hnz_ref[...] = jnp.concatenate(
        [hn, jnp.zeros((R, D_IN - D_HID), jnp.float32)],
        axis=1).astype(jnp.bfloat16)


def _pre(x, W1, b1, W2, b2, Wc, beta):
    return pl.pallas_call(
        _pre_body,
        grid=(GRID,),
        in_specs=[
            pl.BlockSpec(memory_space=pltpu.SMEM),
            pl.BlockSpec((R, D_IN), lambda i: (i, 0)),
            pl.BlockSpec((D_IN, D_HID), lambda i: (0, 0)),
            pl.BlockSpec((1, D_HID), lambda i: (0, 0)),
            pl.BlockSpec((D_HID, D_HID), lambda i: (0, 0)),
            pl.BlockSpec((1, D_HID), lambda i: (0, 0)),
            pl.BlockSpec((D_HID, N_CLASS), lambda i: (0, 0)),
        ],
        out_specs=[
            pl.BlockSpec((R, D_IN), lambda i: (i, 0)),
            pl.BlockSpec((R, 16), lambda i: (i, 0)),
        ],
        out_shape=[
            jax.ShapeDtypeStruct((N, D_IN), jnp.bfloat16),
            jax.ShapeDtypeStruct((N, 16), jnp.float32),
        ],
    )(beta, x, W1, b1.reshape(1, D_HID), W2, b2.reshape(1, D_HID), Wc)


def _edge_body(hn, zpk, srcp, dstp, bvec, zeros4, out,
               sidxb, didxb, didx4, srows, drows, pay, bv, ztab,
               acc, gss, gsd, ssem, isems, isemd, zsem):
    c = lax.axis_index("c")
    s = lax.axis_index("s")
    wid = s * NC + c
    lane = jnp.arange(16, dtype=jnp.int32)

    pltpu.sync_copy(bvec, bv)
    pltpu.sync_copy(zpk, ztab)
    pltpu.sync_copy(zeros4, pay.at[0])
    pltpu.sync_copy(zeros4, pay.at[1])
    for t in range(SLC4 // 112):
        pltpu.sync_copy(pay.at[0, pl.ds(0, 112)],
                        acc.at[pl.ds(s * SLC4 + t * 112, 112)])
    plsc.subcore_barrier()

    b = bv[...]

    def idx_copies(j, r):
        off = wid * EPW + j * C
        return (
            pltpu.make_async_copy(
                srcp.at[pl.ds(off, C)], sidxb.at[r], isems.at[r]),
            pltpu.make_async_copy(
                dstp.at[pl.ds(off, C)], didxb.at[r], isemd.at[r]),
        )

    def gather_copies(j, r, p):
        return (
            pltpu.make_async_copy(
                hn.at[sidxb.at[r]], srows.at[p], gss.at[p]),
            pltpu.make_async_copy(
                hn.at[didxb.at[r]], drows.at[p], gsd.at[p]),
        )

    for j0 in range(4):
        for cp_ in idx_copies(j0, j0):
            cp_.start()
    for j0 in range(2):
        for cp_ in idx_copies(j0, j0):
            cp_.wait()
        for cp_ in gather_copies(j0, j0, j0):
            cp_.start()

    def chunk(j, carry):
        p = lax.bitwise_and(j, 1)
        r = lax.bitwise_and(j, 3)

        @pl.when(j >= 2)
        def _():
            pltpu.make_async_copy(
                pay.at[p], acc.at[didx4.at[p]], ssem.at[p]
            ).wait()
        pltpu.make_async_copy(zeros4, pay.at[p], zsem.at[p]).start()

        for cp_ in gather_copies(j, r, p):
            cp_.wait()
        pltpu.make_async_copy(zeros4, pay.at[p], zsem.at[p]).wait()

        def group(g, carry2):
            elane = g * 16 + lane
            dotv = jnp.zeros((16,), jnp.float32)
            for ee in range(16):
                e = g * 16 + ee
                sa0, sb0 = plsc.unpack(srows[p, e, pl.ds(0, 32)],
                                       format=plsc.PackFormat.INTERLEAVED)
                da0, db0 = plsc.unpack(drows[p, e, pl.ds(0, 32)],
                                       format=plsc.PackFormat.INTERLEAVED)
                sa1, sb1 = plsc.unpack(srows[p, e, pl.ds(32, 32)],
                                       format=plsc.PackFormat.INTERLEAVED)
                da1, db1 = plsc.unpack(drows[p, e, pl.ds(32, 32)],
                                       format=plsc.PackFormat.INTERLEAVED)
                t = (sa0 * da0 + sb0 * db0) + (sa1 * da1 + sb1 * db1)
                d = jnp.sum(t, axis=0)
                dotv = jnp.where(lane == ee, d, dotv)
            w = jnp.exp(b * dotv)
            s16v = sidxb[r, pl.ds(g * 16, 16)]
            zp = plsc.load_gather(ztab, [s16v])
            z0, z1 = plsc.unpack(plsc.bitcast(zp, jnp.bfloat16),
                                 format=plsc.PackFormat.INTERLEAVED)
            d16 = didxb[r, pl.ds(g * 16, 16)]
            didx4[p, pl.ds(g * 16, 16)] = lax.shift_right_logical(d16, 2)
            colb = lax.bitwise_and(d16, 3) * 4
            plsc.store_scatter(pay.at[p], [elane, colb], w)
            plsc.store_scatter(pay.at[p], [elane, colb + 1], w * z0)
            plsc.store_scatter(pay.at[p], [elane, colb + 2], w * z1)
            return carry2

        lax.fori_loop(0, GRP, group, 0)

        @pl.when(j + 4 < NCHUNK)
        def _():
            for cp_ in idx_copies(j + 4, r):
                cp_.start()

        @pl.when(j + 2 < NCHUNK)
        def _():
            rp2 = lax.bitwise_and(j + 2, 3)
            for cp_ in idx_copies(j + 2, rp2):
                cp_.wait()
            for cp_ in gather_copies(j + 2, rp2, p):
                cp_.start()

        pltpu.async_copy(pay.at[p], acc.at[didx4.at[p]], ssem.at[p], add=True)
        return carry

    lax.fori_loop(0, NCHUNK, chunk, 0)
    for p in range(2):
        pltpu.make_async_copy(
            pay.at[p], acc.at[didx4.at[p]], ssem.at[p]
        ).wait()
    plsc.subcore_barrier()

    for t in range(SLC4 // 112):
        pltpu.sync_copy(acc.at[pl.ds(s * SLC4 + t * 112, 112)],
                        pay.at[0, pl.ds(0, 112)])
        pltpu.sync_copy(pay.at[0, pl.ds(0, 112)],
                        out.at[c, pl.ds(s * SLC4 + t * 112, 112)])


def _edges(hn, zpk, srcp, dstp, bvec, zeros4):
    mesh = plsc.VectorSubcoreMesh(core_axis_name="c", subcore_axis_name="s")
    fn = functools.partial(
        pl.kernel,
        mesh=mesh,
        compiler_params=pltpu.CompilerParams(
            needs_layout_passes=False, use_tc_tiling_on_sc=False),
        out_type=jax.ShapeDtypeStruct((NC, NP4, AW), jnp.float32),
        scratch_types=[
            pltpu.VMEM((4, C), jnp.int32),
            pltpu.VMEM((4, C), jnp.int32),
            pltpu.VMEM((2, C), jnp.int32),
            pltpu.VMEM((2, C, D_IN), jnp.bfloat16),
            pltpu.VMEM((2, C, D_IN), jnp.bfloat16),
            pltpu.VMEM((2, C, AW), jnp.float32),
            pltpu.VMEM((16,), jnp.float32),
            pltpu.VMEM((N,), jnp.int32),
            pltpu.VMEM_SHARED((NP4, AW), jnp.float32),
            pltpu.SemaphoreType.DMA((2,)),
            pltpu.SemaphoreType.DMA((2,)),
            pltpu.SemaphoreType.DMA((2,)),
            pltpu.SemaphoreType.DMA((4,)),
            pltpu.SemaphoreType.DMA((4,)),
            pltpu.SemaphoreType.DMA((2,)),
        ],
    )(_edge_body)
    return fn(hn, zpk, srcp, dstp, bvec, zeros4)


def _post_body(osc_ref, z_ref, bc_ref, y_ref):
    o = osc_ref[...]
    z = z_ref[...]
    wself = z[:, 2:3]
    den = o[0, :, 0:1] + o[1, :, 0:1] + wself
    n0 = o[0, :, 1:2] + o[1, :, 1:2] + wself * z[:, 0:1]
    n1 = o[0, :, 2:3] + o[1, :, 2:3] + wself * z[:, 1:2]
    inv = 1.0 / (den + 1e-16)
    y_ref[...] = jnp.concatenate([n0 * inv, n1 * inv], axis=1) + bc_ref[...]


def _post(osc, z, bc):
    return pl.pallas_call(
        _post_body,
        grid=(GRID,),
        in_specs=[
            pl.BlockSpec((NC, R, 4), lambda i: (0, i, 0)),
            pl.BlockSpec((R, 16), lambda i: (i, 0)),
            pl.BlockSpec((1, N_CLASS), lambda i: (0, 0)),
        ],
        out_specs=pl.BlockSpec((R, N_CLASS), lambda i: (i, 0)),
        out_shape=jax.ShapeDtypeStruct((N, N_CLASS), jnp.float32),
    )(osc, z, bc.reshape(1, N_CLASS))


def kernel(x, edge_index, W1, b1, W2, b2, beta, Wc, bc):
    src = edge_index[0]
    dst = edge_index[1]
    srcp = jnp.concatenate([src, jnp.zeros((EP - E,), jnp.int32)])
    dstp = jnp.concatenate([dst, jnp.full((EP - E,), N, jnp.int32)])
    bvec = jnp.broadcast_to(beta.astype(jnp.float32), (16,))
    zeros4 = jnp.zeros((C, AW), jnp.float32)

    hnz, z = _pre(x, W1, b1, W2, b2, Wc, beta)
    zpk = lax.bitcast_convert_type(
        z[:, :2].astype(jnp.bfloat16), jnp.int32)
    osc = _edges(hnz, zpk, srcp, dstp, bvec, zeros4)
    osc = osc.reshape(NC, NP, 4)
    return _post(osc, z, bc)

# --- scband reference (transcript-rebuilt; emitter-appended) ---
"""Pipeline reference for scband-amnet-36490042146906 (READ-ONLY COPY).

The authoritative reference and input builder live on the scoring server;
editing this copy changes nothing except your own understanding.
"""

import jax, jax.numpy as jnp
import numpy as np

N = 50000
E = 800000
D_IN = 128
D_HID = 64
N_CLASS = 2


def setup_inputs(seed: int = 0) -> dict:
    key = jax.random.key(seed)
    ks = jax.random.split(key, 12)
    x = jax.random.normal(ks[0], (N, D_IN), dtype=jnp.float32)
    # edge_index with no self-loops (AGNNConv removes self-loops then re-adds them)
    src = jax.random.randint(ks[1], (E,), 0, N, dtype=jnp.int32)
    off = jax.random.randint(ks[2], (E,), 1, N, dtype=jnp.int32)
    dst = (src + off) % N
    edge_index = jnp.stack([src, dst], axis=0)
    # linear_transform_in: Linear(128,64) -> ReLU -> Linear(64,64)
    W1 = jax.random.normal(ks[3], (D_IN, D_HID), dtype=jnp.float32) * (1.0 / np.sqrt(D_IN))
    b1 = jnp.zeros((D_HID,), dtype=jnp.float32)
    W2 = jax.random.normal(ks[4], (D_HID, D_HID), dtype=jnp.float32) * (1.0 / np.sqrt(D_HID))
    b2 = jnp.zeros((D_HID,), dtype=jnp.float32)
    # AGNNConv beta (requires_grad=True -> initialized to 1)
    beta = jnp.ones((1,), dtype=jnp.float32)
    # linear_cls_out: Dropout (identity in eval) -> Linear(64, 2)
    Wc = jax.random.normal(ks[5], (D_HID, N_CLASS), dtype=jnp.float32) * (1.0 / np.sqrt(D_HID))
    bc = jnp.zeros((N_CLASS,), dtype=jnp.float32)
    return {"x": x, "edge_index": edge_index, "W1": W1, "b1": b1, "W2": W2, "b2": b2, "beta": beta, "Wc": Wc, "bc": bc}


def reference(x, edge_index, W1, b1, W2, b2, beta, Wc, bc):
    # linear_transform_in
    h = jnp.maximum(x @ W1 + b1, 0.0)
    h = h @ W2 + b2
    n = h.shape[0]
    # AGNNConv: add self-loops
    loops = jnp.arange(n, dtype=edge_index.dtype)
    ei = jnp.concatenate([edge_index, jnp.stack([loops, loops], axis=0)], axis=1)
    src, dst = ei[0], ei[1]
    # cosine-similarity attention
    norm = jnp.linalg.norm(h, axis=-1, keepdims=True)
    h_norm = h / jnp.maximum(norm, 1e-12)
    alpha = beta[0] * jnp.sum(h_norm[dst] * h_norm[src], axis=-1)
    # segment softmax over edges grouped by destination node
    amax = jax.ops.segment_max(alpha, dst, num_segments=n)
    a = jnp.exp(alpha - amax[dst])
    asum = jax.ops.segment_sum(a, dst, num_segments=n)
    a = a / (asum[dst] + 1e-16)
    # weighted aggregation of source features
    h1 = jax.ops.segment_sum(a[:, None] * h[src], dst, num_segments=n)
    # linear_cls_out (dropout is identity in eval)
    y_hat = h1 @ Wc + bc
    return y_hat

if __name__ == "__main__":
    import jax
    _d = setup_inputs()
    print(jax.jit(kernel)(*tuple(_d.values())))

</pallas_src>

<mosaic_0001>
#map = affine_map<(d0, d1) -> (0, 0)>
#map1 = affine_map<(d0, d1) -> (0)>
#map2 = affine_map<(d0, d1) -> (0, 0, 0)>
module attributes {stable_mosaic.version = 14 : i64} {
  func.func @_edge_body(%arg0: i32, %arg1: i32, %arg2: memref<50000x128xbf16, #tpu.memory_space<hbm>>, %arg3: memref<50000xi32, #tpu.memory_space<hbm>>, %arg4: memref<802816xi32, #tpu.memory_space<hbm>>, %arg5: memref<802816xi32, #tpu.memory_space<hbm>>, %arg6: memref<16xf32, #tpu.memory_space<hbm>>, %arg7: memref<128x16xf32, #tpu.memory_space<hbm>>, %arg8: memref<2x12544x16xf32, #tpu.memory_space<hbm>>, %arg9: memref<4x128xi32, #tpu.memory_space<vmem>>, %arg10: memref<4x128xi32, #tpu.memory_space<vmem>>, %arg11: memref<2x128xi32, #tpu.memory_space<vmem>>, %arg12: memref<2x128x128xbf16, #tpu.memory_space<vmem>>, %arg13: memref<2x128x128xbf16, #tpu.memory_space<vmem>>, %arg14: memref<2x128x16xf32, #tpu.memory_space<vmem>>, %arg15: memref<16xf32, #tpu.memory_space<vmem>>, %arg16: memref<50000xi32, #tpu.memory_space<vmem>>, %arg17: memref<12544x16xf32, #tpu.memory_space<vmem_shared>>, %arg18: memref<2x!tpu.dma_semaphore, #tpu.memory_space<semaphore_mem>>, %arg19: memref<2x!tpu.dma_semaphore, #tpu.memory_space<semaphore_mem>>, %arg20: memref<2x!tpu.dma_semaphore, #tpu.memory_space<semaphore_mem>>, %arg21: memref<4x!tpu.dma_semaphore, #tpu.memory_space<semaphore_mem>>, %arg22: memref<4x!tpu.dma_semaphore, #tpu.memory_space<semaphore_mem>>, %arg23: memref<2x!tpu.dma_semaphore, #tpu.memory_space<semaphore_mem>>) attributes {dimension_semantics = [#tpu.dimension_semantics<core_parallel>, #tpu.dimension_semantics<subcore_parallel>], iteration_bounds = array<i64: 2, 16>, scalar_prefetch = 0 : i64, scratch_operands = 15 : i64, tpu.core_type = #tpu.core_type<sc_vector_subcore>, window_params = [{transform_indices = #map}, {transform_indices = #map1}, {transform_indices = #map1}, {transform_indices = #map1}, {transform_indices = #map1}, {transform_indices = #map}, {transform_indices = #map2}]} {
    %mul3A = arith.constant 2 : i32
    %mul3A_0 = arith.muli %arg1, %mul3A : i32
    %add3A = arith.addi %mul3A_0, %arg0 : i32
    %iota3A = tpu.iota {dimensions = array<i32: 0>} : vector<16xi32>
    "tpu.region"() ({
      %run_scoped3A_370 = tpu.sem_alloc : memref<!tpu.dma_semaphore, #tpu.memory_space<semaphore_mem>>
      tpu.enqueue_dma source(%arg6 : memref<16xf32, #tpu.memory_space<hbm>>) target(%arg15 : memref<16xf32, #tpu.memory_space<vmem>>) target_semaphore(%run_scoped3A_370 : memref<!tpu.dma_semaphore, #tpu.memory_space<semaphore_mem>>)
      tpu.wait_dma2 semaphore(%run_scoped3A_370 : memref<!tpu.dma_semaphore, #tpu.memory_space<semaphore_mem>>) src(%arg6 : memref<16xf32, #tpu.memory_space<hbm>>) dst(%arg15 : memref<16xf32, #tpu.memory_space<vmem>>)
      tpu.yield
    }) : () -> ()
    "tpu.region"() ({
      %run_scoped3A_370 = tpu.sem_alloc : memref<!tpu.dma_semaphore, #tpu.memory_space<semaphore_mem>>
      tpu.enqueue_dma source(%arg3 : memref<50000xi32, #tpu.memory_space<hbm>>) target(%arg16 : memref<50000xi32, #tpu.memory_space<vmem>>) target_semaphore(%run_scoped3A_370 : memref<!tpu.dma_semaphore, #tpu.memory_space<semaphore_mem>>)
      tpu.wait_dma2 semaphore(%run_scoped3A_370 : memref<!tpu.dma_semaphore, #tpu.memory_space<semaphore_mem>>) src(%arg3 : memref<50000xi32, #tpu.memory_space<hbm>>) dst(%arg16 : memref<50000xi32, #tpu.memory_space<vmem>>)
      tpu.yield
    }) : () -> ()
    %run_scoped3A = arith.constant 0 : i32
    "tpu.region"() ({
      %run_scoped3A_370 = tpu.sem_alloc : memref<!tpu.dma_semaphore, #tpu.memory_space<semaphore_mem>>
      %dma_start3A_371 = arith.constant 0 : i32
      %dma_start3A_372 = arith.constant 0 : i32
      %dma_start3A_373 = tpu.memref_slice %arg14[%run_scoped3A, %dma_start3A_371, %dma_start3A_372] : memref<2x128x16xf32, #tpu.memory_space<vmem>> -> memref<1x128x16xf32, #tpu.memory_space<vmem>>
      %dma_start3A_374 = tpu.memref_squeeze %dma_start3A_373 : memref<1x128x16xf32, #tpu.memory_space<vmem>> -> memref<128x16xf32, #tpu.memory_space<vmem>>
      %dma_start3A_375 = arith.constant 0 : i32
      %dma_start3A_376 = arith.constant 0 : i32
      %dma_start3A_377 = tpu.memref_slice %arg14[%run_scoped3A, %dma_start3A_375, %dma_start3A_376] : memref<2x128x16xf32, #tpu.memory_space<vmem>> -> memref<1x128x16xf32, #tpu.memory_space<vmem>>
      %dma_start3A_378 = tpu.memref_squeeze %dma_start3A_377 : memref<1x128x16xf32, #tpu.memory_space<vmem>> -> memref<128x16xf32, #tpu.memory_space<vmem>>
      tpu.enqueue_dma source(%arg7 : memref<128x16xf32, #tpu.memory_space<hbm>>) target(%dma_start3A_378 : memref<128x16xf32, #tpu.memory_space<vmem>>) target_semaphore(%run_scoped3A_370 : memref<!tpu.dma_semaphore, #tpu.memory_space<semaphore_mem>>)
      %dma_wait3A_379 = arith.constant 0 : i32
      %dma_wait3A_380 = arith.constant 0 : i32
      %dma_wait3A_381 = tpu.memref_slice %arg14[%run_scoped3A, %dma_wait3A_379, %dma_wait3A_380] : memref<2x128x16xf32, #tpu.memory_space<vmem>> -> memref<1x128x16xf32, #tpu.memory_space<vmem>>
      %dma_wait3A_382 = tpu.memref_squeeze %dma_wait3A_381 : memref<1x128x16xf32, #tpu.memory_space<vmem>> -> memref<128x16xf32, #tpu.memory_space<vmem>>
      %dma_wait3A_383 = arith.constant 0 : i32
      %dma_wait3A_384 = arith.constant 0 : i32
      %dma_wait3A_385 = tpu.memref_slice %arg14[%run_scoped3A, %dma_wait3A_383, %dma_wait3A_384] : memref<2x128x16xf32, #tpu.memory_space<vmem>> -> memref<1x128x16xf32, #tpu.memory_space<vmem>>
      %dma_wait3A_386 = tpu.memref_squeeze %dma_wait3A_385 : memref<1x128x16xf32, #tpu.memory_space<vmem>> -> memref<128x16xf32, #tpu.memory_space<vmem>>
      tpu.wait_dma2 semaphore(%run_scoped3A_370 : memref<!tpu.dma_semaphore, #tpu.memory_space<semaphore_mem>>) src(%arg7 : memref<128x16xf32, #tpu.memory_space<hbm>>) dst(%dma_wait3A_386 : memref<128x16xf32, #tpu.memory_space<vmem>>)
      tpu.yield
    }) : () -> ()
    %run_scoped3A_1 = arith.constant 1 : i32
    "tpu.region"() ({
      %run_scoped3A_370 = tpu.sem_alloc : memref<!tpu.dma_semaphore, #tpu.memory_space<semaphore_mem>>
      %dma_start3A_371 = arith.constant 0 : i32
      %dma_start3A_372 = arith.constant 0 : i32
      %dma_start3A_373 = tpu.memref_slice %arg14[%run_scoped3A_1, %dma_start3A_371, %dma_start3A_372] : memref<2x128x16xf32, #tpu.memory_space<vmem>> -> memref<1x128x16xf32, #tpu.memory_space<vmem>>
      %dma_start3A_374 = tpu.memref_squeeze %dma_start3A_373 : memref<1x128x16xf32, #tpu.memory_space<vmem>> -> memref<128x16xf32, #tpu.memory_space<vmem>>
      %dma_start3A_375 = arith.constant 0 : i32
      %dma_start3A_376 = arith.constant 0 : i32
      %dma_start3A_377 = tpu.memref_slice %arg14[%run_scoped3A_1, %dma_start3A_375, %dma_start3A_376] : memref<2x128x16xf32, #tpu.memory_space<vmem>> -> memref<1x128x16xf32, #tpu.memory_space<vmem>>
      %dma_start3A_378 = tpu.memref_squeeze %dma_start3A_377 : memref<1x128x16xf32, #tpu.memory_space<vmem>> -> memref<128x16xf32, #tpu.memory_space<vmem>>
      tpu.enqueue_dma source(%arg7 : memref<128x16xf32, #tpu.memory_space<hbm>>) target(%dma_start3A_378 : memref<128x16xf32, #tpu.memory_space<vmem>>) target_semaphore(%run_scoped3A_370 : memref<!tpu.dma_semaphore, #tpu.memory_space<semaphore_mem>>)
      %dma_wait3A_379 = arith.constant 0 : i32
      %dma_wait3A_380 = arith.constant 0 : i32
      %dma_wait3A_381 = tpu.memref_slice %arg14[%run_scoped3A_1, %dma_wait3A_379, %dma_wait3A_380] : memref<2x128x16xf32, #tpu.memory_space<vmem>> -> memref<1x128x16xf32, #tpu.memory_space<vmem>>
      %dma_wait3A_382 = tpu.memref_squeeze %dma_wait3A_381 : memref<1x128x16xf32, #tpu.memory_space<vmem>> -> memref<128x16xf32, #tpu.memory_space<vmem>>
      %dma_wait3A_383 = arith.constant 0 : i32
      %dma_wait3A_384 = arith.constant 0 : i32
      %dma_wait3A_385 = tpu.memref_slice %arg14[%run_scoped3A_1, %dma_wait3A_383, %dma_wait3A_384] : memref<2x128x16xf32, #tpu.memory_space<vmem>> -> memref<1x128x16xf32, #tpu.memory_space<vmem>>
      %dma_wait3A_386 = tpu.memref_squeeze %dma_wait3A_385 : memref<1x128x16xf32, #tpu.memory_space<vmem>> -> memref<128x16xf32, #tpu.memory_space<vmem>>
      tpu.wait_dma2 semaphore(%run_scoped3A_370 : memref<!tpu.dma_semaphore, #tpu.memory_space<semaphore_mem>>) src(%arg7 : memref<128x16xf32, #tpu.memory_space<hbm>>) dst(%dma_wait3A_386 : memref<128x16xf32, #tpu.memory_space<vmem>>)
      tpu.yield
    }) : () -> ()
    %mul3A_2 = arith.constant 784 : i32
    %mul3A_3 = arith.muli %arg1, %mul3A_2 : i32
    %add3A_4 = arith.constant 0 : i32
    %add3A_5 = arith.addi %mul3A_3, %add3A_4 : i32
    %run_scoped3A_6 = arith.constant 0 : i32
    "tpu.region"() ({
      %run_scoped3A_370 = tpu.sem_alloc : memref<!tpu.dma_semaphore, #tpu.memory_space<semaphore_mem>>
      %dma_start3A_371 = arith.constant 0 : i32
      %dma_start3A_372 = arith.constant 0 : i32
      %dma_start3A_373 = tpu.memref_slice %arg14[%run_scoped3A_6, %dma_start3A_371, %dma_start3A_372] : memref<2x128x16xf32, #tpu.memory_space<vmem>> -> memref<1x112x16xf32, #tpu.memory_space<vmem>>
      %dma_start3A_374 = tpu.memref_squeeze %dma_start3A_373 : memref<1x112x16xf32, #tpu.memory_space<vmem>> -> memref<112x16xf32, #tpu.memory_space<vmem>>
      %dma_start3A_375 = arith.constant 0 : i32
      %dma_start3A_376 = tpu.memref_slice %arg17[%add3A_5, %dma_start3A_375] : memref<12544x16xf32, #tpu.memory_space<vmem_shared>> -> memref<112x16xf32, #tpu.memory_space<vmem_shared>>
      %dma_start3A_377 = arith.constant 0 : i32
      %dma_start3A_378 = tpu.memref_slice %arg17[%add3A_5, %dma_start3A_377] : memref<12544x16xf32, #tpu.memory_space<vmem_shared>> -> memref<112x16xf32, #tpu.memory_space<vmem_shared>>
      %dma_start3A_379 = arith.constant 0 : i32
      %dma_start3A_380 = arith.constant 0 : i32
      %dma_start3A_381 = tpu.memref_slice %arg14[%run_scoped3A_6, %dma_start3A_379, %dma_start3A_380] : memref<2x128x16xf32, #tpu.memory_space<vmem>> -> memref<1x112x16xf32, #tpu.memory_space<vmem>>
      %dma_start3A_382 = tpu.memref_squeeze %dma_start3A_381 : memref<1x112x16xf32, #tpu.memory_space<vmem>> -> memref<112x16xf32, #tpu.memory_space<vmem>>
      tpu.enqueue_dma source(%dma_start3A_382 : memref<112x16xf32, #tpu.memory_space<vmem>>) target(%dma_start3A_378 : memref<112x16xf32, #tpu.memory_space<vmem_shared>>) target_semaphore(%run_scoped3A_370 : memref<!tpu.dma_semaphore, #tpu.memory_space<semaphore_mem>>)
      %dma_wait3A_383 = arith.constant 0 : i32
      %dma_wait3A_384 = arith.constant 0 : i32
      %dma_wait3A_385 = tpu.memref_slice %arg14[%run_scoped3A_6, %dma_wait3A_383, %dma_wait3A_384] : memref<2x128x16xf32, #tpu.memory_space<vmem>> -> memref<1x112x16xf32, #tpu.memory_space<vmem>>
      %dma_wait3A_386 = tpu.memref_squeeze %dma_wait3A_385 : memref<1x112x16xf32, #tpu.memory_space<vmem>> -> memref<112x16xf32, #tpu.memory_space<vmem>>
      %dma_wait3A_387 = arith.constant 0 : i32
      %dma_wait3A_388 = tpu.memref_slice %arg17[%add3A_5, %dma_wait3A_387] : memref<12544x16xf32, #tpu.memory_space<vmem_shared>> -> memref<112x16xf32, #tpu.memory_space<vmem_shared>>
      %dma_wait3A_389 = arith.constant 0 : i32
      %dma_wait3A_390 = tpu.memref_slice %arg17[%add3A_5, %dma_wait3A_389] : memref<12544x16xf32, #tpu.memory_space<vmem_shared>> -> memref<112x16xf32, #tpu.memory_space<vmem_shared>>
      %dma_wait3A_391 = arith.constant 0 : i32
      %dma_wait3A_392 = arith.constant 0 : i32
      %dma_wait3A_393 = tpu.memref_slice %arg14[%run_scoped3A_6, %dma_wait3A_391, %dma_wait3A_392] : memref<2x128x16xf32, #tpu.memory_space<vmem>> -> memref<1x112x16xf32, #tpu.memory_space<vmem>>
      %dma_wait3A_394 = tpu.memref_squeeze %dma_wait3A_393 : memref<1x112x16xf32, #tpu.memory_space<vmem>> -> memref<112x16xf32, #tpu.memory_space<vmem>>
      tpu.wait_dma2 semaphore(%run_scoped3A_370 : memref<!tpu.dma_semaphore, #tpu.memory_space<semaphore_mem>>) src(%dma_wait3A_394 : memref<112x16xf32, #tpu.memory_space<vmem>>) dst(%dma_wait3A_390 : memref<112x16xf32, #tpu.memory_space<vmem_shared>>)
      tpu.yield
    }) : () -> ()
    %mul3A_7 = arith.constant 784 : i32
    %mul3A_8 = arith.muli %arg1, %mul3A_7 : i32
    %add3A_9 = arith.constant 112 : i32
    %add3A_10 = arith.addi %mul3A_8, %add3A_9 : i32
    %run_scoped3A_11 = arith.constant 0 : i32
    "tpu.region"() ({
      %run_scoped3A_370 = tpu.sem_alloc : memref<!tpu.dma_semaphore, #tpu.memory_space<semaphore_mem>>
      %dma_start3A_371 = arith.constant 0 : i32
      %dma_start3A_372 = arith.constant 0 : i32
      %dma_start3A_373 = tpu.memref_slice %arg14[%run_scoped3A_11, %dma_start3A_371, %dma_start3A_372] : memref<2x128x16xf32, #tpu.memory_space<vmem>> -> memref<1x112x16xf32, #tpu.memory_space<vmem>>
      %dma_start3A_374 = tpu.memref_squeeze %dma_start3A_373 : memref<1x112x16xf32, #tpu.memory_space<vmem>> -> memref<112x16xf32, #tpu.memory_space<vmem>>
      %dma_start3A_375 = arith.constant 0 : i32
      %dma_start3A_376 = tpu.memref_slice %arg17[%add3A_10, %dma_start3A_375] : memref<12544x16xf32, #tpu.memory_space<vmem_shared>> -> memref<112x16xf32, #tpu.memory_space<vmem_shared>>
      %dma_start3A_377 = arith.constant 0 : i32
      %dma_start3A_378 = tpu.memref_slice %arg17[%add3A_10, %dma_start3A_377] : memref<12544x16xf32, #tpu.memory_space<vmem_shared>> -> memref<112x16xf32, #tpu.memory_space<vmem_shared>>
      %dma_start3A_379 = arith.constant 0 : i32
      %dma_start3A_380 = arith.constant 0 : i32
      %dma_start3A_381 = tpu.memref_slice %arg14[%run_scoped3A_11, %dma_start3A_379, %dma_start3A_380] : memref<2x128x16xf32, #tpu.memory_space<vmem>> -> memref<1x112x16xf32, #tpu.memory_space<vmem>>
      %dma_start3A_382 = tpu.memref_squeeze %dma_start3A_381 : memref<1x112x16xf32, #tpu.memory_space<vmem>> -> memref<112x16xf32, #tpu.memory_space<vmem>>
      tpu.enqueue_dma source(%dma_start3A_382 : memref<112x16xf32, #tpu.memory_space<vmem>>) target(%dma_start3A_378 : memref<112x16xf32, #tpu.memory_space<vmem_shared>>) target_semaphore(%run_scoped3A_370 : memref<!tpu.dma_semaphore, #tpu.memory_space<semaphore_mem>>)
      %dma_wait3A_383 = arith.constant 0 : i32
      %dma_wait3A_384 = arith.constant 0 : i32
      %dma_wait3A_385 = tpu.memref_slice %arg14[%run_scoped3A_11, %dma_wait3A_383, %dma_wait3A_384] : memref<2x128x16xf32, #tpu.memory_space<vmem>> -> memref<1x112x16xf32, #tpu.memory_space<vmem>>
      %dma_wait3A_386 = tpu.memref_squeeze %dma_wait3A_385 : memref<1x112x16xf32, #tpu.memory_space<vmem>> -> memref<112x16xf32, #tpu.memory_space<vmem>>
      %dma_wait3A_387 = arith.constant 0 : i32
      %dma_wait3A_388 = tpu.memref_slice %arg17[%add3A_10, %dma_wait3A_387] : memref<12544x16xf32, #tpu.memory_space<vmem_shared>> -> memref<112x16xf32, #tpu.memory_space<vmem_shared>>
      %dma_wait3A_389 = arith.constant 0 : i32
      %dma_wait3A_390 = tpu.memref_slice %arg17[%add3A_10, %dma_wait3A_389] : memref<12544x16xf32, #tpu.memory_space<vmem_shared>> -> memref<112x16xf32, #tpu.memory_space<vmem_shared>>
      %dma_wait3A_391 = arith.constant 0 : i32
      %dma_wait3A_392 = arith.constant 0 : i32
      %dma_wait3A_393 = tpu.memref_slice %arg14[%run_scoped3A_11, %dma_wait3A_391, %dma_wait3A_392] : memref<2x128x16xf32, #tpu.memory_space<vmem>> -> memref<1x112x16xf32, #tpu.memory_space<vmem>>
      %dma_wait3A_394 = tpu.memref_squeeze %dma_wait3A_393 : memref<1x112x16xf32, #tpu.memory_space<vmem>> -> memref<112x16xf32, #tpu.memory_space<vmem>>
      tpu.wait_dma2 semaphore(%run_scoped3A_370 : memref<!tpu.dma_semaphore, #tpu.memory_space<semaphore_mem>>) src(%dma_wait3A_394 : memref<112x16xf32, #tpu.memory_space<vmem>>) dst(%dma_wait3A_390 : memref<112x16xf32, #tpu.memory_space<vmem_shared>>)
      tpu.yield
    }) : () -> ()
    %mul3A_12 = arith.constant 784 : i32
    %mul3A_13 = arith.muli %arg1, %mul3A_12 : i32
    %add3A_14 = arith.constant 224 : i32
    %add3A_15 = arith.addi %mul3A_13, %add3A_14 : i32
    %run_scoped3A_16 = arith.constant 0 : i32
    "tpu.region"() ({
      %run_scoped3A_370 = tpu.sem_alloc : memref<!tpu.dma_semaphore, #tpu.memory_space<semaphore_mem>>
      %dma_start3A_371 = arith.constant 0 : i32
      %dma_start3A_372 = arith.constant 0 : i32
      %dma_start3A_373 = tpu.memref_slice %arg14[%run_scoped3A_16, %dma_start3A_371, %dma_start3A_372] : memref<2x128x16xf32, #tpu.memory_space<vmem>> -> memref<1x112x16xf32, #tpu.memory_space<vmem>>
      %dma_start3A_374 = tpu.memref_squeeze %dma_start3A_373 : memref<1x112x16xf32, #tpu.memory_space<vmem>> -> memref<112x16xf32, #tpu.memory_space<vmem>>
      %dma_start3A_375 = arith.constant 0 : i32
      %dma_start3A_376 = tpu.memref_slice %arg17[%add3A_15, %dma_start3A_375] : memref<12544x16xf32, #tpu.memory_space<vmem_shared>> -> memref<112x16xf32, #tpu.memory_space<vmem_shared>>
      %dma_start3A_377 = arith.constant 0 : i32
      %dma_start3A_378 = tpu.memref_slice %arg17[%add3A_15, %dma_start3A_377] : memref<12544x16xf32, #tpu.memory_space<vmem_shared>> -> memref<112x16xf32, #tpu.memory_space<vmem_shared>>
      %dma_start3A_379 = arith.constant 0 : i32
      %dma_start3A_380 = arith.constant 0 : i32
      %dma_start3A_381 = tpu.memref_slice %arg14[%run_scoped3A_16, %dma_start3A_379, %dma_start3A_380] : memref<2x128x16xf32, #tpu.memory_space<vmem>> -> memref<1x112x16xf32, #tpu.memory_space<vmem>>
      %dma_start3A_382 = tpu.memref_squeeze %dma_start3A_381 : memref<1x112x16xf32, #tpu.memory_space<vmem>> -> memref<112x16xf32, #tpu.memory_space<vmem>>
      tpu.enqueue_dma source(%dma_start3A_382 : memref<112x16xf32, #tpu.memory_space<vmem>>) target(%dma_start3A_378 : memref<112x16xf32, #tpu.memory_space<vmem_shared>>) target_semaphore(%run_scoped3A_370 : memref<!tpu.dma_semaphore, #tpu.memory_space<semaphore_mem>>)
      %dma_wait3A_383 = arith.constant 0 : i32
      %dma_wait3A_384 = arith.constant 0 : i32
      %dma_wait3A_385 = tpu.memref_slice %arg14[%run_scoped3A_16, %dma_wait3A_383, %dma_wait3A_384] : memref<2x128x16xf32, #tpu.memory_space<vmem>> -> memref<1x112x16xf32, #tpu.memory_space<vmem>>
      %dma_wait3A_386 = tpu.memref_squeeze %dma_wait3A_385 : memref<1x112x16xf32, #tpu.memory_space<vmem>> -> memref<112x16xf32, #tpu.memory_space<vmem>>
      %dma_wait3A_387 = arith.constant 0 : i32
      %dma_wait3A_388 = tpu.memref_slice %arg17[%add3A_15, %dma_wait3A_387] : memref<12544x16xf32, #tpu.memory_space<vmem_shared>> -> memref<112x16xf32, #tpu.memory_space<vmem_shared>>
      %dma_wait3A_389 = arith.constant 0 : i32
      %dma_wait3A_390 = tpu.memref_slice %arg17[%add3A_15, %dma_wait3A_389] : memref<12544x16xf32, #tpu.memory_space<vmem_shared>> -> memref<112x16xf32, #tpu.memory_space<vmem_shared>>
      %dma_wait3A_391 = arith.constant 0 : i32
      %dma_wait3A_392 = arith.constant 0 : i32
      %dma_wait3A_393 = tpu.memref_slice %arg14[%run_scoped3A_16, %dma_wait3A_391, %dma_wait3A_392] : memref<2x128x16xf32, #tpu.memory_space<vmem>> -> memref<1x112x16xf32, #tpu.memory_space<vmem>>
      %dma_wait3A_394 = tpu.memref_squeeze %dma_wait3A_393 : memref<1x112x16xf32, #tpu.memory_space<vmem>> -> memref<112x16xf32, #tpu.memory_space<vmem>>
      tpu.wait_dma2 semaphore(%run_scoped3A_370 : memref<!tpu.dma_semaphore, #tpu.memory_space<semaphore_mem>>) src(%dma_wait3A_394 : memref<112x16xf32, #tpu.memory_space<vmem>>) dst(%dma_wait3A_390 : memref<112x16xf32, #tpu.memory_space<vmem_shared>>)
      tpu.yield
    }) : () -> ()
    %mul3A_17 = arith.constant 784 : i32
    %mul3A_18 = arith.muli %arg1, %mul3A_17 : i32
    %add3A_19 = arith.constant 336 : i32
    %add3A_20 = arith.addi %mul3A_18, %add3A_19 : i32
    %run_scoped3A_21 = arith.constant 0 : i32
    "tpu.region"() ({
      %run_scoped3A_370 = tpu.sem_alloc : memref<!tpu.dma_semaphore, #tpu.memory_space<semaphore_mem>>
      %dma_start3A_371 = arith.constant 0 : i32
      %dma_start3A_372 = arith.constant 0 : i32
      %dma_start3A_373 = tpu.memref_slice %arg14[%run_scoped3A_21, %dma_start3A_371, %dma_start3A_372] : memref<2x128x16xf32, #tpu.memory_space<vmem>> -> memref<1x112x16xf32, #tpu.memory_space<vmem>>
      %dma_start3A_374 = tpu.memref_squeeze %dma_start3A_373 : memref<1x112x16xf32, #tpu.memory_space<vmem>> -> memref<112x16xf32, #tpu.memory_space<vmem>>
      %dma_start3A_375 = arith.constant 0 : i32
      %dma_start3A_376 = tpu.memref_slice %arg17[%add3A_20, %dma_start3A_375] : memref<12544x16xf32, #tpu.memory_space<vmem_shared>> -> memref<112x16xf32, #tpu.memory_space<vmem_shared>>
      %dma_start3A_377 = arith.constant 0 : i32
      %dma_start3A_378 = tpu.memref_slice %arg17[%add3A_20, %dma_start3A_377] : memref<12544x16xf32, #tpu.memory_space<vmem_shared>> -> memref<112x16xf32, #tpu.memory_space<vmem_shared>>
      %dma_start3A_379 = arith.constant 0 : i32
      %dma_start3A_380 = arith.constant 0 : i32
      %dma_start3A_381 = tpu.memref_slice %arg14[%run_scoped3A_21, %dma_start3A_379, %dma_start3A_380] : memref<2x128x16xf32, #tpu.memory_space<vmem>> -> memref<1x112x16xf32, #tpu.memory_space<vmem>>
      %dma_start3A_382 = tpu.memref_squeeze %dma_start3A_381 : memref<1x112x16xf32, #tpu.memory_space<vmem>> -> memref<112x16xf32, #tpu.memory_space<vmem>>
      tpu.enqueue_dma source(%dma_start3A_382 : memref<112x16xf32, #tpu.memory_space<vmem>>) target(%dma_start3A_378 : memref<112x16xf32, #tpu.memory_space<vmem_shared>>) target_semaphore(%run_scoped3A_370 : memref<!tpu.dma_semaphore, #tpu.memory_space<semaphore_mem>>)
      %dma_wait3A_383 = arith.constant 0 : i32
      %dma_wait3A_384 = arith.constant 0 : i32
      %dma_wait3A_385 = tpu.memref_slice %arg14[%run_scoped3A_21, %dma_wait3A_383, %dma_wait3A_384] : memref<2x128x16xf32, #tpu.memory_space<vmem>> -> memref<1x112x16xf32, #tpu.memory_space<vmem>>
      %dma_wait3A_386 = tpu.memref_squeeze %dma_wait3A_385 : memref<1x112x16xf32, #tpu.memory_space<vmem>> -> memref<112x16xf32, #tpu.memory_space<vmem>>
      %dma_wait3A_387 = arith.constant 0 : i32
      %dma_wait3A_388 = tpu.memref_slice %arg17[%add3A_20, %dma_wait3A_387] : memref<12544x16xf32, #tpu.memory_space<vmem_shared>> -> memref<112x16xf32, #tpu.memory_space<vmem_shared>>
      %dma_wait3A_389 = arith.constant 0 : i32
      %dma_wait3A_390 = tpu.memref_slice %arg17[%add3A_20, %dma_wait3A_389] : memref<12544x16xf32, #tpu.memory_space<vmem_shared>> -> memref<112x16xf32, #tpu.memory_space<vmem_shared>>
      %dma_wait3A_391 = arith.constant 0 : i32
      %dma_wait3A_392 = arith.constant 0 : i32
      %dma_wait3A_393 = tpu.memref_slice %arg14[%run_scoped3A_21, %dma_wait3A_391, %dma_wait3A_392] : memref<2x128x16xf32, #tpu.memory_space<vmem>> -> memref<1x112x16xf32, #tpu.memory_space<vmem>>
      %dma_wait3A_394 = tpu.memref_squeeze %dma_wait3A_393 : memref<1x112x16xf32, #tpu.memory_space<vmem>> -> memref<112x16xf32, #tpu.memory_space<vmem>>
      tpu.wait_dma2 semaphore(%run_scoped3A_370 : memref<!tpu.dma_semaphore, #tpu.memory_space<semaphore_mem>>) src(%dma_wait3A_394 : memref<112x16xf32, #tpu.memory_space<vmem>>) dst(%dma_wait3A_390 : memref<112x16xf32, #tpu.memory_space<vmem_shared>>)
      tpu.yield
    }) : () -> ()
    %mul3A_22 = arith.constant 784 : i32
    %mul3A_23 = arith.muli %arg1, %mul3A_22 : i32
    %add3A_24 = arith.constant 448 : i32
    %add3A_25 = arith.addi %mul3A_23, %add3A_24 : i32
    %run_scoped3A_26 = arith.constant 0 : i32
    "tpu.region"() ({
      %run_scoped3A_370 = tpu.sem_alloc : memref<!tpu.dma_semaphore, #tpu.memory_space<semaphore_mem>>
      %dma_start3A_371 = arith.constant 0 : i32
      %dma_start3A_372 = arith.constant 0 : i32
      %dma_start3A_373 = tpu.memref_slice %arg14[%run_scoped3A_26, %dma_start3A_371, %dma_start3A_372] : memref<2x128x16xf32, #tpu.memory_space<vmem>> -> memref<1x112x16xf32, #tpu.memory_space<vmem>>
      %dma_start3A_374 = tpu.memref_squeeze %dma_start3A_373 : memref<1x112x16xf32, #tpu.memory_space<vmem>> -> memref<112x16xf32, #tpu.memory_space<vmem>>
      %dma_start3A_375 = arith.constant 0 : i32
      %dma_start3A_376 = tpu.memref_slice %arg17[%add3A_25, %dma_start3A_375] : memref<12544x16xf32, #tpu.memory_space<vmem_shared>> -> memref<112x16xf32, #tpu.memory_space<vmem_shared>>
      %dma_start3A_377 = arith.constant 0 : i32
      %dma_start3A_378 = tpu.memref_slice %arg17[%add3A_25, %dma_start3A_377] : memref<12544x16xf32, #tpu.memory_space<vmem_shared>> -> memref<112x16xf32, #tpu.memory_space<vmem_shared>>
      %dma_start3A_379 = arith.constant 0 : i32
      %dma_start3A_380 = arith.constant 0 : i32
      %dma_start3A_381 = tpu.memref_slice %arg14[%run_scoped3A_26, %dma_start3A_379, %dma_start3A_380] : memref<2x128x16xf32, #tpu.memory_space<vmem>> -> memref<1x112x16xf32, #tpu.memory_space<vmem>>
      %dma_start3A_382 = tpu.memref_squeeze %dma_start3A_381 : memref<1x112x16xf32, #tpu.memory_space<vmem>> -> memref<112x16xf32, #tpu.memory_space<vmem>>
      tpu.enqueue_dma source(%dma_start3A_382 : memref<112x16xf32, #tpu.memory_space<vmem>>) target(%dma_start3A_378 : memref<112x16xf32, #tpu.memory_space<vmem_shared>>) target_semaphore(%run_scoped3A_370 : memref<!tpu.dma_semaphore, #tpu.memory_space<semaphore_mem>>)
      %dma_wait3A_383 = arith.constant 0 : i32
      %dma_wait3A_384 = arith.constant 0 : i32
      %dma_wait3A_385 = tpu.memref_slice %arg14[%run_scoped3A_26, %dma_wait3A_383, %dma_wait3A_384] : memref<2x128x16xf32, #tpu.memory_space<vmem>> -> memref<1x112x16xf32, #tpu.memory_space<vmem>>
      %dma_wait3A_386 = tpu.memref_squeeze %dma_wait3A_385 : memref<1x112x16xf32, #tpu.memory_space<vmem>> -> memref<112x16xf32, #tpu.memory_space<vmem>>
      %dma_wait3A_387 = arith.constant 0 : i32
      %dma_wait3A_388 = tpu.memref_slice %arg17[%add3A_25, %dma_wait3A_387] : memref<12544x16xf32, #tpu.memory_space<vmem_shared>> -> memref<112x16xf32, #tpu.memory_space<vmem_shared>>
      %dma_wait3A_389 = arith.constant 0 : i32
      %dma_wait3A_390 = tpu.memref_slice %arg17[%add3A_25, %dma_wait3A_389] : memref<12544x16xf32, #tpu.memory_space<vmem_shared>> -> memref<112x16xf32, #tpu.memory_space<vmem_shared>>
      %dma_wait3A_391 = arith.constant 0 : i32
      %dma_wait3A_392 = arith.constant 0 : i32
      %dma_wait3A_393 = tpu.memref_slice %arg14[%run_scoped3A_26, %dma_wait3A_391, %dma_wait3A_392] : memref<2x128x16xf32, #tpu.memory_space<vmem>> -> memref<1x112x16xf32, #tpu.memory_space<vmem>>
      %dma_wait3A_394 = tpu.memref_squeeze %dma_wait3A_393 : memref<1x112x16xf32, #tpu.memory_space<vmem>> -> memref<112x16xf32, #tpu.memory_space<vmem>>
      tpu.wait_dma2 semaphore(%run_scoped3A_370 : memref<!tpu.dma_semaphore, #tpu.memory_space<semaphore_mem>>) src(%dma_wait3A_394 : memref<112x16xf32, #tpu.memory_space<vmem>>) dst(%dma_wait3A_390 : memref<112x16xf32, #tpu.memory_space<vmem_shared>>)
      tpu.yield
    }) : () -> ()
    %mul3A_27 = arith.constant 784 : i32
    %mul3A_28 = arith.muli %arg1, %mul3A_27 : i32
    %add3A_29 = arith.constant 560 : i32
    %add3A_30 = arith.addi %mul3A_28, %add3A_29 : i32
    %run_scoped3A_31 = arith.constant 0 : i32
    "tpu.region"() ({
      %run_scoped3A_370 = tpu.sem_alloc : memref<!tpu.dma_semaphore, #tpu.memory_space<semaphore_mem>>
      %dma_start3A_371 = arith.constant 0 : i32
      %dma_start3A_372 = arith.constant 0 : i32
      %dma_start3A_373 = tpu.memref_slice %arg14[%run_scoped3A_31, %dma_start3A_371, %dma_start3A_372] : memref<2x128x16xf32, #tpu.memory_space<vmem>> -> memref<1x112x16xf32, #tpu.memory_space<vmem>>
      %dma_start3A_374 = tpu.memref_squeeze %dma_start3A_373 : memref<1x112x16xf32, #tpu.memory_space<vmem>> -> memref<112x16xf32, #tpu.memory_space<vmem>>
      %dma_start3A_375 = arith.constant 0 : i32
      %dma_start3A_376 = tpu.memref_slice %arg17[%add3A_30, %dma_start3A_375] : memref<12544x16xf32, #tpu.memory_space<vmem_shared>> -> memref<112x16xf32, #tpu.memory_space<vmem_shared>>
      %dma_start3A_377 = arith.constant 0 : i32
      %dma_start3A_378 = tpu.memref_slice %arg17[%add3A_30, %dma_start3A_377] : memref<12544x16xf32, #tpu.memory_space<vmem_shared>> -> memref<112x16xf32, #tpu.memory_space<vmem_shared>>
      %dma_start3A_379 = arith.constant 0 : i32
      %dma_start3A_380 = arith.constant 0 : i32
      %dma_start3A_381 = tpu.memref_slice %arg14[%run_scoped3A_31, %dma_start3A_379, %dma_start3A_380] : memref<2x128x16xf32, #tpu.memory_space<vmem>> -> memref<1x112x16xf32, #tpu.memory_space<vmem>>
      %dma_start3A_382 = tpu.memref_squeeze %dma_start3A_381 : memref<1x112x16xf32, #tpu.memory_space<vmem>> -> memref<112x16xf32, #tpu.memory_space<vmem>>
      tpu.enqueue_dma source(%dma_start3A_382 : memref<112x16xf32, #tpu.memory_space<vmem>>) target(%dma_start3A_378 : memref<112x16xf32, #tpu.memory_space<vmem_shared>>) target_semaphore(%run_scoped3A_370 : memref<!tpu.dma_semaphore, #tpu.memory_space<semaphore_mem>>)
      %dma_wait3A_383 = arith.constant 0 : i32
      %dma_wait3A_384 = arith.constant 0 : i32
      %dma_wait3A_385 = tpu.memref_slice %arg14[%run_scoped3A_31, %dma_wait3A_383, %dma_wait3A_384] : memref<2x128x16xf32, #tpu.memory_space<vmem>> -> memref<1x112x16xf32, #tpu.memory_space<vmem>>
      %dma_wait3A_386 = tpu.memref_squeeze %dma_wait3A_385 : memref<1x112x16xf32, #tpu.memory_space<vmem>> -> memref<112x16xf32, #tpu.memory_space<vmem>>
      %dma_wait3A_387 = arith.constant 0 : i32
      %dma_wait3A_388 = tpu.memref_slice %arg17[%add3A_30, %dma_wait3A_387] : memref<12544x16xf32, #tpu.memory_space<vmem_shared>> -> memref<112x16xf32, #tpu.memory_space<vmem_shared>>
      %dma_wait3A_389 = arith.constant 0 : i32
      %dma_wait3A_390 = tpu.memref_slice %arg17[%add3A_30, %dma_wait3A_389] : memref<12544x16xf32, #tpu.memory_space<vmem_shared>> -> memref<112x16xf32, #tpu.memory_space<vmem_shared>>
      %dma_wait3A_391 = arith.constant 0 : i32
      %dma_wait3A_392 = arith.constant 0 : i32
      %dma_wait3A_393 = tpu.memref_slice %arg14[%run_scoped3A_31, %dma_wait3A_391, %dma_wait3A_392] : memref<2x128x16xf32, #tpu.memory_space<vmem>> -> memref<1x112x16xf32, #tpu.memory_space<vmem>>
      %dma_wait3A_394 = tpu.memref_squeeze %dma_wait3A_393 : memref<1x112x16xf32, #tpu.memory_space<vmem>> -> memref<112x16xf32, #tpu.memory_space<vmem>>
      tpu.wait_dma2 semaphore(%run_scoped3A_370 : memref<!tpu.dma_semaphore, #tpu.memory_space<semaphore_mem>>) src(%dma_wait3A_394 : memref<112x16xf32, #tpu.memory_space<vmem>>) dst(%dma_wait3A_390 : memref<112x16xf32, #tpu.memory_space<vmem_shared>>)
      tpu.yield
    }) : () -> ()
    %mul3A_32 = arith.constant 784 : i32
    %mul3A_33 = arith.muli %arg1, %mul3A_32 : i32
    %add3A_34 = arith.constant 672 : i32
    %add3A_35 = arith.addi %mul3A_33, %add3A_34 : i32
    %run_scoped3A_36 = arith.constant 0 : i32
    "tpu.region"() ({
      %run_scoped3A_370 = tpu.sem_alloc : memref<!tpu.dma_semaphore, #tpu.memory_space<semaphore_mem>>
      %dma_start3A_371 = arith.constant 0 : i32
      %dma_start3A_372 = arith.constant 0 : i32
      %dma_start3A_373 = tpu.memref_slice %arg14[%run_scoped3A_36, %dma_start3A_371, %dma_start3A_372] : memref<2x128x16xf32, #tpu.memory_space<vmem>> -> memref<1x112x16xf32, #tpu.memory_space<vmem>>
      %dma_start3A_374 = tpu.memref_squeeze %dma_start3A_373 : memref<1x112x16xf32, #tpu.memory_space<vmem>> -> memref<112x16xf32, #tpu.memory_space<vmem>>
      %dma_start3A_375 = arith.constant 0 : i32
      %dma_start3A_376 = tpu.memref_slice %arg17[%add3A_35, %dma_start3A_375] : memref<12544x16xf32, #tpu.memory_space<vmem_shared>> -> memref<112x16xf32, #tpu.memory_space<vmem_shared>>
      %dma_start3A_377 = arith.constant 0 : i32
      %dma_start3A_378 = tpu.memref_slice %arg17[%add3A_35, %dma_start3A_377] : memref<12544x16xf32, #tpu.memory_space<vmem_shared>> -> memref<112x16xf32, #tpu.memory_space<vmem_shared>>
      %dma_start3A_379 = arith.constant 0 : i32
      %dma_start3A_380 = arith.constant 0 : i32
      %dma_start3A_381 = tpu.memref_slice %arg14[%run_scoped3A_36, %dma_start3A_379, %dma_start3A_380] : memref<2x128x16xf32, #tpu.memory_space<vmem>> -> memref<1x112x16xf32, #tpu.memory_space<vmem>>
      %dma_start3A_382 = tpu.memref_squeeze %dma_start3A_381 : memref<1x112x16xf32, #tpu.memory_space<vmem>> -> memref<112x16xf32, #tpu.memory_space<vmem>>
      tpu.enqueue_dma source(%dma_start3A_382 : memref<112x16xf32, #tpu.memory_space<vmem>>) target(%dma_start3A_378 : memref<112x16xf32, #tpu.memory_space<vmem_shared>>) target_semaphore(%run_scoped3A_370 : memref<!tpu.dma_semaphore, #tpu.memory_space<semaphore_mem>>)
      %dma_wait3A_383 = arith.constant 0 : i32
      %dma_wait3A_384 = arith.constant 0 : i32
      %dma_wait3A_385 = tpu.memref_slice %arg14[%run_scoped3A_36, %dma_wait3A_383, %dma_wait3A_384] : memref<2x128x16xf32, #tpu.memory_space<vmem>> -> memref<1x112x16xf32, #tpu.memory_space<vmem>>
      %dma_wait3A_386 = tpu.memref_squeeze %dma_wait3A_385 : memref<1x112x16xf32, #tpu.memory_space<vmem>> -> memref<112x16xf32, #tpu.memory_space<vmem>>
      %dma_wait3A_387 = arith.constant 0 : i32
      %dma_wait3A_388 = tpu.memref_slice %arg17[%add3A_35, %dma_wait3A_387] : memref<12544x16xf32, #tpu.memory_space<vmem_shared>> -> memref<112x16xf32, #tpu.memory_space<vmem_shared>>
      %dma_wait3A_389 = arith.constant 0 : i32
      %dma_wait3A_390 = tpu.memref_slice %arg17[%add3A_35, %dma_wait3A_389] : memref<12544x16xf32, #tpu.memory_space<vmem_shared>> -> memref<112x16xf32, #tpu.memory_space<vmem_shared>>
      %dma_wait3A_391 = arith.constant 0 : i32
      %dma_wait3A_392 = arith.constant 0 : i32
      %dma_wait3A_393 = tpu.memref_slice %arg14[%run_scoped3A_36, %dma_wait3A_391, %dma_wait3A_392] : memref<2x128x16xf32, #tpu.memory_space<vmem>> -> memref<1x112x16xf32, #tpu.memory_space<vmem>>
      %dma_wait3A_394 = tpu.memref_squeeze %dma_wait3A_393 : memref<1x112x16xf32, #tpu.memory_space<vmem>> -> memref<112x16xf32, #tpu.memory_space<vmem>>
      tpu.wait_dma2 semaphore(%run_scoped3A_370 : memref<!tpu.dma_semaphore, #tpu.memory_space<semaphore_mem>>) src(%dma_wait3A_394 : memref<112x16xf32, #tpu.memory_space<vmem>>) dst(%dma_wait3A_390 : memref<112x16xf32, #tpu.memory_space<vmem_shared>>)
      tpu.yield
    }) : () -> ()
    %barrier3A = arith.constant 0 : index
    tpu.barrier barrier_id(%barrier3A)
    %get3A = arith.constant 0 : index
    %get3A_37 = tpu.vector_load %arg15[%get3A] {strides = array<i32>} : memref<16xf32, #tpu.memory_space<vmem>>, vector<16xf32>,
    %mul3A_38 = arith.constant 25088 : i32
    %mul3A_39 = arith.muli %add3A, %mul3A_38 : i32
    %add3A_40 = arith.constant 0 : i32
    %add3A_41 = arith.addi %mul3A_39, %add3A_40 : i32
    %dma_start3A = arith.constant 0 : i32
    %dma_start3A_42 = arith.constant 0 : i32
    %dma_start3A_43 = arith.constant 0 : i32
    %dma_start3A_44 = tpu.memref_slice %arg9[%dma_start3A, %dma_start3A_43] : memref<4x128xi32, #tpu.memory_space<vmem>> -> memref<1x128xi32, #tpu.memory_space<vmem>>
    %dma_start3A_45 = tpu.memref_squeeze %dma_start3A_44 : memref<1x128xi32, #tpu.memory_space<vmem>> -> memref<128xi32, #tpu.memory_space<vmem>>
    %dma_start3A_46 = tpu.memref_slice %arg4[%add3A_41] : memref<802816xi32, #tpu.memory_space<hbm>> -> memref<128xi32, #tpu.memory_space<hbm>>
    %dma_start3A_47 = tpu.memref_slice %arg21[%dma_start3A_42] : memref<4x!tpu.dma_semaphore, #tpu.memory_space<semaphore_mem>> -> memref<1x!tpu.dma_semaphore, #tpu.memory_space<semaphore_mem>>
    %dma_start3A_48 = tpu.memref_squeeze %dma_start3A_47 : memref<1x!tpu.dma_semaphore, #tpu.memory_space<semaphore_mem>> -> memref<!tpu.dma_semaphore, #tpu.memory_space<semaphore_mem>>
    %dma_start3A_49 = arith.constant 0 : i32
    %dma_start3A_50 = tpu.memref_slice %arg9[%dma_start3A, %dma_start3A_49] : memref<4x128xi32, #tpu.memory_space<vmem>> -> memref<1x128xi32, #tpu.memory_space<vmem>>
    %dma_start3A_51 = tpu.memref_squeeze %dma_start3A_50 : memref<1x128xi32, #tpu.memory_space<vmem>> -> memref<128xi32, #tpu.memory_space<vmem>>
    %dma_start3A_52 = tpu.memref_slice %arg4[%add3A_41] : memref<802816xi32, #tpu.memory_space<hbm>> -> memref<128xi32, #tpu.memory_space<hbm>>
    tpu.enqueue_dma source(%dma_start3A_52 : memref<128xi32, #tpu.memory_space<hbm>>) target(%dma_start3A_51 : memref<128xi32, #tpu.memory_space<vmem>>) target_semaphore(%dma_start3A_48 : memref<!tpu.dma_semaphore, #tpu.memory_space<semaphore_mem>>)
    %dma_start3A_53 = arith.constant 0 : i32
    %dma_start3A_54 = arith.constant 0 : i32
    %dma_start3A_55 = arith.constant 0 : i32
    %dma_start3A_56 = tpu.memref_slice %arg10[%dma_start3A_53, %dma_start3A_55] : memref<4x128xi32, #tpu.memory_space<vmem>> -> memref<1x128xi32, #tpu.memory_space<vmem>>
    %dma_start3A_57 = tpu.memref_squeeze %dma_start3A_56 : memref<1x128xi32, #tpu.memory_space<vmem>> -> memref<128xi32, #tpu.memory_space<vmem>>
    %dma_start3A_58 = tpu.memref_slice %arg5[%add3A_41] : memref<802816xi32, #tpu.memory_space<hbm>> -> memref<128xi32, #tpu.memory_space<hbm>>
    %dma_start3A_59 = tpu.memref_slice %arg22[%dma_start3A_54] : memref<4x!tpu.dma_semaphore, #tpu.memory_space<semaphore_mem>> -> memref<1x!tpu.dma_semaphore, #tpu.memory_space<semaphore_mem>>
    %dma_start3A_60 = tpu.memref_squeeze %dma_start3A_59 : memref<1x!tpu.dma_semaphore, #tpu.memory_space<semaphore_mem>> -> memref<!tpu.dma_semaphore, #tpu.memory_space<semaphore_mem>>
    %dma_start3A_61 = arith.constant 0 : i32
    %dma_start3A_62 = tpu.memref_slice %arg10[%dma_start3A_53, %dma_start3A_61] : memref<4x128xi32, #tpu.memory_space<vmem>> -> memref<1x128xi32, #tpu.memory_space<vmem>>
    %dma_start3A_63 = tpu.memref_squeeze %dma_start3A_62 : memref<1x128xi32, #tpu.memory_space<vmem>> -> memref<128xi32, #tpu.memory_space<vmem>>
    %dma_start3A_64 = tpu.memref_slice %arg5[%add3A_41] : memref<802816xi32, #tpu.memory_space<hbm>> -> memref<128xi32, #tpu.memory_space<hbm>>
    tpu.enqueue_dma source(%dma_start3A_64 : memref<128xi32, #tpu.memory_space<hbm>>) target(%dma_start3A_63 : memref<128xi32, #tpu.memory_space<vmem>>) target_semaphore(%dma_start3A_60 : memref<!tpu.dma_semaphore, #tpu.memory_space<semaphore_mem>>)
    %mul3A_65 = arith.constant 25088 : i32
    %mul3A_66 = arith.muli %add3A, %mul3A_65 : i32
    %add3A_67 = arith.constant 128 : i32
    %add3A_68 = arith.addi %mul3A_66, %add3A_67 : i32
    %dma_start3A_69 = arith.constant 1 : i32
    %dma_start3A_70 = arith.constant 1 : i32
    %dma_start3A_71 = arith.constant 0 : i32
    %dma_start3A_72 = tpu.memref_slice %arg9[%dma_start3A_69, %dma_start3A_71] : memref<4x128xi32, #tpu.memory_space<vmem>> -> memref<1x128xi32, #tpu.memory_space<vmem>>
    %dma_start3A_73 = tpu.memref_squeeze %dma_start3A_72 : memref<1x128xi32, #tpu.memory_space<vmem>> -> memref<128xi32, #tpu.memory_space<vmem>>
    %dma_start3A_74 = tpu.memref_slice %arg4[%add3A_68] : memref<802816xi32, #tpu.memory_space<hbm>> -> memref<128xi32, #tpu.memory_space<hbm>>
    %dma_start3A_75 = tpu.memref_slice %arg21[%dma_start3A_70] : memref<4x!tpu.dma_semaphore, #tpu.memory_space<semaphore_mem>> -> memref<1x!tpu.dma_semaphore, #tpu.memory_space<semaphore_mem>>
    %dma_start3A_76 = tpu.memref_squeeze %dma_start3A_75 : memref<1x!tpu.dma_semaphore, #tpu.memory_space<semaphore_mem>> -> memref<!tpu.dma_semaphore, #tpu.memory_space<semaphore_mem>>
    %dma_start3A_77 = arith.constant 0 : i32
    %dma_start3A_78 = tpu.memref_slice %arg9[%dma_start3A_69, %dma_start3A_77] : memref<4x128xi32, #tpu.memory_space<vmem>> -> memref<1x128xi32, #tpu.memory_space<vmem>>
    %dma_start3A_79 = tpu.memref_squeeze %dma_start3A_78 : memref<1x128xi32, #tpu.memory_space<vmem>> -> memref<128xi32, #tpu.memory_space<vmem>>
    %dma_start3A_80 = tpu.memref_slice %arg4[%add3A_68] : memref<802816xi32, #tpu.memory_space<hbm>> -> memref<128xi32, #tpu.memory_space<hbm>>
    tpu.enqueue_dma source(%dma_start3A_80 : memref<128xi32, #tpu.memory_space<hbm>>) target(%dma_start3A_79 : memref<128xi32, #tpu.memory_space<vmem>>) target_semaphore(%dma_start3A_76 : memref<!tpu.dma_semaphore, #tpu.memory_space<semaphore_mem>>)
    %dma_start3A_81 = arith.constant 1 : i32
    %dma_start3A_82 = arith.constant 1 : i32
    %dma_start3A_83 = arith.constant 0 : i32
    %dma_start3A_84 = tpu.memref_slice %arg10[%dma_start3A_81, %dma_start3A_83] : memref<4x128xi32, #tpu.memory_space<vmem>> -> memref<1x128xi32, #tpu.memory_space<vmem>>
    %dma_start3A_85 = tpu.memref_squeeze %dma_start3A_84 : memref<1x128xi32, #tpu.memory_space<vmem>> -> memref<128xi32, #tpu.memory_space<vmem>>
    %dma_start3A_86 = tpu.memref_slice %arg5[%add3A_68] : memref<802816xi32, #tpu.memory_space<hbm>> -> memref<128xi32, #tpu.memory_space<hbm>>
    %dma_start3A_87 = tpu.memref_slice %arg22[%dma_start3A_82] : memref<4x!tpu.dma_semaphore, #tpu.memory_space<semaphore_mem>> -> memref<1x!tpu.dma_semaphore, #tpu.memory_space<semaphore_mem>>
    %dma_start3A_88 = tpu.memref_squeeze %dma_start3A_87 : memref<1x!tpu.dma_semaphore, #tpu.memory_space<semaphore_mem>> -> memref<!tpu.dma_semaphore, #tpu.memory_space<semaphore_mem>>
    %dma_start3A_89 = arith.constant 0 : i32
    %dma_start3A_90 = tpu.memref_slice %arg10[%dma_start3A_81, %dma_start3A_89] : memref<4x128xi32, #tpu.memory_space<vmem>> -> memref<1x128xi32, #tpu.memory_space<vmem>>
    %dma_start3A_91 = tpu.memref_squeeze %dma_start3A_90 : memref<1x128xi32, #tpu.memory_space<vmem>> -> memref<128xi32, #tpu.memory_space<vmem>>
    %dma_start3A_92 = tpu.memref_slice %arg5[%add3A_68] : memref<802816xi32, #tpu.memory_space<hbm>> -> memref<128xi32, #tpu.memory_space<hbm>>
    tpu.enqueue_dma source(%dma_start3A_92 : memref<128xi32, #tpu.memory_space<hbm>>) target(%dma_start3A_91 : memref<128xi32, #tpu.memory_space<vmem>>) target_semaphore(%dma_start3A_88 : memref<!tpu.dma_semaphore, #tpu.memory_space<semaphore_mem>>)
    %mul3A_93 = arith.constant 25088 : i32
    %mul3A_94 = arith.muli %add3A, %mul3A_93 : i32
    %add3A_95 = arith.constant 256 : i32
    %add3A_96 = arith.addi %mul3A_94, %add3A_95 : i32
    %dma_start3A_97 = arith.constant 2 : i32
    %dma_start3A_98 = arith.constant 2 : i32
    %dma_start3A_99 = arith.constant 0 : i32
    %dma_start3A_100 = tpu.memref_slice %arg9[%dma_start3A_97, %dma_start3A_99] : memref<4x128xi32, #tpu.memory_space<vmem>> -> memref<1x128xi32, #tpu.memory_space<vmem>>
    %dma_start3A_101 = tpu.memref_squeeze %dma_start3A_100 : memref<1x128xi32, #tpu.memory_space<vmem>> -> memref<128xi32, #tpu.memory_space<vmem>>
    %dma_start3A_102 = tpu.memref_slice %arg4[%add3A_96] : memref<802816xi32, #tpu.memory_space<hbm>> -> memref<128xi32, #tpu.memory_space<hbm>>
    %dma_start3A_103 = tpu.memref_slice %arg21[%dma_start3A_98] : memref<4x!tpu.dma_semaphore, #tpu.memory_space<semaphore_mem>> -> memref<1x!tpu.dma_semaphore, #tpu.memory_space<semaphore_mem>>
    %dma_start3A_104 = tpu.memref_squeeze %dma_start3A_103 : memref<1x!tpu.dma_semaphore, #tpu.memory_space<semaphore_mem>> -> memref<!tpu.dma_semaphore, #tpu.memory_space<semaphore_mem>>
    %dma_start3A_105 = arith.constant 0 : i32
    %dma_start3A_106 = tpu.memref_slice %arg9[%dma_start3A_97, %dma_start3A_105] : memref<4x128xi32, #tpu.memory_space<vmem>> -> memref<1x128xi32, #tpu.memory_space<vmem>>
    %dma_start3A_107 = tpu.memref_squeeze %dma_start3A_106 : memref<1x128xi32, #tpu.memory_space<vmem>> -> memref<128xi32, #tpu.memory_space<vmem>>
    %dma_start3A_108 = tpu.memref_slice %arg4[%add3A_96] : memref<802816xi32, #tpu.memory_space<hbm>> -> memref<128xi32, #tpu.memory_space<hbm>>
    tpu.enqueue_dma source(%dma_start3A_108 : memref<128xi32, #tpu.memory_space<hbm>>) target(%dma_start3A_107 : memref<128xi32, #tpu.memory_space<vmem>>) target_semaphore(%dma_start3A_104 : memref<!tpu.dma_semaphore, #tpu.memory_space<semaphore_mem>>)
    %dma_start3A_109 = arith.constant 2 : i32
    %dma_start3A_110 = arith.constant 2 : i32
    %dma_start3A_111 = arith.constant 0 : i32
    %dma_start3A_112 = tpu.memref_slice %arg10[%dma_start3A_109, %dma_start3A_111] : memref<4x128xi32, #tpu.memory_space<vmem>> -> memref<1x128xi32, #tpu.memory_space<vmem>>
    %dma_start3A_113 = tpu.memref_squeeze %dma_start3A_112 : memref<1x128xi32, #tpu.memory_space<vmem>> -> memref<128xi32, #tpu.memory_space<vmem>>
    %dma_start3A_114 = tpu.memref_slice %arg5[%add3A_96] : memref<802816xi32, #tpu.memory_space<hbm>> -> memref<128xi32, #tpu.memory_space<hbm>>
    %dma_start3A_115 = tpu.memref_slice %arg22[%dma_start3A_110] : memref<4x!tpu.dma_semaphore, #tpu.memory_space<semaphore_mem>> -> memref<1x!tpu.dma_semaphore, #tpu.memory_space<semaphore_mem>>
    %dma_start3A_116 = tpu.memref_squeeze %dma_start3A_115 : memref<1x!tpu.dma_semaphore, #tpu.memory_space<semaphore_mem>> -> memref<!tpu.dma_semaphore, #tpu.memory_space<semaphore_mem>>
    %dma_start3A_117 = arith.constant 0 : i32
    %dma_start3A_118 = tpu.memref_slice %arg10[%dma_start3A_109, %dma_start3A_117] : memref<4x128xi32, #tpu.memory_space<vmem>> -> memref<1x128xi32, #tpu.memory_space<vmem>>
    %dma_start3A_119 = tpu.memref_squeeze %dma_start3A_118 : memref<1x128xi32, #tpu.memory_space<vmem>> -> memref<128xi32, #tpu.memory_space<vmem>>
    %dma_start3A_120 = tpu.memref_slice %arg5[%add3A_96] : memref<802816xi32, #tpu.memory_space<hbm>> -> memref<128xi32, #tpu.memory_space<hbm>>
    tpu.enqueue_dma source(%dma_start3A_120 : memref<128xi32, #tpu.memory_space<hbm>>) target(%dma_start3A_119 : memref<128xi32, #tpu.memory_space<vmem>>) target_semaphore(%dma_start3A_116 : memref<!tpu.dma_semaphore, #tpu.memory_space<semaphore_mem>>)
    %mul3A_121 = arith.constant 25088 : i32
    %mul3A_122 = arith.muli %add3A, %mul3A_121 : i32
    %add3A_123 = arith.constant 384 : i32
    %add3A_124 = arith.addi %mul3A_122, %add3A_123 : i32
    %dma_start3A_125 = arith.constant 3 : i32
    %dma_start3A_126 = arith.constant 3 : i32
    %dma_start3A_127 = arith.constant 0 : i32
    %dma_start3A_128 = tpu.memref_slice %arg9[%dma_start3A_125, %dma_start3A_127] : memref<4x128xi32, #tpu.memory_space<vmem>> -> memref<1x128xi32, #tpu.memory_space<vmem>>
    %dma_start3A_129 = tpu.memref_squeeze %dma_start3A_128 : memref<1x128xi32, #tpu.memory_space<vmem>> -> memref<128xi32, #tpu.memory_space<vmem>>
    %dma_start3A_130 = tpu.memref_slice %arg4[%add3A_124] : memref<802816xi32, #tpu.memory_space<hbm>> -> memref<128xi32, #tpu.memory_space<hbm>>
    %dma_start3A_131 = tpu.memref_slice %arg21[%dma_start3A_126] : memref<4x!tpu.dma_semaphore, #tpu.memory_space<semaphore_mem>> -> memref<1x!tpu.dma_semaphore, #tpu.memory_space<semaphore_mem>>
    %dma_start3A_132 = tpu.memref_squeeze %dma_start3A_131 : memref<1x!tpu.dma_semaphore, #tpu.memory_space<semaphore_mem>> -> memref<!tpu.dma_semaphore, #tpu.memory_space<semaphore_mem>>
    %dma_start3A_133 = arith.constant 0 : i32
    %dma_start3A_134 = tpu.memref_slice %arg9[%dma_start3A_125, %dma_start3A_133] : memref<4x128xi32, #tpu.memory_space<vmem>> -> memref<1x128xi32, #tpu.memory_space<vmem>>
    %dma_start3A_135 = tpu.memref_squeeze %dma_start3A_134 : memref<1x128xi32, #tpu.memory_space<vmem>> -> memref<128xi32, #tpu.memory_space<vmem>>
    %dma_start3A_136 = tpu.memref_slice %arg4[%add3A_124] : memref<802816xi32, #tpu.memory_space<hbm>> -> memref<128xi32, #tpu.memory_space<hbm>>
    tpu.enqueue_dma source(%dma_start3A_136 : memref<128xi32, #tpu.memory_space<hbm>>) target(%dma_start3A_135 : memref<128xi32, #tpu.memory_space<vmem>>) target_semaphore(%dma_start3A_132 : memref<!tpu.dma_semaphore, #tpu.memory_space<semaphore_mem>>)
    %dma_start3A_137 = arith.constant 3 : i32
    %dma_start3A_138 = arith.constant 3 : i32
    %dma_start3A_139 = arith.constant 0 : i32
    %dma_start3A_140 = tpu.memref_slice %arg10[%dma_start3A_137, %dma_start3A_139] : memref<4x128xi32, #tpu.memory_space<vmem>> -> memref<1x128xi32, #tpu.memory_space<vmem>>
    %dma_start3A_141 = tpu.memref_squeeze %dma_start3A_140 : memref<1x128xi32, #tpu.memory_space<vmem>> -> memref<128xi32, #tpu.memory_space<vmem>>
    %dma_start3A_142 = tpu.memref_slice %arg5[%add3A_124] : memref<802816xi32, #tpu.memory_space<hbm>> -> memref<128xi32, #tpu.memory_space<hbm>>
    %dma_start3A_143 = tpu.memref_slice %arg22[%dma_start3A_138] : memref<4x!tpu.dma_semaphore, #tpu.memory_space<semaphore_mem>> -> memref<1x!tpu.dma_semaphore, #tpu.memory_space<semaphore_mem>>
    %dma_start3A_144 = tpu.memref_squeeze %dma_start3A_143 : memref<1x!tpu.dma_semaphore, #tpu.memory_space<semaphore_mem>> -> memref<!tpu.dma_semaphore, #tpu.memory_space<semaphore_mem>>
    %dma_start3A_145 = arith.constant 0 : i32
    %dma_start3A_146 = tpu.memref_slice %arg10[%dma_start3A_137, %dma_start3A_145] : memref<4x128xi32, #tpu.memory_space<vmem>> -> memref<1x128xi32, #tpu.memory_space<vmem>>
    %dma_start3A_147 = tpu.memref_squeeze %dma_start3A_146 : memref<1x128xi32, #tpu.memory_space<vmem>> -> memref<128xi32, #tpu.memory_space<vmem>>
    %dma_start3A_148 = tpu.memref_slice %arg5[%add3A_124] : memref<802816xi32, #tpu.memory_space<hbm>> -> memref<128xi32, #tpu.memory_space<hbm>>
    tpu.enqueue_dma source(%dma_start3A_148 : memref<128xi32, #tpu.memory_space<hbm>>) target(%dma_start3A_147 : memref<128xi32, #tpu.memory_space<vmem>>) target_semaphore(%dma_start3A_144 : memref<!tpu.dma_semaphore, #tpu.memory_space<semaphore_mem>>)
    %mul3A_149 = arith.constant 25088 : i32
    %mul3A_150 = arith.muli %add3A, %mul3A_149 : i32
    %add3A_151 = arith.constant 0 : i32
    %add3A_152 = arith.addi %mul3A_150, %add3A_151 : i32
    %dma_wait3A = arith.constant 0 : i32
    %dma_wait3A_153 = arith.constant 0 : i32
    %dma_wait3A_154 = arith.constant 0 : i32
    %dma_wait3A_155 = tpu.memref_slice %arg9[%dma_wait3A, %dma_wait3A_154] : memref<4x128xi32, #tpu.memory_space<vmem>> -> memref<1x128xi32, #tpu.memory_space<vmem>>
    %dma_wait3A_156 = tpu.memref_squeeze %dma_wait3A_155 : memref<1x128xi32, #tpu.memory_space<vmem>> -> memref<128xi32, #tpu.memory_space<vmem>>
    %dma_wait3A_157 = tpu.memref_slice %arg4[%add3A_152] : memref<802816xi32, #tpu.memory_space<hbm>> -> memref<128xi32, #tpu.memory_space<hbm>>
    %dma_wait3A_158 = tpu.memref_slice %arg21[%dma_wait3A_153] : memref<4x!tpu.dma_semaphore, #tpu.memory_space<semaphore_mem>> -> memref<1x!tpu.dma_semaphore, #tpu.memory_space<semaphore_mem>>
    %dma_wait3A_159 = tpu.memref_squeeze %dma_wait3A_158 : memref<1x!tpu.dma_semaphore, #tpu.memory_space<semaphore_mem>> -> memref<!tpu.dma_semaphore, #tpu.memory_space<semaphore_mem>>
    %dma_wait3A_160 = arith.constant 0 : i32
    %dma_wait3A_161 = tpu.memref_slice %arg9[%dma_wait3A, %dma_wait3A_160] : memref<4x128xi32, #tpu.memory_space<vmem>> -> memref<1x128xi32, #tpu.memory_space<vmem>>
    %dma_wait3A_162 = tpu.memref_squeeze %dma_wait3A_161 : memref<1x128xi32, #tpu.memory_space<vmem>> -> memref<128xi32, #tpu.memory_space<vmem>>
    %dma_wait3A_163 = tpu.memref_slice %arg4[%add3A_152] : memref<802816xi32, #tpu.memory_space<hbm>> -> memref<128xi32, #tpu.memory_space<hbm>>
    tpu.wait_dma2 semaphore(%dma_wait3A_159 : memref<!tpu.dma_semaphore, #tpu.memory_space<semaphore_mem>>) src(%dma_wait3A_163 : memref<128xi32, #tpu.memory_space<hbm>>) dst(%dma_wait3A_162 : memref<128xi32, #tpu.memory_space<vmem>>)
    %dma_wait3A_164 = arith.constant 0 : i32
    %dma_wait3A_165 = arith.constant 0 : i32
    %dma_wait3A_166 = arith.constant 0 : i32
    %dma_wait3A_167 = tpu.memref_slice %arg10[%dma_wait3A_164, %dma_wait3A_166] : memref<4x128xi32, #tpu.memory_space<vmem>> -> memref<1x128xi32, #tpu.memory_space<vmem>>
    %dma_wait3A_168 = tpu.memref_squeeze %dma_wait3A_167 : memref<1x128xi32, #tpu.memory_space<vmem>> -> memref<128xi32, #tpu.memory_space<vmem>>
    %dma_wait3A_169 = tpu.memref_slice %arg5[%add3A_152] : memref<802816xi32, #tpu.memory_space<hbm>> -> memref<128xi32, #tpu.memory_space<hbm>>
    %dma_wait3A_170 = tpu.memref_slice %arg22[%dma_wait3A_165] : memref<4x!tpu.dma_semaphore, #tpu.memory_space<semaphore_mem>> -> memref<1x!tpu.dma_semaphore, #tpu.memory_space<semaphore_mem>>
    %dma_wait3A_171 = tpu.memref_squeeze %dma_wait3A_170 : memref<1x!tpu.dma_semaphore, #tpu.memory_space<semaphore_mem>> -> memref<!tpu.dma_semaphore, #tpu.memory_space<semaphore_mem>>
    %dma_wait3A_172 = arith.constant 0 : i32
    %dma_wait3A_173 = tpu.memref_slice %arg10[%dma_wait3A_164, %dma_wait3A_172] : memref<4x128xi32, #tpu.memory_space<vmem>> -> memref<1x128xi32, #tpu.memory_space<vmem>>
    %dma_wait3A_174 = tpu.memref_squeeze %dma_wait3A_173 : memref<1x128xi32, #tpu.memory_space<vmem>> -> memref<128xi32, #tpu.memory_space<vmem>>
    %dma_wait3A_175 = tpu.memref_slice %arg5[%add3A_152] : memref<802816xi32, #tpu.memory_space<hbm>> -> memref<128xi32, #tpu.memory_space<hbm>>
    tpu.wait_dma2 semaphore(%dma_wait3A_171 : memref<!tpu.dma_semaphore, #tpu.memory_space<semaphore_mem>>) src(%dma_wait3A_175 : memref<128xi32, #tpu.memory_space<hbm>>) dst(%dma_wait3A_174 : memref<128xi32, #tpu.memory_space<vmem>>)
    %dma_start3A_176 = arith.constant 0 : i32
    %dma_start3A_177 = arith.constant 0 : i32
    %dma_start3A_178 = arith.constant 0 : i32
    %dma_start3A_179 = arith.constant 0 : i32
    %dma_start3A_180 = arith.constant 0 : i32
    %dma_start3A_181 = tpu.memref_slice %arg12[%dma_start3A_177, %dma_start3A_179, %dma_start3A_180] : memref<2x128x128xbf16, #tpu.memory_space<vmem>> -> memref<1x128x128xbf16, #tpu.memory_space<vmem>>
    %dma_start3A_182 = tpu.memref_squeeze %dma_start3A_181 : memref<1x128x128xbf16, #tpu.memory_space<vmem>> -> memref<128x128xbf16, #tpu.memory_space<vmem>>
    %dma_start3A_183 = arith.constant 0 : i32
    %dma_start3A_184 = tpu.memref_slice %arg9[%dma_start3A_176, %dma_start3A_183] : memref<4x128xi32, #tpu.memory_space<vmem>> -> memref<1x128xi32, #tpu.memory_space<vmem>>
    %dma_start3A_185 = tpu.memref_squeeze %dma_start3A_184 : memref<1x128xi32, #tpu.memory_space<vmem>> -> memref<128xi32, #tpu.memory_space<vmem>>
    %dma_start3A_186 = arith.constant 0 : i32
    %dma_start3A_187 = arith.constant 0 : i32
    %dma_start3A_188 = tpu.memref_slice %arg2[%dma_start3A_186, %dma_start3A_187] : memref<50000x128xbf16, #tpu.memory_space<hbm>> -> memref<50000x128xbf16, #tpu.memory_space<hbm>>
    %dma_start3A_189 = tpu.memref_slice %arg18[%dma_start3A_178] : memref<2x!tpu.dma_semaphore, #tpu.memory_space<semaphore_mem>> -> memref<1x!tpu.dma_semaphore, #tpu.memory_space<semaphore_mem>>
    %dma_start3A_190 = tpu.memref_squeeze %dma_start3A_189 : memref<1x!tpu.dma_semaphore, #tpu.memory_space<semaphore_mem>> -> memref<!tpu.dma_semaphore, #tpu.memory_space<semaphore_mem>>
    tpu.enqueue_indirect_dma source(%dma_start3A_188 : memref<50000x128xbf16, #tpu.memory_space<hbm>>) target(%dma_start3A_182 : memref<128x128xbf16, #tpu.memory_space<vmem>>) offsets(%dma_start3A_185 : memref<128xi32, #tpu.memory_space<vmem>>) semaphore(%dma_start3A_190 : memref<!tpu.dma_semaphore, #tpu.memory_space<semaphore_mem>>)
    %dma_start3A_191 = arith.constant 0 : i32
    %dma_start3A_192 = arith.constant 0 : i32
    %dma_start3A_193 = arith.constant 0 : i32
    %dma_start3A_194 = arith.constant 0 : i32
    %dma_start3A_195 = arith.constant 0 : i32
    %dma_start3A_196 = tpu.memref_slice %arg13[%dma_start3A_192, %dma_start3A_194, %dma_start3A_195] : memref<2x128x128xbf16, #tpu.memory_space<vmem>> -> memref<1x128x128xbf16, #tpu.memory_space<vmem>>
    %dma_start3A_197 = tpu.memref_squeeze %dma_start3A_196 : memref<1x128x128xbf16, #tpu.memory_space<vmem>> -> memref<128x128xbf16, #tpu.memory_space<vmem>>
    %dma_start3A_198 = arith.constant 0 : i32
    %dma_start3A_199 = tpu.memref_slice %arg10[%dma_start3A_191, %dma_start3A_198] : memref<4x128xi32, #tpu.memory_space<vmem>> -> memref<1x128xi32, #tpu.memory_space<vmem>>
    %dma_start3A_200 = tpu.memref_squeeze %dma_start3A_199 : memref<1x128xi32, #tpu.memory_space<vmem>> -> memref<128xi32, #tpu.memory_space<vmem>>
    %dma_start3A_201 = arith.constant 0 : i32
    %dma_start3A_202 = arith.constant 0 : i32
    %dma_start3A_203 = tpu.memref_slice %arg2[%dma_start3A_201, %dma_start3A_202] : memref<50000x128xbf16, #tpu.memory_space<hbm>> -> memref<50000x128xbf16, #tpu.memory_space<hbm>>
    %dma_start3A_204 = tpu.memref_slice %arg19[%dma_start3A_193] : memref<2x!tpu.dma_semaphore, #tpu.memory_space<semaphore_mem>> -> memref<1x!tpu.dma_semaphore, #tpu.memory_space<semaphore_mem>>
    %dma_start3A_205 = tpu.memref_squeeze %dma_start3A_204 : memref<1x!tpu.dma_semaphore, #tpu.memory_space<semaphore_mem>> -> memref<!tpu.dma_semaphore, #tpu.memory_space<semaphore_mem>>
    tpu.enqueue_indirect_dma source(%dma_start3A_203 : memref<50000x128xbf16, #tpu.memory_space<hbm>>) target(%dma_start3A_197 : memref<128x128xbf16, #tpu.memory_space<vmem>>) offsets(%dma_start3A_200 : memref<128xi32, #tpu.memory_space<vmem>>) semaphore(%dma_start3A_205 : memref<!tpu.dma_semaphore, #tpu.memory_space<semaphore_mem>>)
    %mul3A_206 = arith.constant 25088 : i32
    %mul3A_207 = arith.muli %add3A, %mul3A_206 : i32
    %add3A_208 = arith.constant 128 : i32
    %add3A_209 = arith.addi %mul3A_207, %add3A_208 : i32
    %dma_wait3A_210 = arith.constant 1 : i32
    %dma_wait3A_211 = arith.constant 1 : i32
    %dma_wait3A_212 = arith.constant 0 : i32
    %dma_wait3A_213 = tpu.memref_slice %arg9[%dma_wait3A_210, %dma_wait3A_212] : memref<4x128xi32, #tpu.memory_space<vmem>> -> memref<1x128xi32, #tpu.memory_space<vmem>>
    %dma_wait3A_214 = tpu.memref_squeeze %dma_wait3A_213 : memref<1x128xi32, #tpu.memory_space<vmem>> -> memref<128xi32, #tpu.memory_space<vmem>>
    %dma_wait3A_215 = tpu.memref_slice %arg4[%add3A_209] : memref<802816xi32, #tpu.memory_space<hbm>> -> memref<128xi32, #tpu.memory_space<hbm>>
    %dma_wait3A_216 = tpu.memref_slice %arg21[%dma_wait3A_211] : memref<4x!tpu.dma_semaphore, #tpu.memory_space<semaphore_mem>> -> memref<1x!tpu.dma_semaphore, #tpu.memory_space<semaphore_mem>>
    %dma_wait3A_217 = tpu.memref_squeeze %dma_wait3A_216 : memref<1x!tpu.dma_semaphore, #tpu.memory_space<semaphore_mem>> -> memref<!tpu.dma_semaphore, #tpu.memory_space<semaphore_mem>>
    %dma_wait3A_218 = arith.constant 0 : i32
    %dma_wait3A_219 = tpu.memref_slice %arg9[%dma_wait3A_210, %dma_wait3A_218] : memref<4x128xi32, #tpu.memory_space<vmem>> -> memref<1x128xi32, #tpu.memory_space<vmem>>
    %dma_wait3A_220 = tpu.memref_squeeze %dma_wait3A_219 : memref<1x128xi32, #tpu.memory_space<vmem>> -> memref<128xi32, #tpu.memory_space<vmem>>
    %dma_wait3A_221 = tpu.memref_slice %arg4[%add3A_209] : memref<802816xi32, #tpu.memory_space<hbm>> -> memref<128xi32, #tpu.memory_space<hbm>>
    tpu.wait_dma2 semaphore(%dma_wait3A_217 : memref<!tpu.dma_semaphore, #tpu.memory_space<semaphore_mem>>) src(%dma_wait3A_221 : memref<128xi32, #tpu.memory_space<hbm>>) dst(%dma_wait3A_220 : memref<128xi32, #tpu.memory_space<vmem>>)
    %dma_wait3A_222 = arith.constant 1 : i32
    %dma_wait3A_223 = arith.constant 1 : i32
    %dma_wait3A_224 = arith.constant 0 : i32
    %dma_wait3A_225 = tpu.memref_slice %arg10[%dma_wait3A_222, %dma_wait3A_224] : memref<4x128xi32, #tpu.memory_space<vmem>> -> memref<1x128xi32, #tpu.memory_space<vmem>>
    %dma_wait3A_226 = tpu.memref_squeeze %dma_wait3A_225 : memref<1x128xi32, #tpu.memory_space<vmem>> -> memref<128xi32, #tpu.memory_space<vmem>>
    %dma_wait3A_227 = tpu.memref_slice %arg5[%add3A_209] : memref<802816xi32, #tpu.memory_space<hbm>> -> memref<128xi32, #tpu.memory_space<hbm>>
    %dma_wait3A_228 = tpu.memref_slice %arg22[%dma_wait3A_223] : memref<4x!tpu.dma_semaphore, #tpu.memory_space<semaphore_mem>> -> memref<1x!tpu.dma_semaphore, #tpu.memory_space<semaphore_mem>>
    %dma_wait3A_229 = tpu.memref_squeeze %dma_wait3A_228 : memref<1x!tpu.dma_semaphore, #tpu.memory_space<semaphore_mem>> -> memref<!tpu.dma_semaphore, #tpu.memory_space<semaphore_mem>>
    %dma_wait3A_230 = arith.constant 0 : i32
    %dma_wait3A_231 = tpu.memref_slice %arg10[%dma_wait3A_222, %dma_wait3A_230] : memref<4x128xi32, #tpu.memory_space<vmem>> -> memref<1x128xi32, #tpu.memory_space<vmem>>
    %dma_wait3A_232 = tpu.memref_squeeze %dma_wait3A_231 : memref<1x128xi32, #tpu.memory_space<vmem>> -> memref<128xi32, #tpu.memory_space<vmem>>
    %dma_wait3A_233 = tpu.memref_slice %arg5[%add3A_209] : memref<802816xi32, #tpu.memory_space<hbm>> -> memref<128xi32, #tpu.memory_space<hbm>>
    tpu.wait_dma2 semaphore(%dma_wait3A_229 : memref<!tpu.dma_semaphore, #tpu.memory_space<semaphore_mem>>) src(%dma_wait3A_233 : memref<128xi32, #tpu.memory_space<hbm>>) dst(%dma_wait3A_232 : memref<128xi32, #tpu.memory_space<vmem>>)
    %dma_start3A_234 = arith.constant 1 : i32
    %dma_start3A_235 = arith.constant 1 : i32
    %dma_start3A_236 = arith.constant 1 : i32
    %dma_start3A_237 = arith.constant 0 : i32
    %dma_start3A_238 = arith.constant 0 : i32
    %dma_start3A_239 = tpu.memref_slice %arg12[%dma_start3A_235, %dma_start3A_237, %dma_start3A_238] : memref<2x128x128xbf16, #tpu.memory_space<vmem>> -> memref<1x128x128xbf16, #tpu.memory_space<vmem>>
    %dma_start3A_240 = tpu.memref_squeeze %dma_start3A_239 : memref<1x128x128xbf16, #tpu.memory_space<vmem>> -> memref<128x128xbf16, #tpu.memory_space<vmem>>
    %dma_start3A_241 = arith.constant 0 : i32
    %dma_start3A_242 = tpu.memref_slice %arg9[%dma_start3A_234, %dma_start3A_241] : memref<4x128xi32, #tpu.memory_space<vmem>> -> memref<1x128xi32, #tpu.memory_space<vmem>>
    %dma_start3A_243 = tpu.memref_squeeze %dma_start3A_242 : memref<1x128xi32, #tpu.memory_space<vmem>> -> memref<128xi32, #tpu.memory_space<vmem>>
    %dma_start3A_244 = arith.constant 0 : i32
    %dma_start3A_245 = arith.constant 0 : i32
    %dma_start3A_246 = tpu.memref_slice %arg2[%dma_start3A_244, %dma_start3A_245] : memref<50000x128xbf16, #tpu.memory_space<hbm>> -> memref<50000x128xbf16, #tpu.memory_space<hbm>>
    %dma_start3A_247 = tpu.memref_slice %arg18[%dma_start3A_236] : memref<2x!tpu.dma_semaphore, #tpu.memory_space<semaphore_mem>> -> memref<1x!tpu.dma_semaphore, #tpu.memory_space<semaphore_mem>>
    %dma_start3A_248 = tpu.memref_squeeze %dma_start3A_247 : memref<1x!tpu.dma_semaphore, #tpu.memory_space<semaphore_mem>> -> memref<!tpu.dma_semaphore, #tpu.memory_space<semaphore_mem>>
    tpu.enqueue_indirect_dma source(%dma_start3A_246 : memref<50000x128xbf16, #tpu.memory_space<hbm>>) target(%dma_start3A_240 : memref<128x128xbf16, #tpu.memory_space<vmem>>) offsets(%dma_start3A_243 : memref<128xi32, #tpu.memory_space<vmem>>) semaphore(%dma_start3A_248 : memref<!tpu.dma_semaphore, #tpu.memory_space<semaphore_mem>>)
    %dma_start3A_249 = arith.constant 1 : i32
    %dma_start3A_250 = arith.constant 1 : i32
    %dma_start3A_251 = arith.constant 1 : i32
    %dma_start3A_252 = arith.constant 0 : i32
    %dma_start3A_253 = arith.constant 0 : i32
    %dma_start3A_254 = tpu.memref_slice %arg13[%dma_start3A_250, %dma_start3A_252, %dma_start3A_253] : memref<2x128x128xbf16, #tpu.memory_space<vmem>> -> memref<1x128x128xbf16, #tpu.memory_space<vmem>>
    %dma_start3A_255 = tpu.memref_squeeze %dma_start3A_254 : memref<1x128x128xbf16, #tpu.memory_space<vmem>> -> memref<128x128xbf16, #tpu.memory_space<vmem>>
    %dma_start3A_256 = arith.constant 0 : i32
    %dma_start3A_257 = tpu.memref_slice %arg10[%dma_start3A_249, %dma_start3A_256] : memref<4x128xi32, #tpu.memory_space<vmem>> -> memref<1x128xi32, #tpu.memory_space<vmem>>
    %dma_start3A_258 = tpu.memref_squeeze %dma_start3A_257 : memref<1x128xi32, #tpu.memory_space<vmem>> -> memref<128xi32, #tpu.memory_space<vmem>>
    %dma_start3A_259 = arith.constant 0 : i32
    %dma_start3A_260 = arith.constant 0 : i32
    %dma_start3A_261 = tpu.memref_slice %arg2[%dma_start3A_259, %dma_start3A_260] : memref<50000x128xbf16, #tpu.memory_space<hbm>> -> memref<50000x128xbf16, #tpu.memory_space<hbm>>
    %dma_start3A_262 = tpu.memref_slice %arg19[%dma_start3A_251] : memref<2x!tpu.dma_semaphore, #tpu.memory_space<semaphore_mem>> -> memref<1x!tpu.dma_semaphore, #tpu.memory_space<semaphore_mem>>
    %dma_start3A_263 = tpu.memref_squeeze %dma_start3A_262 : memref<1x!tpu.dma_semaphore, #tpu.memory_space<semaphore_mem>> -> memref<!tpu.dma_semaphore, #tpu.memory_space<semaphore_mem>>
    tpu.enqueue_indirect_dma source(%dma_start3A_261 : memref<50000x128xbf16, #tpu.memory_space<hbm>>) target(%dma_start3A_255 : memref<128x128xbf16, #tpu.memory_space<vmem>>) offsets(%dma_start3A_258 : memref<128xi32, #tpu.memory_space<vmem>>) semaphore(%dma_start3A_263 : memref<!tpu.dma_semaphore, #tpu.memory_space<semaphore_mem>>)
    %scan3A = arith.constant 0 : i32
    %scan3A_264 = arith.constant 0 : i32
    %scan3A_265 = arith.constant 196 : i32
    %scan3A_266 = arith.addi %scan3A_264, %scan3A_265 : i32
    %scan3A_267 = arith.constant 1 : i32
    scf.for %scan3A_370 = %scan3A_264 to %scan3A_266 step %scan3A_267  : i32 {
      %and3A = arith.constant 1 : i32
      %and3A_371 = arith.andi %scan3A_370, %and3A : i32
      %and3A_372 = arith.constant 3 : i32
      %and3A_373 = arith.andi %scan3A_370, %and3A_372 : i32
      %ge3A = arith.constant 2 : i32
      %ge3A_374 = arith.cmpi sge, %scan3A_370, %ge3A : i32
      %convert_element_type3A = arith.extui %ge3A_374 : i1 to i32
      %cond3A = arith.constant 0 : i32
      %cond3A_375 = arith.cmpi ne, %convert_element_type3A, %cond3A : i32
      scf.if %cond3A_375 {
        %dma_wait3A_451 = arith.constant 0 : i32
        %dma_wait3A_452 = arith.constant 0 : i32
        %dma_wait3A_453 = tpu.memref_slice %arg14[%and3A_371, %dma_wait3A_451, %dma_wait3A_452] : memref<2x128x16xf32, #tpu.memory_space<vmem>> -> memref<1x128x16xf32, #tpu.memory_space<vmem>>
        %dma_wait3A_454 = tpu.memref_squeeze %dma_wait3A_453 : memref<1x128x16xf32, #tpu.memory_space<vmem>> -> memref<128x16xf32, #tpu.memory_space<vmem>>
        %dma_wait3A_455 = arith.constant 0 : i32
        %dma_wait3A_456 = tpu.memref_slice %arg11[%and3A_371, %dma_wait3A_455] : memref<2x128xi32, #tpu.memory_space<vmem>> -> memref<1x128xi32, #tpu.memory_space<vmem>>
        %dma_wait3A_457 = tpu.memref_squeeze %dma_wait3A_456 : memref<1x128xi32, #tpu.memory_space<vmem>> -> memref<128xi32, #tpu.memory_space<vmem>>
        %dma_wait3A_458 = arith.constant 0 : i32
        %dma_wait3A_459 = arith.constant 0 : i32
        %dma_wait3A_460 = tpu.memref_slice %arg17[%dma_wait3A_458, %dma_wait3A_459] : memref<12544x16xf32, #tpu.memory_space<vmem_shared>> -> memref<12544x16xf32, #tpu.memory_space<vmem_shared>>
        %dma_wait3A_461 = tpu.memref_slice %arg20[%and3A_371] : memref<2x!tpu.dma_semaphore, #tpu.memory_space<semaphore_mem>> -> memref<1x!tpu.dma_semaphore, #tpu.memory_space<semaphore_mem>>
        %dma_wait3A_462 = tpu.memref_squeeze %dma_wait3A_461 : memref<1x!tpu.dma_semaphore, #tpu.memory_space<semaphore_mem>> -> memref<!tpu.dma_semaphore, #tpu.memory_space<semaphore_mem>>
        tpu.wait_indirect_dma semaphore(%dma_wait3A_462 : memref<!tpu.dma_semaphore, #tpu.memory_space<semaphore_mem>>) src(%dma_wait3A_454 : memref<128x16xf32, #tpu.memory_space<vmem>>) dst(%dma_wait3A_460 : memref<12544x16xf32, #tpu.memory_space<vmem_shared>>)
      } else {
      }
      %dma_start3A_376 = arith.constant 0 : i32
      %dma_start3A_377 = arith.constant 0 : i32
      %dma_start3A_378 = tpu.memref_slice %arg14[%and3A_371, %dma_start3A_376, %dma_start3A_377] : memref<2x128x16xf32, #tpu.memory_space<vmem>> -> memref<1x128x16xf32, #tpu.memory_space<vmem>>
      %dma_start3A_379 = tpu.memref_squeeze %dma_start3A_378 : memref<1x128x16xf32, #tpu.memory_space<vmem>> -> memref<128x16xf32, #tpu.memory_space<vmem>>
      %dma_start3A_380 = tpu.memref_slice %arg23[%and3A_371] : memref<2x!tpu.dma_semaphore, #tpu.memory_space<semaphore_mem>> -> memref<1x!tpu.dma_semaphore, #tpu.memory_space<semaphore_mem>>
      %dma_start3A_381 = tpu.memref_squeeze %dma_start3A_380 : memref<1x!tpu.dma_semaphore, #tpu.memory_space<semaphore_mem>> -> memref<!tpu.dma_semaphore, #tpu.memory_space<semaphore_mem>>
      %dma_start3A_382 = arith.constant 0 : i32
      %dma_start3A_383 = arith.constant 0 : i32
      %dma_start3A_384 = tpu.memref_slice %arg14[%and3A_371, %dma_start3A_382, %dma_start3A_383] : memref<2x128x16xf32, #tpu.memory_space<vmem>> -> memref<1x128x16xf32, #tpu.memory_space<vmem>>
      %dma_start3A_385 = tpu.memref_squeeze %dma_start3A_384 : memref<1x128x16xf32, #tpu.memory_space<vmem>> -> memref<128x16xf32, #tpu.memory_space<vmem>>
      tpu.enqueue_dma source(%arg7 : memref<128x16xf32, #tpu.memory_space<hbm>>) target(%dma_start3A_385 : memref<128x16xf32, #tpu.memory_space<vmem>>) target_semaphore(%dma_start3A_381 : memref<!tpu.dma_semaphore, #tpu.memory_space<semaphore_mem>>)
      %dma_wait3A_386 = arith.constant 0 : i32
      %dma_wait3A_387 = arith.constant 0 : i32
      %dma_wait3A_388 = tpu.memref_slice %arg12[%and3A_371, %dma_wait3A_386, %dma_wait3A_387] : memref<2x128x128xbf16, #tpu.memory_space<vmem>> -> memref<1x128x128xbf16, #tpu.memory_space<vmem>>
      %dma_wait3A_389 = tpu.memref_squeeze %dma_wait3A_388 : memref<1x128x128xbf16, #tpu.memory_space<vmem>> -> memref<128x128xbf16, #tpu.memory_space<vmem>>
      %dma_wait3A_390 = arith.constant 0 : i32
      %dma_wait3A_391 = tpu.memref_slice %arg9[%and3A_373, %dma_wait3A_390] : memref<4x128xi32, #tpu.memory_space<vmem>> -> memref<1x128xi32, #tpu.memory_space<vmem>>
      %dma_wait3A_392 = tpu.memref_squeeze %dma_wait3A_391 : memref<1x128xi32, #tpu.memory_space<vmem>> -> memref<128xi32, #tpu.memory_space<vmem>>
      %dma_wait3A_393 = arith.constant 0 : i32
      %dma_wait3A_394 = arith.constant 0 : i32
      %dma_wait3A_395 = tpu.memref_slice %arg2[%dma_wait3A_393, %dma_wait3A_394] : memref<50000x128xbf16, #tpu.memory_space<hbm>> -> memref<50000x128xbf16, #tpu.memory_space<hbm>>
      %dma_wait3A_396 = tpu.memref_slice %arg18[%and3A_371] : memref<2x!tpu.dma_semaphore, #tpu.memory_space<semaphore_mem>> -> memref<1x!tpu.dma_semaphore, #tpu.memory_space<semaphore_mem>>
      %dma_wait3A_397 = tpu.memref_squeeze %dma_wait3A_396 : memref<1x!tpu.dma_semaphore, #tpu.memory_space<semaphore_mem>> -> memref<!tpu.dma_semaphore, #tpu.memory_space<semaphore_mem>>
      tpu.wait_indirect_dma semaphore(%dma_wait3A_397 : memref<!tpu.dma_semaphore, #tpu.memory_space<semaphore_mem>>) src(%dma_wait3A_395 : memref<50000x128xbf16, #tpu.memory_space<hbm>>) dst(%dma_wait3A_389 : memref<128x128xbf16, #tpu.memory_space<vmem>>)
      %dma_wait3A_398 = arith.constant 0 : i32
      %dma_wait3A_399 = arith.constant 0 : i32
      %dma_wait3A_400 = tpu.memref_slice %arg13[%and3A_371, %dma_wait3A_398, %dma_wait3A_399] : memref<2x128x128xbf16, #tpu.memory_space<vmem>> -> memref<1x128x128xbf16, #tpu.memory_space<vmem>>
      %dma_wait3A_401 = tpu.memref_squeeze %dma_wait3A_400 : memref<1x128x128xbf16, #tpu.memory_space<vmem>> -> memref<128x128xbf16, #tpu.memory_space<vmem>>
      %dma_wait3A_402 = arith.constant 0 : i32
      %dma_wait3A_403 = tpu.memref_slice %arg10[%and3A_373, %dma_wait3A_402] : memref<4x128xi32, #tpu.memory_space<vmem>> -> memref<1x128xi32, #tpu.memory_space<vmem>>
      %dma_wait3A_404 = tpu.memref_squeeze %dma_wait3A_403 : memref<1x128xi32, #tpu.memory_space<vmem>> -> memref<128xi32, #tpu.memory_space<vmem>>
      %dma_wait3A_405 = arith.constant 0 : i32
      %dma_wait3A_406 = arith.constant 0 : i32
      %dma_wait3A_407 = tpu.memref_slice %arg2[%dma_wait3A_405, %dma_wait3A_406] : memref<50000x128xbf16, #tpu.memory_space<hbm>> -> memref<50000x128xbf16, #tpu.memory_space<hbm>>
      %dma_wait3A_408 = tpu.memref_slice %arg19[%and3A_371] : memref<2x!tpu.dma_semaphore, #tpu.memory_space<semaphore_mem>> -> memref<1x!tpu.dma_semaphore, #tpu.memory_space<semaphore_mem>>
      %dma_wait3A_409 = tpu.memref_squeeze %dma_wait3A_408 : memref<1x!tpu.dma_semaphore, #tpu.memory_space<semaphore_mem>> -> memref<!tpu.dma_semaphore, #tpu.memory_space<semaphore_mem>>
      tpu.wait_indirect_dma semaphore(%dma_wait3A_409 : memref<!tpu.dma_semaphore, #tpu.memory_space<semaphore_mem>>) src(%dma_wait3A_407 : memref<50000x128xbf16, #tpu.memory_space<hbm>>) dst(%dma_wait3A_401 : memref<128x128xbf16, #tpu.memory_space<vmem>>)
      %dma_wait3A_410 = arith.constant 0 : i32
      %dma_wait3A_411 = arith.constant 0 : i32
      %dma_wait3A_412 = tpu.memref_slice %arg14[%and3A_371, %dma_wait3A_410, %dma_wait3A_411] : memref<2x128x16xf32, #tpu.memory_space<vmem>> -> memref<1x128x16xf32, #tpu.memory_space<vmem>>
      %dma_wait3A_413 = tpu.memref_squeeze %dma_wait3A_412 : memref<1x128x16xf32, #tpu.memory_space<vmem>> -> memref<128x16xf32, #tpu.memory_space<vmem>>
      %dma_wait3A_414 = tpu.memref_slice %arg23[%and3A_371] : memref<2x!tpu.dma_semaphore, #tpu.memory_space<semaphore_mem>> -> memref<1x!tpu.dma_semaphore, #tpu.memory_space<semaphore_mem>>
      %dma_wait3A_415 = tpu.memref_squeeze %dma_wait3A_414 : memref<1x!tpu.dma_semaphore, #tpu.memory_space<semaphore_mem>> -> memref<!tpu.dma_semaphore, #tpu.memory_space<semaphore_mem>>
      %dma_wait3A_416 = arith.constant 0 : i32
      %dma_wait3A_417 = arith.constant 0 : i32
      %dma_wait3A_418 = tpu.memref_slice %arg14[%and3A_371, %dma_wait3A_416, %dma_wait3A_417] : memref<2x128x16xf32, #tpu.memory_space<vmem>> -> memref<1x128x16xf32, #tpu.memory_space<vmem>>
      %dma_wait3A_419 = tpu.memref_squeeze %dma_wait3A_418 : memref<1x128x16xf32, #tpu.memory_space<vmem>> -> memref<128x16xf32, #tpu.memory_space<vmem>>
      tpu.wait_dma2 semaphore(%dma_wait3A_415 : memref<!tpu.dma_semaphore, #tpu.memory_space<semaphore_mem>>) src(%arg7 : memref<128x16xf32, #tpu.memory_space<hbm>>) dst(%dma_wait3A_419 : memref<128x16xf32, #tpu.memory_space<vmem>>)
      %scan3A_420 = arith.constant 0 : i32
      %scan3A_421 = arith.constant 0 : i32
      %scan3A_422 = arith.constant 8 : i32
      %scan3A_423 = arith.addi %scan3A_421, %scan3A_422 : i32
      %scan3A_424 = arith.constant 1 : i32
      scf.for %scan3A_451 = %scan3A_421 to %scan3A_423 step %scan3A_424  : i32 {
        %mul3A_452 = arith.constant 16 : i32
        %mul3A_453 = arith.muli %scan3A_451, %mul3A_452 : i32
        %add3A_454 = vector.broadcast %mul3A_453 : i32 to vector<16xi32>
        %add3A_455 = arith.addi %add3A_454, %iota3A : vector<16xi32>
        %broadcast_in_dim3A = arith.constant 0.000000e+00 : f32
        %broadcast_in_dim3A_456 = vector.broadcast %broadcast_in_dim3A : f32 to vector<16xf32>
        %mul3A_457 = arith.constant 16 : i32
        %mul3A_458 = arith.muli %scan3A_451, %mul3A_457 : i32
        %add3A_459 = arith.constant 0 : i32
        %add3A_460 = arith.addi %mul3A_458, %add3A_459 : i32
        %get3A_461 = arith.index_cast %and3A_371 : i32 to index
        %get3A_462 = arith.index_cast %add3A_460 : i32 to index
        %get3A_463 = arith.constant 0 : index
        %get3A_464 = tpu.vector_load %arg12[%get3A_461, %get3A_462, %get3A_463] {strides = array<i32>} : memref<2x128x128xbf16, #tpu.memory_space<vmem>>, vector<32xbf16>,
        %unpack3A = tpu.unpack_subelements %get3A_464, 0 {pack_format = #tpu.pack_format<interleaved>} : vector<32xbf16> -> vector<16xf32>
        %unpack3A_465 = tpu.unpack_subelements %get3A_464, 1 {pack_format = #tpu.pack_format<interleaved>} : vector<32xbf16> -> vector<16xf32>
        %get3A_466 = arith.index_cast %and3A_371 : i32 to index
        %get3A_467 = arith.index_cast %add3A_460 : i32 to index
        %get3A_468 = arith.constant 0 : index
        %get3A_469 = tpu.vector_load %arg13[%get3A_466, %get3A_467, %get3A_468] {strides = array<i32>} : memref<2x128x128xbf16, #tpu.memory_space<vmem>>, vector<32xbf16>,
        %unpack3A_470 = tpu.unpack_subelements %get3A_469, 0 {pack_format = #tpu.pack_format<interleaved>} : vector<32xbf16> -> vector<16xf32>
        %unpack3A_471 = tpu.unpack_subelements %get3A_469, 1 {pack_format = #tpu.pack_format<interleaved>} : vector<32xbf16> -> vector<16xf32>
        %get3A_472 = arith.index_cast %and3A_371 : i32 to index
        %get3A_473 = arith.index_cast %add3A_460 : i32 to index
        %get3A_474 = arith.constant 32 : index
        %get3A_475 = tpu.vector_load %arg12[%get3A_472, %get3A_473, %get3A_474] {strides = array<i32>} : memref<2x128x128xbf16, #tpu.memory_space<vmem>>, vector<32xbf16>,
        %unpack3A_476 = tpu.unpack_subelements %get3A_475, 0 {pack_format = #tpu.pack_format<interleaved>} : vector<32xbf16> -> vector<16xf32>
        %unpack3A_477 = tpu.unpack_subelements %get3A_475, 1 {pack_format = #tpu.pack_format<interleaved>} : vector<32xbf16> -> vector<16xf32>
        %get3A_478 = arith.index_cast %and3A_371 : i32 to index
        %get3A_479 = arith.index_cast %add3A_460 : i32 to index
        %get3A_480 = arith.constant 32 : index
        %get3A_481 = tpu.vector_load %arg13[%get3A_478, %get3A_479, %get3A_480] {strides = array<i32>} : memref<2x128x128xbf16, #tpu.memory_space<vmem>>, vector<32xbf16>,
        %unpack3A_482 = tpu.unpack_subelements %get3A_481, 0 {pack_format = #tpu.pack_format<interleaved>} : vector<32xbf16> -> vector<16xf32>
        %unpack3A_483 = tpu.unpack_subelements %get3A_481, 1 {pack_format = #tpu.pack_format<interleaved>} : vector<32xbf16> -> vector<16xf32>
        %mul3A_484 = arith.mulf %unpack3A, %unpack3A_470 : vector<16xf32>
        %mul3A_485 = arith.mulf %unpack3A_465, %unpack3A_471 : vector<16xf32>
        %add3A_486 = arith.addf %mul3A_484, %mul3A_485 : vector<16xf32>
        %mul3A_487 = arith.mulf %unpack3A_476, %unpack3A_482 : vector<16xf32>
        %mul3A_488 = arith.mulf %unpack3A_477, %unpack3A_483 : vector<16xf32>
        %add3A_489 = arith.addf %mul3A_487, %mul3A_488 : vector<16xf32>
        %add3A_490 = arith.addf %add3A_486, %add3A_489 : vector<16xf32>
        %reduce_sum3A = arith.constant true
        %reduce_sum3A_491 = vector.broadcast %reduce_sum3A : i1 to vector<16xi1>
        %reduce_sum3A_492 = tpu.scan <sum>, %add3A_490 masked %reduce_sum3A_491 : vector<16xf32>, vector<16xi1> -> vector<16xf32>
        %reduce_sum3A_493 = vector.extract %reduce_sum3A_492[15] : f32 from vector<16xf32>
        %eq3A = arith.constant 0 : i32
        %eq3A_494 = vector.broadcast %eq3A : i32 to vector<16xi32>
        %eq3A_495 = arith.cmpi eq, %iota3A, %eq3A_494 : vector<16xi32>
        %broadcast_in_dim3A_496 = vector.broadcast %reduce_sum3A_493 : f32 to vector<16xf32>
        %select_n3A = arith.select %eq3A_495, %broadcast_in_dim3A_496, %broadcast_in_dim3A_456 : vector<16xi1>, vector<16xf32>
        %mul3A_497 = arith.constant 16 : i32
        %mul3A_498 = arith.muli %scan3A_451, %mul3A_497 : i32
        %add3A_499 = arith.constant 1 : i32
        %add3A_500 = arith.addi %mul3A_498, %add3A_499 : i32
        %get3A_501 = arith.index_cast %and3A_371 : i32 to index
        %get3A_502 = arith.index_cast %add3A_500 : i32 to index
        %get3A_503 = arith.constant 0 : index
        %get3A_504 = tpu.vector_load %arg12[%get3A_501, %get3A_502, %get3A_503] {strides = array<i32>} : memref<2x128x128xbf16, #tpu.memory_space<vmem>>, vector<32xbf16>,
        %unpack3A_505 = tpu.unpack_subelements %get3A_504, 0 {pack_format = #tpu.pack_format<interleaved>} : vector<32xbf16> -> vector<16xf32>
        %unpack3A_506 = tpu.unpack_subelements %get3A_504, 1 {pack_format = #tpu.pack_format<interleaved>} : vector<32xbf16> -> vector<16xf32>
        %get3A_507 = arith.index_cast %and3A_371 : i32 to index
        %get3A_508 = arith.index_cast %add3A_500 : i32 to index
        %get3A_509 = arith.constant 0 : index
        %get3A_510 = tpu.vector_load %arg13[%get3A_507, %get3A_508, %get3A_509] {strides = array<i32>} : memref<2x128x128xbf16, #tpu.memory_space<vmem>>, vector<32xbf16>,
        %unpack3A_511 = tpu.unpack_subelements %get3A_510, 0 {pack_format = #tpu.pack_format<interleaved>} : vector<32xbf16> -> vector<16xf32>
        %unpack3A_512 = tpu.unpack_subelements %get3A_510, 1 {pack_format = #tpu.pack_format<interleaved>} : vector<32xbf16> -> vector<16xf32>
        %get3A_513 = arith.index_cast %and3A_371 : i32 to index
        %get3A_514 = arith.index_cast %add3A_500 : i32 to index
        %get3A_515 = arith.constant 32 : index
        %get3A_516 = tpu.vector_load %arg12[%get3A_513, %get3A_514, %get3A_515] {strides = array<i32>} : memref<2x128x128xbf16, #tpu.memory_space<vmem>>, vector<32xbf16>,
        %unpack3A_517 = tpu.unpack_subelements %get3A_516, 0 {pack_format = #tpu.pack_format<interleaved>} : vector<32xbf16> -> vector<16xf32>
        %unpack3A_518 = tpu.unpack_subelements %get3A_516, 1 {pack_format = #tpu.pack_format<interleaved>} : vector<32xbf16> -> vector<16xf32>
        %get3A_519 = arith.index_cast %and3A_371 : i32 to index
        %get3A_520 = arith.index_cast %add3A_500 : i32 to index
        %get3A_521 = arith.constant 32 : index
        %get3A_522 = tpu.vector_load %arg13[%get3A_519, %get3A_520, %get3A_521] {strides = array<i32>} : memref<2x128x128xbf16, #tpu.memory_space<vmem>>, vector<32xbf16>,
        %unpack3A_523 = tpu.unpack_subelements %get3A_522, 0 {pack_format = #tpu.pack_format<interleaved>} : vector<32xbf16> -> vector<16xf32>
        %unpack3A_524 = tpu.unpack_subelements %get3A_522, 1 {pack_format = #tpu.pack_format<interleaved>} : vector<32xbf16> -> vector<16xf32>
        %mul3A_525 = arith.mulf %unpack3A_505, %unpack3A_511 : vector<16xf32>
        %mul3A_526 = arith.mulf %unpack3A_506, %unpack3A_512 : vector<16xf32>
        %add3A_527 = arith.addf %mul3A_525, %mul3A_526 : vector<16xf32>
        %mul3A_528 = arith.mulf %unpack3A_517, %unpack3A_523 : vector<16xf32>
        %mul3A_529 = arith.mulf %unpack3A_518, %unpack3A_524 : vector<16xf32>
        %add3A_530 = arith.addf %mul3A_528, %mul3A_529 : vector<16xf32>
        %add3A_531 = arith.addf %add3A_527, %add3A_530 : vector<16xf32>
        %reduce_sum3A_532 = arith.constant true
        %reduce_sum3A_533 = vector.broadcast %reduce_sum3A_532 : i1 to vector<16xi1>
        %reduce_sum3A_534 = tpu.scan <sum>, %add3A_531 masked %reduce_sum3A_533 : vector<16xf32>, vector<16xi1> -> vector<16xf32>
        %reduce_sum3A_535 = vector.extract %reduce_sum3A_534[15] : f32 from vector<16xf32>
        %eq3A_536 = arith.constant 1 : i32
        %eq3A_537 = vector.broadcast %eq3A_536 : i32 to vector<16xi32>
        %eq3A_538 = arith.cmpi eq, %iota3A, %eq3A_537 : vector<16xi32>
        %broadcast_in_dim3A_539 = vector.broadcast %reduce_sum3A_535 : f32 to vector<16xf32>
        %select_n3A_540 = arith.select %eq3A_538, %broadcast_in_dim3A_539, %select_n3A : vector<16xi1>, vector<16xf32>
        %mul3A_541 = arith.constant 16 : i32
        %mul3A_542 = arith.muli %scan3A_451, %mul3A_541 : i32
        %add3A_543 = arith.constant 2 : i32
        %add3A_544 = arith.addi %mul3A_542, %add3A_543 : i32
        %get3A_545 = arith.index_cast %and3A_371 : i32 to index
        %get3A_546 = arith.index_cast %add3A_544 : i32 to index
        %get3A_547 = arith.constant 0 : index
        %get3A_548 = tpu.vector_load %arg12[%get3A_545, %get3A_546, %get3A_547] {strides = array<i32>} : memref<2x128x128xbf16, #tpu.memory_space<vmem>>, vector<32xbf16>,
        %unpack3A_549 = tpu.unpack_subelements %get3A_548, 0 {pack_format = #tpu.pack_format<interleaved>} : vector<32xbf16> -> vector<16xf32>
        %unpack3A_550 = tpu.unpack_subelements %get3A_548, 1 {pack_format = #tpu.pack_format<interleaved>} : vector<32xbf16> -> vector<16xf32>
        %get3A_551 = arith.index_cast %and3A_371 : i32 to index
        %get3A_552 = arith.index_cast %add3A_544 : i32 to index
        %get3A_553 = arith.constant 0 : index
        %get3A_554 = tpu.vector_load %arg13[%get3A_551, %get3A_552, %get3A_553] {strides = array<i32>} : memref<2x128x128xbf16, #tpu.memory_space<vmem>>, vector<32xbf16>,
        %unpack3A_555 = tpu.unpack_subelements %get3A_554, 0 {pack_format = #tpu.pack_format<interleaved>} : vector<32xbf16> -> vector<16xf32>
        %unpack3A_556 = tpu.unpack_subelements %get3A_554, 1 {pack_format = #tpu.pack_format<interleaved>} : vector<32xbf16> -> vector<16xf32>
        %get3A_557 = arith.index_cast %and3A_371 : i32 to index
        %get3A_558 = arith.index_cast %add3A_544 : i32 to index
        %get3A_559 = arith.constant 32 : index
        %get3A_560 = tpu.vector_load %arg12[%get3A_557, %get3A_558, %get3A_559] {strides = array<i32>} : memref<2x128x128xbf16, #tpu.memory_space<vmem>>, vector<32xbf16>,
        %unpack3A_561 = tpu.unpack_subelements %get3A_560, 0 {pack_format = #tpu.pack_format<interleaved>} : vector<32xbf16> -> vector<16xf32>
        %unpack3A_562 = tpu.unpack_subelements %get3A_560, 1 {pack_format = #tpu.pack_format<interleaved>} : vector<32xbf16> -> vector<16xf32>
        %get3A_563 = arith.index_cast %and3A_371 : i32 to index
        %get3A_564 = arith.index_cast %add3A_544 : i32 to index
        %get3A_565 = arith.constant 32 : index
        %get3A_566 = tpu.vector_load %arg13[%get3A_563, %get3A_564, %get3A_565] {strides = array<i32>} : memref<2x128x128xbf16, #tpu.memory_space<vmem>>, vector<32xbf16>,
        %unpack3A_567 = tpu.unpack_subelements %get3A_566, 0 {pack_format = #tpu.pack_format<interleaved>} : vector<32xbf16> -> vector<16xf32>
        %unpack3A_568 = tpu.unpack_subelements %get3A_566, 1 {pack_format = #tpu.pack_format<interleaved>} : vector<32xbf16> -> vector<16xf32>
        %mul3A_569 = arith.mulf %unpack3A_549, %unpack3A_555 : vector<16xf32>
        %mul3A_570 = arith.mulf %unpack3A_550, %unpack3A_556 : vector<16xf32>
        %add3A_571 = arith.addf %mul3A_569, %mul3A_570 : vector<16xf32>
        %mul3A_572 = arith.mulf %unpack3A_561, %unpack3A_567 : vector<16xf32>
        %mul3A_573 = arith.mulf %unpack3A_562, %unpack3A_568 : vector<16xf32>
        %add3A_574 = arith.addf %mul3A_572, %mul3A_573 : vector<16xf32>
        %add3A_575 = arith.addf %add3A_571, %add3A_574 : vector<16xf32>
        %reduce_sum3A_576 = arith.constant true
        %reduce_sum3A_577 = vector.broadcast %reduce_sum3A_576 : i1 to vector<16xi1>
        %reduce_sum3A_578 = tpu.scan <sum>, %add3A_575 masked %reduce_sum3A_577 : vector<16xf32>, vector<16xi1> -> vector<16xf32>
        %reduce_sum3A_579 = vector.extract %reduce_sum3A_578[15] : f32 from vector<16xf32>
        %eq3A_580 = arith.constant 2 : i32
        %eq3A_581 = vector.broadcast %eq3A_580 : i32 to vector<16xi32>
        %eq3A_582 = arith.cmpi eq, %iota3A, %eq3A_581 : vector<16xi32>
        %broadcast_in_dim3A_583 = vector.broadcast %reduce_sum3A_579 : f32 to vector<16xf32>
        %select_n3A_584 = arith.select %eq3A_582, %broadcast_in_dim3A_583, %select_n3A_540 : vector<16xi1>, vector<16xf32>
        %mul3A_585 = arith.constant 16 : i32
        %mul3A_586 = arith.muli %scan3A_451, %mul3A_585 : i32
        %add3A_587 = arith.constant 3 : i32
        %add3A_588 = arith.addi %mul3A_586, %add3A_587 : i32
        %get3A_589 = arith.index_cast %and3A_371 : i32 to index
        %get3A_590 = arith.index_cast %add3A_588 : i32 to index
        %get3A_591 = arith.constant 0 : index
        %get3A_592 = tpu.vector_load %arg12[%get3A_589, %get3A_590, %get3A_591] {strides = array<i32>} : memref<2x128x128xbf16, #tpu.memory_space<vmem>>, vector<32xbf16>,
        %unpack3A_593 = tpu.unpack_subelements %get3A_592, 0 {pack_format = #tpu.pack_format<interleaved>} : vector<32xbf16> -> vector<16xf32>
        %unpack3A_594 = tpu.unpack_subelements %get3A_592, 1 {pack_format = #tpu.pack_format<interleaved>} : vector<32xbf16> -> vector<16xf32>
        %get3A_595 = arith.index_cast %and3A_371 : i32 to index
        %get3A_596 = arith.index_cast %add3A_588 : i32 to index
        %get3A_597 = arith.constant 0 : index
        %get3A_598 = tpu.vector_load %arg13[%get3A_595, %get3A_596, %get3A_597] {strides = array<i32>} : memref<2x128x128xbf16, #tpu.memory_space<vmem>>, vector<32xbf16>,
        %unpack3A_599 = tpu.unpack_subelements %get3A_598, 0 {pack_format = #tpu.pack_format<interleaved>} : vector<32xbf16> -> vector<16xf32>
        %unpack3A_600 = tpu.unpack_subelements %get3A_598, 1 {pack_format = #tpu.pack_format<interleaved>} : vector<32xbf16> -> vector<16xf32>
        %get3A_601 = arith.index_cast %and3A_371 : i32 to index
        %get3A_602 = arith.index_cast %add3A_588 : i32 to index
        %get3A_603 = arith.constant 32 : index
        %get3A_604 = tpu.vector_load %arg12[%get3A_601, %get3A_602, %get3A_603] {strides = array<i32>} : memref<2x128x128xbf16, #tpu.memory_space<vmem>>, vector<32xbf16>,
        %unpack3A_605 = tpu.unpack_subelements %get3A_604, 0 {pack_format = #tpu.pack_format<interleaved>} : vector<32xbf16> -> vector<16xf32>
        %unpack3A_606 = tpu.unpack_subelements %get3A_604, 1 {pack_format = #tpu.pack_format<interleaved>} : vector<32xbf16> -> vector<16xf32>
        %get3A_607 = arith.index_cast %and3A_371 : i32 to index
        %get3A_608 = arith.index_cast %add3A_588 : i32 to index
        %get3A_609 = arith.constant 32 : index
        %get3A_610 = tpu.vector_load %arg13[%get3A_607, %get3A_608, %get3A_609] {strides = array<i32>} : memref<2x128x128xbf16, #tpu.memory_space<vmem>>, vector<32xbf16>,
        %unpack3A_611 = tpu.unpack_subelements %get3A_610, 0 {pack_format = #tpu.pack_format<interleaved>} : vector<32xbf16> -> vector<16xf32>
        %unpack3A_612 = tpu.unpack_subelements %get3A_610, 1 {pack_format = #tpu.pack_format<interleaved>} : vector<32xbf16> -> vector<16xf32>
        %mul3A_613 = arith.mulf %unpack3A_593, %unpack3A_599 : vector<16xf32>
        %mul3A_614 = arith.mulf %unpack3A_594, %unpack3A_600 : vector<16xf32>
        %add3A_615 = arith.addf %mul3A_613, %mul3A_614 : vector<16xf32>
        %mul3A_616 = arith.mulf %unpack3A_605, %unpack3A_611 : vector<16xf32>
        %mul3A_617 = arith.mulf %unpack3A_606, %unpack3A_612 : vector<16xf32>
        %add3A_618 = arith.addf %mul3A_616, %mul3A_617 : vector<16xf32>
        %add3A_619 = arith.addf %add3A_615, %add3A_618 : vector<16xf32>
        %reduce_sum3A_620 = arith.constant true
        %reduce_sum3A_621 = vector.broadcast %reduce_sum3A_620 : i1 to vector<16xi1>
        %reduce_sum3A_622 = tpu.scan <sum>, %add3A_619 masked %reduce_sum3A_621 : vector<16xf32>, vector<16xi1> -> vector<16xf32>
        %reduce_sum3A_623 = vector.extract %reduce_sum3A_622[15] : f32 from vector<16xf32>
        %eq3A_624 = arith.constant 3 : i32
        %eq3A_625 = vector.broadcast %eq3A_624 : i32 to vector<16xi32>
        %eq3A_626 = arith.cmpi eq, %iota3A, %eq3A_625 : vector<16xi32>
        %broadcast_in_dim3A_627 = vector.broadcast %reduce_sum3A_623 : f32 to vector<16xf32>
        %select_n3A_628 = arith.select %eq3A_626, %broadcast_in_dim3A_627, %select_n3A_584 : vector<16xi1>, vector<16xf32>
        %mul3A_629 = arith.constant 16 : i32
        %mul3A_630 = arith.muli %scan3A_451, %mul3A_629 : i32
        %add3A_631 = arith.constant 4 : i32
        %add3A_632 = arith.addi %mul3A_630, %add3A_631 : i32
        %get3A_633 = arith.index_cast %and3A_371 : i32 to index
        %get3A_634 = arith.index_cast %add3A_632 : i32 to index
        %get3A_635 = arith.constant 0 : index
        %get3A_636 = tpu.vector_load %arg12[%get3A_633, %get3A_634, %get3A_635] {strides = array<i32>} : memref<2x128x128xbf16, #tpu.memory_space<vmem>>, vector<32xbf16>,
        %unpack3A_637 = tpu.unpack_subelements %get3A_636, 0 {pack_format = #tpu.pack_format<interleaved>} : vector<32xbf16> -> vector<16xf32>
        %unpack3A_638 = tpu.unpack_subelements %get3A_636, 1 {pack_format = #tpu.pack_format<interleaved>} : vector<32xbf16> -> vector<16xf32>
        %get3A_639 = arith.index_cast %and3A_371 : i32 to index
        %get3A_640 = arith.index_cast %add3A_632 : i32 to index
        %get3A_641 = arith.constant 0 : index
        %get3A_642 = tpu.vector_load %arg13[%get3A_639, %get3A_640, %get3A_641] {strides = array<i32>} : memref<2x128x128xbf16, #tpu.memory_space<vmem>>, vector<32xbf16>,
        %unpack3A_643 = tpu.unpack_subelements %get3A_642, 0 {pack_format = #tpu.pack_format<interleaved>} : vector<32xbf16> -> vector<16xf32>
        %unpack3A_644 = tpu.unpack_subelements %get3A_642, 1 {pack_format = #tpu.pack_format<interleaved>} : vector<32xbf16> -> vector<16xf32>
        %get3A_645 = arith.index_cast %and3A_371 : i32 to index
        %get3A_646 = arith.index_cast %add3A_632 : i32 to index
        %get3A_647 = arith.constant 32 : index
        %get3A_648 = tpu.vector_load %arg12[%get3A_645, %get3A_646, %get3A_647] {strides = array<i32>} : memref<2x128x128xbf16, #tpu.memory_space<vmem>>, vector<32xbf16>,
        %unpack3A_649 = tpu.unpack_subelements %get3A_648, 0 {pack_format = #tpu.pack_format<interleaved>} : vector<32xbf16> -> vector<16xf32>
        %unpack3A_650 = tpu.unpack_subelements %get3A_648, 1 {pack_format = #tpu.pack_format<interleaved>} : vector<32xbf16> -> vector<16xf32>
        %get3A_651 = arith.index_cast %and3A_371 : i32 to index
        %get3A_652 = arith.index_cast %add3A_632 : i32 to index
        %get3A_653 = arith.constant 32 : index
        %get3A_654 = tpu.vector_load %arg13[%get3A_651, %get3A_652, %get3A_653] {strides = array<i32>} : memref<2x128x128xbf16, #tpu.memory_space<vmem>>, vector<32xbf16>,
        %unpack3A_655 = tpu.unpack_subelements %get3A_654, 0 {pack_format = #tpu.pack_format<interleaved>} : vector<32xbf16> -> vector<16xf32>
        %unpack3A_656 = tpu.unpack_subelements %get3A_654, 1 {pack_format = #tpu.pack_format<interleaved>} : vector<32xbf16> -> vector<16xf32>
        %mul3A_657 = arith.mulf %unpack3A_637, %unpack3A_643 : vector<16xf32>
        %mul3A_658 = arith.mulf %unpack3A_638, %unpack3A_644 : vector<16xf32>
        %add3A_659 = arith.addf %mul3A_657, %mul3A_658 : vector<16xf32>
        %mul3A_660 = arith.mulf %unpack3A_649, %unpack3A_655 : vector<16xf32>
        %mul3A_661 = arith.mulf %unpack3A_650, %unpack3A_656 : vector<16xf32>
        %add3A_662 = arith.addf %mul3A_660, %mul3A_661 : vector<16xf32>
        %add3A_663 = arith.addf %add3A_659, %add3A_662 : vector<16xf32>
        %reduce_sum3A_664 = arith.constant true
        %reduce_sum3A_665 = vector.broadcast %reduce_sum3A_664 : i1 to vector<16xi1>
        %reduce_sum3A_666 = tpu.scan <sum>, %add3A_663 masked %reduce_sum3A_665 : vector<16xf32>, vector<16xi1> -> vector<16xf32>
        %reduce_sum3A_667 = vector.extract %reduce_sum3A_666[15] : f32 from vector<16xf32>
        %eq3A_668 = arith.constant 4 : i32
        %eq3A_669 = vector.broadcast %eq3A_668 : i32 to vector<16xi32>
        %eq3A_670 = arith.cmpi eq, %iota3A, %eq3A_669 : vector<16xi32>
        %broadcast_in_dim3A_671 = vector.broadcast %reduce_sum3A_667 : f32 to vector<16xf32>
        %select_n3A_672 = arith.select %eq3A_670, %broadcast_in_dim3A_671, %select_n3A_628 : vector<16xi1>, vector<16xf32>
        %mul3A_673 = arith.constant 16 : i32
        %mul3A_674 = arith.muli %scan3A_451, %mul3A_673 : i32
        %add3A_675 = arith.constant 5 : i32
        %add3A_676 = arith.addi %mul3A_674, %add3A_675 : i32
        %get3A_677 = arith.index_cast %and3A_371 : i32 to index
        %get3A_678 = arith.index_cast %add3A_676 : i32 to index
        %get3A_679 = arith.constant 0 : index
        %get3A_680 = tpu.vector_load %arg12[%get3A_677, %get3A_678, %get3A_679] {strides = array<i32>} : memref<2x128x128xbf16, #tpu.memory_space<vmem>>, vector<32xbf16>,
        %unpack3A_681 = tpu.unpack_subelements %get3A_680, 0 {pack_format = #tpu.pack_format<interleaved>} : vector<32xbf16> -> vector<16xf32>
        %unpack3A_682 = tpu.unpack_subelements %get3A_680, 1 {pack_format = #tpu.pack_format<interleaved>} : vector<32xbf16> -> vector<16xf32>
        %get3A_683 = arith.index_cast %and3A_371 : i32 to index
        %get3A_684 = arith.index_cast %add3A_676 : i32 to index
        %get3A_685 = arith.constant 0 : index
        %get3A_686 = tpu.vector_load %arg13[%get3A_683, %get3A_684, %get3A_685] {strides = array<i32>} : memref<2x128x128xbf16, #tpu.memory_space<vmem>>, vector<32xbf16>,
        %unpack3A_687 = tpu.unpack_subelements %get3A_686, 0 {pack_format = #tpu.pack_format<interleaved>} : vector<32xbf16> -> vector<16xf32>
        %unpack3A_688 = tpu.unpack_subelements %get3A_686, 1 {pack_format = #tpu.pack_format<interleaved>} : vector<32xbf16> -> vector<16xf32>
        %get3A_689 = arith.index_cast %and3A_371 : i32 to index
        %get3A_690 = arith.index_cast %add3A_676 : i32 to index
        %get3A_691 = arith.constant 32 : index
        %get3A_692 = tpu.vector_load %arg12[%get3A_689, %get3A_690, %get3A_691] {strides = array<i32>} : memref<2x128x128xbf16, #tpu.memory_space<vmem>>, vector<32xbf16>,
        %unpack3A_693 = tpu.unpack_subelements %get3A_692, 0 {pack_format = #tpu.pack_format<interleaved>} : vector<32xbf16> -> vector<16xf32>
        %unpack3A_694 = tpu.unpack_subelements %get3A_692, 1 {pack_format = #tpu.pack_format<interleaved>} : vector<32xbf16> -> vector<16xf32>
        %get3A_695 = arith.index_cast %and3A_371 : i32 to index
        %get3A_696 = arith.index_cast %add3A_676 : i32 to index
        %get3A_697 = arith.constant 32 : index
        %get3A_698 = tpu.vector_load %arg13[%get3A_695, %get3A_696, %get3A_697] {strides = array<i32>} : memref<2x128x128xbf16, #tpu.memory_space<vmem>>, vector<32xbf16>,
        %unpack3A_699 = tpu.unpack_subelements %get3A_698, 0 {pack_format = #tpu.pack_format<interleaved>} : vector<32xbf16> -> vector<16xf32>
        %unpack3A_700 = tpu.unpack_subelements %get3A_698, 1 {pack_format = #tpu.pack_format<interleaved>} : vector<32xbf16> -> vector<16xf32>
        %mul3A_701 = arith.mulf %unpack3A_681, %unpack3A_687 : vector<16xf32>
        %mul3A_702 = arith.mulf %unpack3A_682, %unpack3A_688 : vector<16xf32>
        %add3A_703 = arith.addf %mul3A_701, %mul3A_702 : vector<16xf32>
        %mul3A_704 = arith.mulf %unpack3A_693, %unpack3A_699 : vector<16xf32>
        %mul3A_705 = arith.mulf %unpack3A_694, %unpack3A_700 : vector<16xf32>
        %add3A_706 = arith.addf %mul3A_704, %mul3A_705 : vector<16xf32>
        %add3A_707 = arith.addf %add3A_703, %add3A_706 : vector<16xf32>
        %reduce_sum3A_708 = arith.constant true
        %reduce_sum3A_709 = vector.broadcast %reduce_sum3A_708 : i1 to vector<16xi1>
        %reduce_sum3A_710 = tpu.scan <sum>, %add3A_707 masked %reduce_sum3A_709 : vector<16xf32>, vector<16xi1> -> vector<16xf32>
        %reduce_sum3A_711 = vector.extract %reduce_sum3A_710[15] : f32 from vector<16xf32>
        %eq3A_712 = arith.constant 5 : i32
        %eq3A_713 = vector.broadcast %eq3A_712 : i32 to vector<16xi32>
        %eq3A_714 = arith.cmpi eq, %iota3A, %eq3A_713 : vector<16xi32>
        %broadcast_in_dim3A_715 = vector.broadcast %reduce_sum3A_711 : f32 to vector<16xf32>
        %select_n3A_716 = arith.select %eq3A_714, %broadcast_in_dim3A_715, %select_n3A_672 : vector<16xi1>, vector<16xf32>
        %mul3A_717 = arith.constant 16 : i32
        %mul3A_718 = arith.muli %scan3A_451, %mul3A_717 : i32
        %add3A_719 = arith.constant 6 : i32
        %add3A_720 = arith.addi %mul3A_718, %add3A_719 : i32
        %get3A_721 = arith.index_cast %and3A_371 : i32 to index
        %get3A_722 = arith.index_cast %add3A_720 : i32 to index
        %get3A_723 = arith.constant 0 : index
        %get3A_724 = tpu.vector_load %arg12[%get3A_721, %get3A_722, %get3A_723] {strides = array<i32>} : memref<2x128x128xbf16, #tpu.memory_space<vmem>>, vector<32xbf16>,
        %unpack3A_725 = tpu.unpack_subelements %get3A_724, 0 {pack_format = #tpu.pack_format<interleaved>} : vector<32xbf16> -> vector<16xf32>
        %unpack3A_726 = tpu.unpack_subelements %get3A_724, 1 {pack_format = #tpu.pack_format<interleaved>} : vector<32xbf16> -> vector<16xf32>
        %get3A_727 = arith.index_cast %and3A_371 : i32 to index
        %get3A_728 = arith.index_cast %add3A_720 : i32 to index
        %get3A_729 = arith.constant 0 : index
        %get3A_730 = tpu.vector_load %arg13[%get3A_727, %get3A_728, %get3A_729] {strides = array<i32>} : memref<2x128x128xbf16, #tpu.memory_space<vmem>>, vector<32xbf16>,
        %unpack3A_731 = tpu.unpack_subelements %get3A_730, 0 {pack_format = #tpu.pack_format<interleaved>} : vector<32xbf16> -> vector<16xf32>
        %unpack3A_732 = tpu.unpack_subelements %get3A_730, 1 {pack_format = #tpu.pack_format<interleaved>} : vector<32xbf16> -> vector<16xf32>
        %get3A_733 = arith.index_cast %and3A_371 : i32 to index
        %get3A_734 = arith.index_cast %add3A_720 : i32 to index
        %get3A_735 = arith.constant 32 : index
        %get3A_736 = tpu.vector_load %arg12[%get3A_733, %get3A_734, %get3A_735] {strides = array<i32>} : memref<2x128x128xbf16, #tpu.memory_space<vmem>>, vector<32xbf16>,
        %unpack3A_737 = tpu.unpack_subelements %get3A_736, 0 {pack_format = #tpu.pack_format<interleaved>} : vector<32xbf16> -> vector<16xf32>
        %unpack3A_738 = tpu.unpack_subelements %get3A_736, 1 {pack_format = #tpu.pack_format<interleaved>} : vector<32xbf16> -> vector<16xf32>
        %get3A_739 = arith.index_cast %and3A_371 : i32 to index
        %get3A_740 = arith.index_cast %add3A_720 : i32 to index
        %get3A_741 = arith.constant 32 : index
        %get3A_742 = tpu.vector_load %arg13[%get3A_739, %get3A_740, %get3A_741] {strides = array<i32>} : memref<2x128x128xbf16, #tpu.memory_space<vmem>>, vector<32xbf16>,
        %unpack3A_743 = tpu.unpack_subelements %get3A_742, 0 {pack_format = #tpu.pack_format<interleaved>} : vector<32xbf16> -> vector<16xf32>
        %unpack3A_744 = tpu.unpack_subelements %get3A_742, 1 {pack_format = #tpu.pack_format<interleaved>} : vector<32xbf16> -> vector<16xf32>
        %mul3A_745 = arith.mulf %unpack3A_725, %unpack3A_731 : vector<16xf32>
        %mul3A_746 = arith.mulf %unpack3A_726, %unpack3A_732 : vector<16xf32>
        %add3A_747 = arith.addf %mul3A_745, %mul3A_746 : vector<16xf32>
        %mul3A_748 = arith.mulf %unpack3A_737, %unpack3A_743 : vector<16xf32>
        %mul3A_749 = arith.mulf %unpack3A_738, %unpack3A_744 : vector<16xf32>
        %add3A_750 = arith.addf %mul3A_748, %mul3A_749 : vector<16xf32>
        %add3A_751 = arith.addf %add3A_747, %add3A_750 : vector<16xf32>
        %reduce_sum3A_752 = arith.constant true
        %reduce_sum3A_753 = vector.broadcast %reduce_sum3A_752 : i1 to vector<16xi1>
        %reduce_sum3A_754 = tpu.scan <sum>, %add3A_751 masked %reduce_sum3A_753 : vector<16xf32>, vector<16xi1> -> vector<16xf32>
        %reduce_sum3A_755 = vector.extract %reduce_sum3A_754[15] : f32 from vector<16xf32>
        %eq3A_756 = arith.constant 6 : i32
        %eq3A_757 = vector.broadcast %eq3A_756 : i32 to vector<16xi32>
        %eq3A_758 = arith.cmpi eq, %iota3A, %eq3A_757 : vector<16xi32>
        %broadcast_in_dim3A_759 = vector.broadcast %reduce_sum3A_755 : f32 to vector<16xf32>
        %select_n3A_760 = arith.select %eq3A_758, %broadcast_in_dim3A_759, %select_n3A_716 : vector<16xi1>, vector<16xf32>
        %mul3A_761 = arith.constant 16 : i32
        %mul3A_762 = arith.muli %scan3A_451, %mul3A_761 : i32
        %add3A_763 = arith.constant 7 : i32
        %add3A_764 = arith.addi %mul3A_762, %add3A_763 : i32
        %get3A_765 = arith.index_cast %and3A_371 : i32 to index
        %get3A_766 = arith.index_cast %add3A_764 : i32 to index
        %get3A_767 = arith.constant 0 : index
        %get3A_768 = tpu.vector_load %arg12[%get3A_765, %get3A_766, %get3A_767] {strides = array<i32>} : memref<2x128x128xbf16, #tpu.memory_space<vmem>>, vector<32xbf16>,
        %unpack3A_769 = tpu.unpack_subelements %get3A_768, 0 {pack_format = #tpu.pack_format<interleaved>} : vector<32xbf16> -> vector<16xf32>
        %unpack3A_770 = tpu.unpack_subelements %get3A_768, 1 {pack_format = #tpu.pack_format<interleaved>} : vector<32xbf16> -> vector<16xf32>
        %get3A_771 = arith.index_cast %and3A_371 : i32 to index
        %get3A_772 = arith.index_cast %add3A_764 : i32 to index
        %get3A_773 = arith.constant 0 : index
        %get3A_774 = tpu.vector_load %arg13[%get3A_771, %get3A_772, %get3A_773] {strides = array<i32>} : memref<2x128x128xbf16, #tpu.memory_space<vmem>>, vector<32xbf16>,
        %unpack3A_775 = tpu.unpack_subelements %get3A_774, 0 {pack_format = #tpu.pack_format<interleaved>} : vector<32xbf16> -> vector<16xf32>
        %unpack3A_776 = tpu.unpack_subelements %get3A_774, 1 {pack_format = #tpu.pack_format<interleaved>} : vector<32xbf16> -> vector<16xf32>
        %get3A_777 = arith.index_cast %and3A_371 : i32 to index
        %get3A_778 = arith.index_cast %add3A_764 : i32 to index
        %get3A_779 = arith.constant 32 : index
        %get3A_780 = tpu.vector_load %arg12[%get3A_777, %get3A_778, %get3A_779] {strides = array<i32>} : memref<2x128x128xbf16, #tpu.memory_space<vmem>>, vector<32xbf16>,
        %unpack3A_781 = tpu.unpack_subelements %get3A_780, 0 {pack_format = #tpu.pack_format<interleaved>} : vector<32xbf16> -> vector<16xf32>
        %unpack3A_782 = tpu.unpack_subelements %get3A_780, 1 {pack_format = #tpu.pack_format<interleaved>} : vector<32xbf16> -> vector<16xf32>
        %get3A_783 = arith.index_cast %and3A_371 : i32 to index
        %get3A_784 = arith.index_cast %add3A_764 : i32 to index
        %get3A_785 = arith.constant 32 : index
        %get3A_786 = tpu.vector_load %arg13[%get3A_783, %get3A_784, %get3A_785] {strides = array<i32>} : memref<2x128x128xbf16, #tpu.memory_space<vmem>>, vector<32xbf16>,
        %unpack3A_787 = tpu.unpack_subelements %get3A_786, 0 {pack_format = #tpu.pack_format<interleaved>} : vector<32xbf16> -> vector<16xf32>
        %unpack3A_788 = tpu.unpack_subelements %get3A_786, 1 {pack_format = #tpu.pack_format<interleaved>} : vector<32xbf16> -> vector<16xf32>
        %mul3A_789 = arith.mulf %unpack3A_769, %unpack3A_775 : vector<16xf32>
        %mul3A_790 = arith.mulf %unpack3A_770, %unpack3A_776 : vector<16xf32>
        %add3A_791 = arith.addf %mul3A_789, %mul3A_790 : vector<16xf32>
        %mul3A_792 = arith.mulf %unpack3A_781, %unpack3A_787 : vector<16xf32>
        %mul3A_793 = arith.mulf %unpack3A_782, %unpack3A_788 : vector<16xf32>
        %add3A_794 = arith.addf %mul3A_792, %mul3A_793 : vector<16xf32>
        %add3A_795 = arith.addf %add3A_791, %add3A_794 : vector<16xf32>
        %reduce_sum3A_796 = arith.constant true
        %reduce_sum3A_797 = vector.broadcast %reduce_sum3A_796 : i1 to vector<16xi1>
        %reduce_sum3A_798 = tpu.scan <sum>, %add3A_795 masked %reduce_sum3A_797 : vector<16xf32>, vector<16xi1> -> vector<16xf32>
        %reduce_sum3A_799 = vector.extract %reduce_sum3A_798[15] : f32 from vector<16xf32>
        %eq3A_800 = arith.constant 7 : i32
        %eq3A_801 = vector.broadcast %eq3A_800 : i32 to vector<16xi32>
        %eq3A_802 = arith.cmpi eq, %iota3A, %eq3A_801 : vector<16xi32>
        %broadcast_in_dim3A_803 = vector.broadcast %reduce_sum3A_799 : f32 to vector<16xf32>
        %select_n3A_804 = arith.select %eq3A_802, %broadcast_in_dim3A_803, %select_n3A_760 : vector<16xi1>, vector<16xf32>
        %mul3A_805 = arith.constant 16 : i32
        %mul3A_806 = arith.muli %scan3A_451, %mul3A_805 : i32
        %add3A_807 = arith.constant 8 : i32
        %add3A_808 = arith.addi %mul3A_806, %add3A_807 : i32
        %get3A_809 = arith.index_cast %and3A_371 : i32 to index
        %get3A_810 = arith.index_cast %add3A_808 : i32 to index
        %get3A_811 = arith.constant 0 : index
        %get3A_812 = tpu.vector_load %arg12[%get3A_809, %get3A_810, %get3A_811] {strides = array<i32>} : memref<2x128x128xbf16, #tpu.memory_space<vmem>>, vector<32xbf16>,
        %unpack3A_813 = tpu.unpack_subelements %get3A_812, 0 {pack_format = #tpu.pack_format<interleaved>} : vector<32xbf16> -> vector<16xf32>
        %unpack3A_814 = tpu.unpack_subelements %get3A_812, 1 {pack_format = #tpu.pack_format<interleaved>} : vector<32xbf16> -> vector<16xf32>
        %get3A_815 = arith.index_cast %and3A_371 : i32 to index
        %get3A_816 = arith.index_cast %add3A_808 : i32 to index
        %get3A_817 = arith.constant 0 : index
        %get3A_818 = tpu.vector_load %arg13[%get3A_815, %get3A_816, %get3A_817] {strides = array<i32>} : memref<2x128x128xbf16, #tpu.memory_space<vmem>>, vector<32xbf16>,
        %unpack3A_819 = tpu.unpack_subelements %get3A_818, 0 {pack_format = #tpu.pack_format<interleaved>} : vector<32xbf16> -> vector<16xf32>
        %unpack3A_820 = tpu.unpack_subelements %get3A_818, 1 {pack_format = #tpu.pack_format<interleaved>} : vector<32xbf16> -> vector<16xf32>
        %get3A_821 = arith.index_cast %and3A_371 : i32 to index
        %get3A_822 = arith.index_cast %add3A_808 : i32 to index
        %get3A_823 = arith.constant 32 : index
        %get3A_824 = tpu.vector_load %arg12[%get3A_821, %get3A_822, %get3A_823] {strides = array<i32>} : memref<2x128x128xbf16, #tpu.memory_space<vmem>>, vector<32xbf16>,
        %unpack3A_825 = tpu.unpack_subelements %get3A_824, 0 {pack_format = #tpu.pack_format<interleaved>} : vector<32xbf16> -> vector<16xf32>
        %unpack3A_826 = tpu.unpack_subelements %get3A_824, 1 {pack_format = #tpu.pack_format<interleaved>} : vector<32xbf16> -> vector<16xf32>
        %get3A_827 = arith.index_cast %and3A_371 : i32 to index
        %get3A_828 = arith.index_cast %add3A_808 : i32 to index
        %get3A_829 = arith.constant 32 : index
        %get3A_830 = tpu.vector_load %arg13[%get3A_827, %get3A_828, %get3A_829] {strides = array<i32>} : memref<2x128x128xbf16, #tpu.memory_space<vmem>>, vector<32xbf16>,
        %unpack3A_831 = tpu.unpack_subelements %get3A_830, 0 {pack_format = #tpu.pack_format<interleaved>} : vector<32xbf16> -> vector<16xf32>
        %unpack3A_832 = tpu.unpack_subelements %get3A_830, 1 {pack_format = #tpu.pack_format<interleaved>} : vector<32xbf16> -> vector<16xf32>
        %mul3A_833 = arith.mulf %unpack3A_813, %unpack3A_819 : vector<16xf32>
        %mul3A_834 = arith.mulf %unpack3A_814, %unpack3A_820 : vector<16xf32>
        %add3A_835 = arith.addf %mul3A_833, %mul3A_834 : vector<16xf32>
        %mul3A_836 = arith.mulf %unpack3A_825, %unpack3A_831 : vector<16xf32>
        %mul3A_837 = arith.mulf %unpack3A_826, %unpack3A_832 : vector<16xf32>
        %add3A_838 = arith.addf %mul3A_836, %mul3A_837 : vector<16xf32>
        %add3A_839 = arith.addf %add3A_835, %add3A_838 : vector<16xf32>
        %reduce_sum3A_840 = arith.constant true
        %reduce_sum3A_841 = vector.broadcast %reduce_sum3A_840 : i1 to vector<16xi1>
        %reduce_sum3A_842 = tpu.scan <sum>, %add3A_839 masked %reduce_sum3A_841 : vector<16xf32>, vector<16xi1> -> vector<16xf32>
        %reduce_sum3A_843 = vector.extract %reduce_sum3A_842[15] : f32 from vector<16xf32>
        %eq3A_844 = arith.constant 8 : i32
        %eq3A_845 = vector.broadcast %eq3A_844 : i32 to vector<16xi32>
        %eq3A_846 = arith.cmpi eq, %iota3A, %eq3A_845 : vector<16xi32>
        %broadcast_in_dim3A_847 = vector.broadcast %reduce_sum3A_843 : f32 to vector<16xf32>
        %select_n3A_848 = arith.select %eq3A_846, %broadcast_in_dim3A_847, %select_n3A_804 : vector<16xi1>, vector<16xf32>
        %mul3A_849 = arith.constant 16 : i32
        %mul3A_850 = arith.muli %scan3A_451, %mul3A_849 : i32
        %add3A_851 = arith.constant 9 : i32
        %add3A_852 = arith.addi %mul3A_850, %add3A_851 : i32
        %get3A_853 = arith.index_cast %and3A_371 : i32 to index
        %get3A_854 = arith.index_cast %add3A_852 : i32 to index
        %get3A_855 = arith.constant 0 : index
        %get3A_856 = tpu.vector_load %arg12[%get3A_853, %get3A_854, %get3A_855] {strides = array<i32>} : memref<2x128x128xbf16, #tpu.memory_space<vmem>>, vector<32xbf16>,
        %unpack3A_857 = tpu.unpack_subelements %get3A_856, 0 {pack_format = #tpu.pack_format<interleaved>} : vector<32xbf16> -> vector<16xf32>
        %unpack3A_858 = tpu.unpack_subelements %get3A_856, 1 {pack_format = #tpu.pack_format<interleaved>} : vector<32xbf16> -> vector<16xf32>
        %get3A_859 = arith.index_cast %and3A_371 : i32 to index
        %get3A_860 = arith.index_cast %add3A_852 : i32 to index
        %get3A_861 = arith.constant 0 : index
        %get3A_862 = tpu.vector_load %arg13[%get3A_859, %get3A_860, %get3A_861] {strides = array<i32>} : memref<2x128x128xbf16, #tpu.memory_space<vmem>>, vector<32xbf16>,
        %unpack3A_863 = tpu.unpack_subelements %get3A_862, 0 {pack_format = #tpu.pack_format<interleaved>} : vector<32xbf16> -> vector<16xf32>
        %unpack3A_864 = tpu.unpack_subelements %get3A_862, 1 {pack_format = #tpu.pack_format<interleaved>} : vector<32xbf16> -> vector<16xf32>
        %get3A_865 = arith.index_cast %and3A_371 : i32 to index
        %get3A_866 = arith.index_cast %add3A_852 : i32 to index
        %get3A_867 = arith.constant 32 : index
        %get3A_868 = tpu.vector_load %arg12[%get3A_865, %get3A_866, %get3A_867] {strides = array<i32>} : memref<2x128x128xbf16, #tpu.memory_space<vmem>>, vector<32xbf16>,
        %unpack3A_869 = tpu.unpack_subelements %get3A_868, 0 {pack_format = #tpu.pack_format<interleaved>} : vector<32xbf16> -> vector<16xf32>
        %unpack3A_870 = tpu.unpack_subelements %get3A_868, 1 {pack_format = #tpu.pack_format<interleaved>} : vector<32xbf16> -> vector<16xf32>
        %get3A_871 = arith.index_cast %and3A_371 : i32 to index
        %get3A_872 = arith.index_cast %add3A_852 : i32 to index
        %get3A_873 = arith.constant 32 : index
        %get3A_874 = tpu.vector_load %arg13[%get3A_871, %get3A_872, %get3A_873] {strides = array<i32>} : memref<2x128x128xbf16, #tpu.memory_space<vmem>>, vector<32xbf16>,
        %unpack3A_875 = tpu.unpack_subelements %get3A_874, 0 {pack_format = #tpu.pack_format<interleaved>} : vector<32xbf16> -> vector<16xf32>
        %unpack3A_876 = tpu.unpack_subelements %get3A_874, 1 {pack_format = #tpu.pack_format<interleaved>} : vector<32xbf16> -> vector<16xf32>
        %mul3A_877 = arith.mulf %unpack3A_857, %unpack3A_863 : vector<16xf32>
        %mul3A_878 = arith.mulf %unpack3A_858, %unpack3A_864 : vector<16xf32>
        %add3A_879 = arith.addf %mul3A_877, %mul3A_878 : vector<16xf32>
        %mul3A_880 = arith.mulf %unpack3A_869, %unpack3A_875 : vector<16xf32>
        %mul3A_881 = arith.mulf %unpack3A_870, %unpack3A_876 : vector<16xf32>
        %add3A_882 = arith.addf %mul3A_880, %mul3A_881 : vector<16xf32>
        %add3A_883 = arith.addf %add3A_879, %add3A_882 : vector<16xf32>
        %reduce_sum3A_884 = arith.constant true
        %reduce_sum3A_885 = vector.broadcast %reduce_sum3A_884 : i1 to vector<16xi1>
        %reduce_sum3A_886 = tpu.scan <sum>, %add3A_883 masked %reduce_sum3A_885 : vector<16xf32>, vector<16xi1> -> vector<16xf32>
        %reduce_sum3A_887 = vector.extract %reduce_sum3A_886[15] : f32 from vector<16xf32>
        %eq3A_888 = arith.constant 9 : i32
        %eq3A_889 = vector.broadcast %eq3A_888 : i32 to vector<16xi32>
        %eq3A_890 = arith.cmpi eq, %iota3A, %eq3A_889 : vector<16xi32>
        %broadcast_in_dim3A_891 = vector.broadcast %reduce_sum3A_887 : f32 to vector<16xf32>
        %select_n3A_892 = arith.select %eq3A_890, %broadcast_in_dim3A_891, %select_n3A_848 : vector<16xi1>, vector<16xf32>
        %mul3A_893 = arith.constant 16 : i32
        %mul3A_894 = arith.muli %scan3A_451, %mul3A_893 : i32
        %add3A_895 = arith.constant 10 : i32
        %add3A_896 = arith.addi %mul3A_894, %add3A_895 : i32
        %get3A_897 = arith.index_cast %and3A_371 : i32 to index
        %get3A_898 = arith.index_cast %add3A_896 : i32 to index
        %get3A_899 = arith.constant 0 : index
        %get3A_900 = tpu.vector_load %arg12[%get3A_897, %get3A_898, %get3A_899] {strides = array<i32>} : memref<2x128x128xbf16, #tpu.memory_space<vmem>>, vector<32xbf16>,
        %unpack3A_901 = tpu.unpack_subelements %get3A_900, 0 {pack_format = #tpu.pack_format<interleaved>} : vector<32xbf16> -> vector<16xf32>
        %unpack3A_902 = tpu.unpack_subelements %get3A_900, 1 {pack_format = #tpu.pack_format<interleaved>} : vector<32xbf16> -> vector<16xf32>
        %get3A_903 = arith.index_cast %and3A_371 : i32 to index
        %get3A_904 = arith.index_cast %add3A_896 : i32 to index
        %get3A_905 = arith.constant 0 : index
        %get3A_906 = tpu.vector_load %arg13[%get3A_903, %get3A_904, %get3A_905] {strides = array<i32>} : memref<2x128x128xbf16, #tpu.memory_space<vmem>>, vector<32xbf16>,
        %unpack3A_907 = tpu.unpack_subelements %get3A_906, 0 {pack_format = #tpu.pack_format<interleaved>} : vector<32xbf16> -> vector<16xf32>
        %unpack3A_908 = tpu.unpack_subelements %get3A_906, 1 {pack_format = #tpu.pack_format<interleaved>} : vector<32xbf16> -> vector<16xf32>
        %get3A_909 = arith.index_cast %and3A_371 : i32 to index
        %get3A_910 = arith.index_cast %add3A_896 : i32 to index
        %get3A_911 = arith.constant 32 : index
        %get3A_912 = tpu.vector_load %arg12[%get3A_909, %get3A_910, %get3A_911] {strides = array<i32>} : memref<2x128x128xbf16, #tpu.memory_space<vmem>>, vector<32xbf16>,
        %unpack3A_913 = tpu.unpack_subelements %get3A_912, 0 {pack_format = #tpu.pack_format<interleaved>} : vector<32xbf16> -> vector<16xf32>
        %unpack3A_914 = tpu.unpack_subelements %get3A_912, 1 {pack_format = #tpu.pack_format<interleaved>} : vector<32xbf16> -> vector<16xf32>
        %get3A_915 = arith.index_cast %and3A_371 : i32 to index
        %get3A_916 = arith.index_cast %add3A_896 : i32 to index
        %get3A_917 = arith.constant 32 : index
        %get3A_918 = tpu.vector_load %arg13[%get3A_915, %get3A_916, %get3A_917] {strides = array<i32>} : memref<2x128x128xbf16, #tpu.memory_space<vmem>>, vector<32xbf16>,
        %unpack3A_919 = tpu.unpack_subelements %get3A_918, 0 {pack_format = #tpu.pack_format<interleaved>} : vector<32xbf16> -> vector<16xf32>
        %unpack3A_920 = tpu.unpack_subelements %get3A_918, 1 {pack_format = #tpu.pack_format<interleaved>} : vector<32xbf16> -> vector<16xf32>
        %mul3A_921 = arith.mulf %unpack3A_901, %unpack3A_907 : vector<16xf32>
        %mul3A_922 = arith.mulf %unpack3A_902, %unpack3A_908 : vector<16xf32>
        %add3A_923 = arith.addf %mul3A_921, %mul3A_922 : vector<16xf32>
        %mul3A_924 = arith.mulf %unpack3A_913, %unpack3A_919 : vector<16xf32>
        %mul3A_925 = arith.mulf %unpack3A_914, %unpack3A_920 : vector<16xf32>
        %add3A_926 = arith.addf %mul3A_924, %mul3A_925 : vector<16xf32>
        %add3A_927 = arith.addf %add3A_923, %add3A_926 : vector<16xf32>
        %reduce_sum3A_928 = arith.constant true
        %reduce_sum3A_929 = vector.broadcast %reduce_sum3A_928 : i1 to vector<16xi1>
        %reduce_sum3A_930 = tpu.scan <sum>, %add3A_927 masked %reduce_sum3A_929 : vector<16xf32>, vector<16xi1> -> vector<16xf32>
        %reduce_sum3A_931 = vector.extract %reduce_sum3A_930[15] : f32 from vector<16xf32>
        %eq3A_932 = arith.constant 10 : i32
        %eq3A_933 = vector.broadcast %eq3A_932 : i32 to vector<16xi32>
        %eq3A_934 = arith.cmpi eq, %iota3A, %eq3A_933 : vector<16xi32>
        %broadcast_in_dim3A_935 = vector.broadcast %reduce_sum3A_931 : f32 to vector<16xf32>
        %select_n3A_936 = arith.select %eq3A_934, %broadcast_in_dim3A_935, %select_n3A_892 : vector<16xi1>, vector<16xf32>
        %mul3A_937 = arith.constant 16 : i32
        %mul3A_938 = arith.muli %scan3A_451, %mul3A_937 : i32
        %add3A_939 = arith.constant 11 : i32
        %add3A_940 = arith.addi %mul3A_938, %add3A_939 : i32
        %get3A_941 = arith.index_cast %and3A_371 : i32 to index
        %get3A_942 = arith.index_cast %add3A_940 : i32 to index
        %get3A_943 = arith.constant 0 : index
        %get3A_944 = tpu.vector_load %arg12[%get3A_941, %get3A_942, %get3A_943] {strides = array<i32>} : memref<2x128x128xbf16, #tpu.memory_space<vmem>>, vector<32xbf16>,
        %unpack3A_945 = tpu.unpack_subelements %get3A_944, 0 {pack_format = #tpu.pack_format<interleaved>} : vector<32xbf16> -> vector<16xf32>
        %unpack3A_946 = tpu.unpack_subelements %get3A_944, 1 {pack_format = #tpu.pack_format<interleaved>} : vector<32xbf16> -> vector<16xf32>
        %get3A_947 = arith.index_cast %and3A_371 : i32 to index
        %get3A_948 = arith.index_cast %add3A_940 : i32 to index
        %get3A_949 = arith.constant 0 : index
        %get3A_950 = tpu.vector_load %arg13[%get3A_947, %get3A_948, %get3A_949] {strides = array<i32>} : memref<2x128x128xbf16, #tpu.memory_space<vmem>>, vector<32xbf16>,
        %unpack3A_951 = tpu.unpack_subelements %get3A_950, 0 {pack_format = #tpu.pack_format<interleaved>} : vector<32xbf16> -> vector<16xf32>
        %unpack3A_952 = tpu.unpack_subelements %get3A_950, 1 {pack_format = #tpu.pack_format<interleaved>} : vector<32xbf16> -> vector<16xf32>
        %get3A_953 = arith.index_cast %and3A_371 : i32 to index
        %get3A_954 = arith.index_cast %add3A_940 : i32 to index
        %get3A_955 = arith.constant 32 : index
        %get3A_956 = tpu.vector_load %arg12[%get3A_953, %get3A_954, %get3A_955] {strides = array<i32>} : memref<2x128x128xbf16, #tpu.memory_space<vmem>>, vector<32xbf16>,
        %unpack3A_957 = tpu.unpack_subelements %get3A_956, 0 {pack_format = #tpu.pack_format<interleaved>} : vector<32xbf16> -> vector<16xf32>
        %unpack3A_958 = tpu.unpack_subelements %get3A_956, 1 {pack_format = #tpu.pack_format<interleaved>} : vector<32xbf16> -> vector<16xf32>
        %get3A_959 = arith.index_cast %and3A_371 : i32 to index
        %get3A_960 = arith.index_cast %add3A_940 : i32 to index
        %get3A_961 = arith.constant 32 : index
        %get3A_962 = tpu.vector_load %arg13[%get3A_959, %get3A_960, %get3A_961] {strides = array<i32>} : memref<2x128x128xbf16, #tpu.memory_space<vmem>>, vector<32xbf16>,
        %unpack3A_963 = tpu.unpack_subelements %get3A_962, 0 {pack_format = #tpu.pack_format<interleaved>} : vector<32xbf16> -> vector<16xf32>
        %unpack3A_964 = tpu.unpack_subelements %get3A_962, 1 {pack_format = #tpu.pack_format<interleaved>} : vector<32xbf16> -> vector<16xf32>
        %mul3A_965 = arith.mulf %unpack3A_945, %unpack3A_951 : vector<16xf32>
        %mul3A_966 = arith.mulf %unpack3A_946, %unpack3A_952 : vector<16xf32>
        %add3A_967 = arith.addf %mul3A_965, %mul3A_966 : vector<16xf32>
        %mul3A_968 = arith.mulf %unpack3A_957, %unpack3A_963 : vector<16xf32>
        %mul3A_969 = arith.mulf %unpack3A_958, %unpack3A_964 : vector<16xf32>
        %add3A_970 = arith.addf %mul3A_968, %mul3A_969 : vector<16xf32>
        %add3A_971 = arith.addf %add3A_967, %add3A_970 : vector<16xf32>
        %reduce_sum3A_972 = arith.constant true
        %reduce_sum3A_973 = vector.broadcast %reduce_sum3A_972 : i1 to vector<16xi1>
        %reduce_sum3A_974 = tpu.scan <sum>, %add3A_971 masked %reduce_sum3A_973 : vector<16xf32>, vector<16xi1> -> vector<16xf32>
        %reduce_sum3A_975 = vector.extract %reduce_sum3A_974[15] : f32 from vector<16xf32>
        %eq3A_976 = arith.constant 11 : i32
        %eq3A_977 = vector.broadcast %eq3A_976 : i32 to vector<16xi32>
        %eq3A_978 = arith.cmpi eq, %iota3A, %eq3A_977 : vector<16xi32>
        %broadcast_in_dim3A_979 = vector.broadcast %reduce_sum3A_975 : f32 to vector<16xf32>
        %select_n3A_980 = arith.select %eq3A_978, %broadcast_in_dim3A_979, %select_n3A_936 : vector<16xi1>, vector<16xf32>
        %mul3A_981 = arith.constant 16 : i32
        %mul3A_982 = arith.muli %scan3A_451, %mul3A_981 : i32
        %add3A_983 = arith.constant 12 : i32
        %add3A_984 = arith.addi %mul3A_982, %add3A_983 : i32
        %get3A_985 = arith.index_cast %and3A_371 : i32 to index
        %get3A_986 = arith.index_cast %add3A_984 : i32 to index
        %get3A_987 = arith.constant 0 : index
        %get3A_988 = tpu.vector_load %arg12[%get3A_985, %get3A_986, %get3A_987] {strides = array<i32>} : memref<2x128x128xbf16, #tpu.memory_space<vmem>>, vector<32xbf16>,
        %unpack3A_989 = tpu.unpack_subelements %get3A_988, 0 {pack_format = #tpu.pack_format<interleaved>} : vector<32xbf16> -> vector<16xf32>
        %unpack3A_990 = tpu.unpack_subelements %get3A_988, 1 {pack_format = #tpu.pack_format<interleaved>} : vector<32xbf16> -> vector<16xf32>
        %get3A_991 = arith.index_cast %and3A_371 : i32 to index
        %get3A_992 = arith.index_cast %add3A_984 : i32 to index
        %get3A_993 = arith.constant 0 : index
        %get3A_994 = tpu.vector_load %arg13[%get3A_991, %get3A_992, %get3A_993] {strides = array<i32>} : memref<2x128x128xbf16, #tpu.memory_space<vmem>>, vector<32xbf16>,
        %unpack3A_995 = tpu.unpack_subelements %get3A_994, 0 {pack_format = #tpu.pack_format<interleaved>} : vector<32xbf16> -> vector<16xf32>
        %unpack3A_996 = tpu.unpack_subelements %get3A_994, 1 {pack_format = #tpu.pack_format<interleaved>} : vector<32xbf16> -> vector<16xf32>
        %get3A_997 = arith.index_cast %and3A_371 : i32 to index
        %get3A_998 = arith.index_cast %add3A_984 : i32 to index
        %get3A_999 = arith.constant 32 : index
        %get3A_1000 = tpu.vector_load %arg12[%get3A_997, %get3A_998, %get3A_999] {strides = array<i32>} : memref<2x128x128xbf16, #tpu.memory_space<vmem>>, vector<32xbf16>,
        %unpack3A_1001 = tpu.unpack_subelements %get3A_1000, 0 {pack_format = #tpu.pack_format<interleaved>} : vector<32xbf16> -> vector<16xf32>
        %unpack3A_1002 = tpu.unpack_subelements %get3A_1000, 1 {pack_format = #tpu.pack_format<interleaved>} : vector<32xbf16> -> vector<16xf32>
        %get3A_1003 = arith.index_cast %and3A_371 : i32 to index
        %get3A_1004 = arith.index_cast %add3A_984 : i32 to index
        %get3A_1005 = arith.constant 32 : index
        %get3A_1006 = tpu.vector_load %arg13[%get3A_1003, %get3A_1004, %get3A_1005] {strides = array<i32>} : memref<2x128x128xbf16, #tpu.memory_space<vmem>>, vector<32xbf16>,
        %unpack3A_1007 = tpu.unpack_subelements %get3A_1006, 0 {pack_format = #tpu.pack_format<interleaved>} : vector<32xbf16> -> vector<16xf32>
        %unpack3A_1008 = tpu.unpack_subelements %get3A_1006, 1 {pack_format = #tpu.pack_format<interleaved>} : vector<32xbf16> -> vector<16xf32>
        %mul3A_1009 = arith.mulf %unpack3A_989, %unpack3A_995 : vector<16xf32>
        %mul3A_1010 = arith.mulf %unpack3A_990, %unpack3A_996 : vector<16xf32>
        %add3A_1011 = arith.addf %mul3A_1009, %mul3A_1010 : vector<16xf32>
        %mul3A_1012 = arith.mulf %unpack3A_1001, %unpack3A_1007 : vector<16xf32>
        %mul3A_1013 = arith.mulf %unpack3A_1002, %unpack3A_1008 : vector<16xf32>
        %add3A_1014 = arith.addf %mul3A_1012, %mul3A_1013 : vector<16xf32>
        %add3A_1015 = arith.addf %add3A_1011, %add3A_1014 : vector<16xf32>
        %reduce_sum3A_1016 = arith.constant true
        %reduce_sum3A_1017 = vector.broadcast %reduce_sum3A_1016 : i1 to vector<16xi1>
        %reduce_sum3A_1018 = tpu.scan <sum>, %add3A_1015 masked %reduce_sum3A_1017 : vector<16xf32>, vector<16xi1> -> vector<16xf32>
        %reduce_sum3A_1019 = vector.extract %reduce_sum3A_1018[15] : f32 from vector<16xf32>
        %eq3A_1020 = arith.constant 12 : i32
        %eq3A_1021 = vector.broadcast %eq3A_1020 : i32 to vector<16xi32>
        %eq3A_1022 = arith.cmpi eq, %iota3A, %eq3A_1021 : vector<16xi32>
        %broadcast_in_dim3A_1023 = vector.broadcast %reduce_sum3A_1019 : f32 to vector<16xf32>
        %select_n3A_1024 = arith.select %eq3A_1022, %broadcast_in_dim3A_1023, %select_n3A_980 : vector<16xi1>, vector<16xf32>
        %mul3A_1025 = arith.constant 16 : i32
        %mul3A_1026 = arith.muli %scan3A_451, %mul3A_1025 : i32
        %add3A_1027 = arith.constant 13 : i32
        %add3A_1028 = arith.addi %mul3A_1026, %add3A_1027 : i32
        %get3A_1029 = arith.index_cast %and3A_371 : i32 to index
        %get3A_1030 = arith.index_cast %add3A_1028 : i32 to index
        %get3A_1031 = arith.constant 0 : index
        %get3A_1032 = tpu.vector_load %arg12[%get3A_1029, %get3A_1030, %get3A_1031] {strides = array<i32>} : memref<2x128x128xbf16, #tpu.memory_space<vmem>>, vector<32xbf16>,
        %unpack3A_1033 = tpu.unpack_subelements %get3A_1032, 0 {pack_format = #tpu.pack_format<interleaved>} : vector<32xbf16> -> vector<16xf32>
        %unpack3A_1034 = tpu.unpack_subelements %get3A_1032, 1 {pack_format = #tpu.pack_format<interleaved>} : vector<32xbf16> -> vector<16xf32>
        %get3A_1035 = arith.index_cast %and3A_371 : i32 to index
        %get3A_1036 = arith.index_cast %add3A_1028 : i32 to index
        %get3A_1037 = arith.constant 0 : index
        %get3A_1038 = tpu.vector_load %arg13[%get3A_1035, %get3A_1036, %get3A_1037] {strides = array<i32>} : memref<2x128x128xbf16, #tpu.memory_space<vmem>>, vector<32xbf16>,
        %unpack3A_1039 = tpu.unpack_subelements %get3A_1038, 0 {pack_format = #tpu.pack_format<interleaved>} : vector<32xbf16> -> vector<16xf32>
        %unpack3A_1040 = tpu.unpack_subelements %get3A_1038, 1 {pack_format = #tpu.pack_format<interleaved>} : vector<32xbf16> -> vector<16xf32>
        %get3A_1041 = arith.index_cast %and3A_371 : i32 to index
        %get3A_1042 = arith.index_cast %add3A_1028 : i32 to index
        %get3A_1043 = arith.constant 32 : index
        %get3A_1044 = tpu.vector_load %arg12[%get3A_1041, %get3A_1042, %get3A_1043] {strides = array<i32>} : memref<2x128x128xbf16, #tpu.memory_space<vmem>>, vector<32xbf16>,
        %unpack3A_1045 = tpu.unpack_subelements %get3A_1044, 0 {pack_format = #tpu.pack_format<interleaved>} : vector<32xbf16> -> vector<16xf32>
        %unpack3A_1046 = tpu.unpack_subelements %get3A_1044, 1 {pack_format = #tpu.pack_format<interleaved>} : vector<32xbf16> -> vector<16xf32>
        %get3A_1047 = arith.index_cast %and3A_371 : i32 to index
        %get3A_1048 = arith.index_cast %add3A_1028 : i32 to index
        %get3A_1049 = arith.constant 32 : index
        %get3A_1050 = tpu.vector_load %arg13[%get3A_1047, %get3A_1048, %get3A_1049] {strides = array<i32>} : memref<2x128x128xbf16, #tpu.memory_space<vmem>>, vector<32xbf16>,
        %unpack3A_1051 = tpu.unpack_subelements %get3A_1050, 0 {pack_format = #tpu.pack_format<interleaved>} : vector<32xbf16> -> vector<16xf32>
        %unpack3A_1052 = tpu.unpack_subelements %get3A_1050, 1 {pack_format = #tpu.pack_format<interleaved>} : vector<32xbf16> -> vector<16xf32>
        %mul3A_1053 = arith.mulf %unpack3A_1033, %unpack3A_1039 : vector<16xf32>
        %mul3A_1054 = arith.mulf %unpack3A_1034, %unpack3A_1040 : vector<16xf32>
        %add3A_1055 = arith.addf %mul3A_1053, %mul3A_1054 : vector<16xf32>
        %mul3A_1056 = arith.mulf %unpack3A_1045, %unpack3A_1051 : vector<16xf32>
        %mul3A_1057 = arith.mulf %unpack3A_1046, %unpack3A_1052 : vector<16xf32>
        %add3A_1058 = arith.addf %mul3A_1056, %mul3A_1057 : vector<16xf32>
        %add3A_1059 = arith.addf %add3A_1055, %add3A_1058 : vector<16xf32>
        %reduce_sum3A_1060 = arith.constant true
        %reduce_sum3A_1061 = vector.broadcast %reduce_sum3A_1060 : i1 to vector<16xi1>
        %reduce_sum3A_1062 = tpu.scan <sum>, %add3A_1059 masked %reduce_sum3A_1061 : vector<16xf32>, vector<16xi1> -> vector<16xf32>
        %reduce_sum3A_1063 = vector.extract %reduce_sum3A_1062[15] : f32 from vector<16xf32>
        %eq3A_1064 = arith.constant 13 : i32
        %eq3A_1065 = vector.broadcast %eq3A_1064 : i32 to vector<16xi32>
        %eq3A_1066 = arith.cmpi eq, %iota3A, %eq3A_1065 : vector<16xi32>
        %broadcast_in_dim3A_1067 = vector.broadcast %reduce_sum3A_1063 : f32 to vector<16xf32>
        %select_n3A_1068 = arith.select %eq3A_1066, %broadcast_in_dim3A_1067, %select_n3A_1024 : vector<16xi1>, vector<16xf32>
        %mul3A_1069 = arith.constant 16 : i32
        %mul3A_1070 = arith.muli %scan3A_451, %mul3A_1069 : i32
        %add3A_1071 = arith.constant 14 : i32
        %add3A_1072 = arith.addi %mul3A_1070, %add3A_1071 : i32
        %get3A_1073 = arith.index_cast %and3A_371 : i32 to index
        %get3A_1074 = arith.index_cast %add3A_1072 : i32 to index
        %get3A_1075 = arith.constant 0 : index
        %get3A_1076 = tpu.vector_load %arg12[%get3A_1073, %get3A_1074, %get3A_1075] {strides = array<i32>} : memref<2x128x128xbf16, #tpu.memory_space<vmem>>, vector<32xbf16>,
        %unpack3A_1077 = tpu.unpack_subelements %get3A_1076, 0 {pack_format = #tpu.pack_format<interleaved>} : vector<32xbf16> -> vector<16xf32>
        %unpack3A_1078 = tpu.unpack_subelements %get3A_1076, 1 {pack_format = #tpu.pack_format<interleaved>} : vector<32xbf16> -> vector<16xf32>
        %get3A_1079 = arith.index_cast %and3A_371 : i32 to index
        %get3A_1080 = arith.index_cast %add3A_1072 : i32 to index
        %get3A_1081 = arith.constant 0 : index
        %get3A_1082 = tpu.vector_load %arg13[%get3A_1079, %get3A_1080, %get3A_1081] {strides = array<i32>} : memref<2x128x128xbf16, #tpu.memory_space<vmem>>, vector<32xbf16>,
        %unpack3A_1083 = tpu.unpack_subelements %get3A_1082, 0 {pack_format = #tpu.pack_format<interleaved>} : vector<32xbf16> -> vector<16xf32>
        %unpack3A_1084 = tpu.unpack_subelements %get3A_1082, 1 {pack_format = #tpu.pack_format<interleaved>} : vector<32xbf16> -> vector<16xf32>
        %get3A_1085 = arith.index_cast %and3A_371 : i32 to index
        %get3A_1086 = arith.index_cast %add3A_1072 : i32 to index
        %get3A_1087 = arith.constant 32 : index
        %get3A_1088 = tpu.vector_load %arg12[%get3A_1085, %get3A_1086, %get3A_1087] {strides = array<i32>} : memref<2x128x128xbf16, #tpu.memory_space<vmem>>, vector<32xbf16>,
        %unpack3A_1089 = tpu.unpack_subelements %get3A_1088, 0 {pack_format = #tpu.pack_format<interleaved>} : vector<32xbf16> -> vector<16xf32>
        %unpack3A_1090 = tpu.unpack_subelements %get3A_1088, 1 {pack_format = #tpu.pack_format<interleaved>} : vector<32xbf16> -> vector<16xf32>
        %get3A_1091 = arith.index_cast %and3A_371 : i32 to index
        %get3A_1092 = arith.index_cast %add3A_1072 : i32 to index
        %get3A_1093 = arith.constant 32 : index
        %get3A_1094 = tpu.vector_load %arg13[%get3A_1091, %get3A_1092, %get3A_1093] {strides = array<i32>} : memref<2x128x128xbf16, #tpu.memory_space<vmem>>, vector<32xbf16>,
        %unpack3A_1095 = tpu.unpack_subelements %get3A_1094, 0 {pack_format = #tpu.pack_format<interleaved>} : vector<32xbf16> -> vector<16xf32>
        %unpack3A_1096 = tpu.unpack_subelements %get3A_1094, 1 {pack_format = #tpu.pack_format<interleaved>} : vector<32xbf16> -> vector<16xf32>
        %mul3A_1097 = arith.mulf %unpack3A_1077, %unpack3A_1083 : vector<16xf32>
        %mul3A_1098 = arith.mulf %unpack3A_1078, %unpack3A_1084 : vector<16xf32>
        %add3A_1099 = arith.addf %mul3A_1097, %mul3A_1098 : vector<16xf32>
        %mul3A_1100 = arith.mulf %unpack3A_1089, %unpack3A_1095 : vector<16xf32>
        %mul3A_1101 = arith.mulf %unpack3A_1090, %unpack3A_1096 : vector<16xf32>
        %add3A_1102 = arith.addf %mul3A_1100, %mul3A_1101 : vector<16xf32>
        %add3A_1103 = arith.addf %add3A_1099, %add3A_1102 : vector<16xf32>
        %reduce_sum3A_1104 = arith.constant true
        %reduce_sum3A_1105 = vector.broadcast %reduce_sum3A_1104 : i1 to vector<16xi1>
        %reduce_sum3A_1106 = tpu.scan <sum>, %add3A_1103 masked %reduce_sum3A_1105 : vector<16xf32>, vector<16xi1> -> vector<16xf32>
        %reduce_sum3A_1107 = vector.extract %reduce_sum3A_1106[15] : f32 from vector<16xf32>
        %eq3A_1108 = arith.constant 14 : i32
        %eq3A_1109 = vector.broadcast %eq3A_1108 : i32 to vector<16xi32>
        %eq3A_1110 = arith.cmpi eq, %iota3A, %eq3A_1109 : vector<16xi32>
        %broadcast_in_dim3A_1111 = vector.broadcast %reduce_sum3A_1107 : f32 to vector<16xf32>
        %select_n3A_1112 = arith.select %eq3A_1110, %broadcast_in_dim3A_1111, %select_n3A_1068 : vector<16xi1>, vector<16xf32>
        %mul3A_1113 = arith.constant 16 : i32
        %mul3A_1114 = arith.muli %scan3A_451, %mul3A_1113 : i32
        %add3A_1115 = arith.constant 15 : i32
        %add3A_1116 = arith.addi %mul3A_1114, %add3A_1115 : i32
        %get3A_1117 = arith.index_cast %and3A_371 : i32 to index
        %get3A_1118 = arith.index_cast %add3A_1116 : i32 to index
        %get3A_1119 = arith.constant 0 : index
        %get3A_1120 = tpu.vector_load %arg12[%get3A_1117, %get3A_1118, %get3A_1119] {strides = array<i32>} : memref<2x128x128xbf16, #tpu.memory_space<vmem>>, vector<32xbf16>,
        %unpack3A_1121 = tpu.unpack_subelements %get3A_1120, 0 {pack_format = #tpu.pack_format<interleaved>} : vector<32xbf16> -> vector<16xf32>
        %unpack3A_1122 = tpu.unpack_subelements %get3A_1120, 1 {pack_format = #tpu.pack_format<interleaved>} : vector<32xbf16> -> vector<16xf32>
        %get3A_1123 = arith.index_cast %and3A_371 : i32 to index
        %get3A_1124 = arith.index_cast %add3A_1116 : i32 to index
        %get3A_1125 = arith.constant 0 : index
        %get3A_1126 = tpu.vector_load %arg13[%get3A_1123, %get3A_1124, %get3A_1125] {strides = array<i32>} : memref<2x128x128xbf16, #tpu.memory_space<vmem>>, vector<32xbf16>,
        %unpack3A_1127 = tpu.unpack_subelements %get3A_1126, 0 {pack_format = #tpu.pack_format<interleaved>} : vector<32xbf16> -> vector<16xf32>
        %unpack3A_1128 = tpu.unpack_subelements %get3A_1126, 1 {pack_format = #tpu.pack_format<interleaved>} : vector<32xbf16> -> vector<16xf32>
        %get3A_1129 = arith.index_cast %and3A_371 : i32 to index
        %get3A_1130 = arith.index_cast %add3A_1116 : i32 to index
        %get3A_1131 = arith.constant 32 : index
        %get3A_1132 = tpu.vector_load %arg12[%get3A_1129, %get3A_1130, %get3A_1131] {strides = array<i32>} : memref<2x128x128xbf16, #tpu.memory_space<vmem>>, vector<32xbf16>,
        %unpack3A_1133 = tpu.unpack_subelements %get3A_1132, 0 {pack_format = #tpu.pack_format<interleaved>} : vector<32xbf16> -> vector<16xf32>
        %unpack3A_1134 = tpu.unpack_subelements %get3A_1132, 1 {pack_format = #tpu.pack_format<interleaved>} : vector<32xbf16> -> vector<16xf32>
        %get3A_1135 = arith.index_cast %and3A_371 : i32 to index
        %get3A_1136 = arith.index_cast %add3A_1116 : i32 to index
        %get3A_1137 = arith.constant 32 : index
        %get3A_1138 = tpu.vector_load %arg13[%get3A_1135, %get3A_1136, %get3A_1137] {strides = array<i32>} : memref<2x128x128xbf16, #tpu.memory_space<vmem>>, vector<32xbf16>,
        %unpack3A_1139 = tpu.unpack_subelements %get3A_1138, 0 {pack_format = #tpu.pack_format<interleaved>} : vector<32xbf16> -> vector<16xf32>
        %unpack3A_1140 = tpu.unpack_subelements %get3A_1138, 1 {pack_format = #tpu.pack_format<interleaved>} : vector<32xbf16> -> vector<16xf32>
        %mul3A_1141 = arith.mulf %unpack3A_1121, %unpack3A_1127 : vector<16xf32>
        %mul3A_1142 = arith.mulf %unpack3A_1122, %unpack3A_1128 : vector<16xf32>
        %add3A_1143 = arith.addf %mul3A_1141, %mul3A_1142 : vector<16xf32>
        %mul3A_1144 = arith.mulf %unpack3A_1133, %unpack3A_1139 : vector<16xf32>
        %mul3A_1145 = arith.mulf %unpack3A_1134, %unpack3A_1140 : vector<16xf32>
        %add3A_1146 = arith.addf %mul3A_1144, %mul3A_1145 : vector<16xf32>
        %add3A_1147 = arith.addf %add3A_1143, %add3A_1146 : vector<16xf32>
        %reduce_sum3A_1148 = arith.constant true
        %reduce_sum3A_1149 = vector.broadcast %reduce_sum3A_1148 : i1 to vector<16xi1>
        %reduce_sum3A_1150 = tpu.scan <sum>, %add3A_1147 masked %reduce_sum3A_1149 : vector<16xf32>, vector<16xi1> -> vector<16xf32>
        %reduce_sum3A_1151 = vector.extract %reduce_sum3A_1150[15] : f32 from vector<16xf32>
        %eq3A_1152 = arith.constant 15 : i32
        %eq3A_1153 = vector.broadcast %eq3A_1152 : i32 to vector<16xi32>
        %eq3A_1154 = arith.cmpi eq, %iota3A, %eq3A_1153 : vector<16xi32>
        %broadcast_in_dim3A_1155 = vector.broadcast %reduce_sum3A_1151 : f32 to vector<16xf32>
        %select_n3A_1156 = arith.select %eq3A_1154, %broadcast_in_dim3A_1155, %select_n3A_1112 : vector<16xi1>, vector<16xf32>
        %mul3A_1157 = arith.mulf %get3A_37, %select_n3A_1156 : vector<16xf32>
        %exp3A = math.exp %mul3A_1157 : vector<16xf32>
        %mul3A_1158 = arith.constant 16 : i32
        %mul3A_1159 = arith.muli %scan3A_451, %mul3A_1158 : i32
        %get3A_1160 = arith.index_cast %and3A_373 : i32 to index
        %get3A_1161 = arith.index_cast %mul3A_1159 : i32 to index
        %get3A_1162 = tpu.vector_load %arg9[%get3A_1160, %get3A_1161] {strides = array<i32>} : memref<4x128xi32, #tpu.memory_space<vmem>>, vector<16xi32>,
        %gather3A = tpu.vector_load_idx %arg16[%get3A_1162] : memref<50000xi32, #tpu.memory_space<vmem>>[vector<16xi32>], vector<16xi32>,
        %bitcast3A = vector.bitcast %gather3A : vector<16xi32> to vector<32xbf16>
        %unpack3A_1163 = tpu.unpack_subelements %bitcast3A, 0 {pack_format = #tpu.pack_format<interleaved>} : vector<32xbf16> -> vector<16xf32>
        %unpack3A_1164 = tpu.unpack_subelements %bitcast3A, 1 {pack_format = #tpu.pack_format<interleaved>} : vector<32xbf16> -> vector<16xf32>
        %mul3A_1165 = arith.constant 16 : i32
        %mul3A_1166 = arith.muli %scan3A_451, %mul3A_1165 : i32
        %get3A_1167 = arith.index_cast %and3A_373 : i32 to index
        %get3A_1168 = arith.index_cast %mul3A_1166 : i32 to index
        %get3A_1169 = tpu.vector_load %arg10[%get3A_1167, %get3A_1168] {strides = array<i32>} : memref<4x128xi32, #tpu.memory_space<vmem>>, vector<16xi32>,
        %shift_right_logical3A = arith.constant 2 : i32
        %shift_right_logical3A_1170 = vector.broadcast %shift_right_logical3A : i32 to vector<16xi32>
        %shift_right_logical3A_1171 = arith.shrui %get3A_1169, %shift_right_logical3A_1170 : vector<16xi32>
        %mul3A_1172 = arith.constant 16 : i32
        %mul3A_1173 = arith.muli %scan3A_451, %mul3A_1172 : i32
        %swap3A = arith.index_cast %and3A_371 : i32 to index
        %swap3A_1174 = arith.index_cast %mul3A_1173 : i32 to index
        %swap3A_1175 = tpu.vector_load %arg11[%swap3A, %swap3A_1174] {strides = array<i32>} : memref<2x128xi32, #tpu.memory_space<vmem>>, vector<16xi32>,
        tpu.vector_store %arg11[%swap3A, %swap3A_1174], %shift_right_logical3A_1171 {strides = array<i32>} : memref<2x128xi32, #tpu.memory_space<vmem>>, vector<16xi32>,
        %and3A_1176 = arith.constant 3 : i32
        %and3A_1177 = vector.broadcast %and3A_1176 : i32 to vector<16xi32>
        %and3A_1178 = arith.andi %get3A_1169, %and3A_1177 : vector<16xi32>
        %mul3A_1179 = arith.constant 4 : i32
        %mul3A_1180 = vector.broadcast %mul3A_1179 : i32 to vector<16xi32>
        %mul3A_1181 = arith.muli %and3A_1178, %mul3A_1180 : vector<16xi32>
        %scatter3A = arith.constant 0 : i32
        %scatter3A_1182 = arith.constant 0 : i32
        %scatter3A_1183 = tpu.memref_slice %arg14[%and3A_371, %scatter3A, %scatter3A_1182] : memref<2x128x16xf32, #tpu.memory_space<vmem>> -> memref<1x128x16xf32, #tpu.memory_space<vmem>>
        %scatter3A_1184 = tpu.memref_squeeze %scatter3A_1183 : memref<1x128x16xf32, #tpu.memory_space<vmem>> -> memref<128x16xf32, #tpu.memory_space<vmem>>
        tpu.vector_store_idx %scatter3A_1184[%add3A_455, %mul3A_1181], %exp3A : memref<128x16xf32, #tpu.memory_space<vmem>>[vector<16xi32>, vector<16xi32>], vector<16xf32>,
        %add3A_1185 = arith.constant 1 : i32
        %add3A_1186 = vector.broadcast %add3A_1185 : i32 to vector<16xi32>
        %add3A_1187 = arith.addi %mul3A_1181, %add3A_1186 : vector<16xi32>
        %mul3A_1188 = arith.mulf %exp3A, %unpack3A_1163 : vector<16xf32>
        %scatter3A_1189 = arith.constant 0 : i32
        %scatter3A_1190 = arith.constant 0 : i32
        %scatter3A_1191 = tpu.memref_slice %arg14[%and3A_371, %scatter3A_1189, %scatter3A_1190] : memref<2x128x16xf32, #tpu.memory_space<vmem>> -> memref<1x128x16xf32, #tpu.memory_space<vmem>>
        %scatter3A_1192 = tpu.memref_squeeze %scatter3A_1191 : memref<1x128x16xf32, #tpu.memory_space<vmem>> -> memref<128x16xf32, #tpu.memory_space<vmem>>
        tpu.vector_store_idx %scatter3A_1192[%add3A_455, %add3A_1187], %mul3A_1188 : memref<128x16xf32, #tpu.memory_space<vmem>>[vector<16xi32>, vector<16xi32>], vector<16xf32>,
        %add3A_1193 = arith.constant 2 : i32
        %add3A_1194 = vector.broadcast %add3A_1193 : i32 to vector<16xi32>
        %add3A_1195 = arith.addi %mul3A_1181, %add3A_1194 : vector<16xi32>
        %mul3A_1196 = arith.mulf %exp3A, %unpack3A_1164 : vector<16xf32>
        %scatter3A_1197 = arith.constant 0 : i32
        %scatter3A_1198 = arith.constant 0 : i32
        %scatter3A_1199 = tpu.memref_slice %arg14[%and3A_371, %scatter3A_1197, %scatter3A_1198] : memref<2x128x16xf32, #tpu.memory_space<vmem>> -> memref<1x128x16xf32, #tpu.memory_space<vmem>>
        %scatter3A_1200 = tpu.memref_squeeze %scatter3A_1199 : memref<1x128x16xf32, #tpu.memory_space<vmem>> -> memref<128x16xf32, #tpu.memory_space<vmem>>
        tpu.vector_store_idx %scatter3A_1200[%add3A_455, %add3A_1195], %mul3A_1196 : memref<128x16xf32, #tpu.memory_space<vmem>>[vector<16xi32>, vector<16xi32>], vector<16xf32>,
      }
      %scan3A_425 = arith.constant 8 : i32
      %add3A_426 = arith.constant 4 : i32
      %add3A_427 = arith.addi %scan3A_370, %add3A_426 : i32
      %lt3A = arith.constant 196 : i32
      %lt3A_428 = arith.cmpi slt, %add3A_427, %lt3A : i32
      %convert_element_type3A_429 = arith.extui %lt3A_428 : i1 to i32
      %cond3A_430 = arith.constant 0 : i32
      %cond3A_431 = arith.cmpi ne, %convert_element_type3A_429, %cond3A_430 : i32
      scf.if %cond3A_431 {
        %add3A_451 = arith.constant 4 : i32
        %add3A_452 = arith.addi %scan3A_370, %add3A_451 : i32
        %mul3A_453 = arith.constant 25088 : i32
        %mul3A_454 = arith.muli %add3A, %mul3A_453 : i32
        %mul3A_455 = arith.constant 128 : i32
        %mul3A_456 = arith.muli %add3A_452, %mul3A_455 : i32
        %add3A_457 = arith.addi %mul3A_454, %mul3A_456 : i32
        %dma_start3A_458 = arith.constant 0 : i32
        %dma_start3A_459 = tpu.memref_slice %arg9[%and3A_373, %dma_start3A_458] : memref<4x128xi32, #tpu.memory_space<vmem>> -> memref<1x128xi32, #tpu.memory_space<vmem>>
        %dma_start3A_460 = tpu.memref_squeeze %dma_start3A_459 : memref<1x128xi32, #tpu.memory_space<vmem>> -> memref<128xi32, #tpu.memory_space<vmem>>
        %dma_start3A_461 = tpu.memref_slice %arg4[%add3A_457] : memref<802816xi32, #tpu.memory_space<hbm>> -> memref<128xi32, #tpu.memory_space<hbm>>
        %dma_start3A_462 = tpu.memref_slice %arg21[%and3A_373] : memref<4x!tpu.dma_semaphore, #tpu.memory_space<semaphore_mem>> -> memref<1x!tpu.dma_semaphore, #tpu.memory_space<semaphore_mem>>
        %dma_start3A_463 = tpu.memref_squeeze %dma_start3A_462 : memref<1x!tpu.dma_semaphore, #tpu.memory_space<semaphore_mem>> -> memref<!tpu.dma_semaphore, #tpu.memory_space<semaphore_mem>>
        %dma_start3A_464 = arith.constant 0 : i32
        %dma_start3A_465 = tpu.memref_slice %arg9[%and3A_373, %dma_start3A_464] : memref<4x128xi32, #tpu.memory_space<vmem>> -> memref<1x128xi32, #tpu.memory_space<vmem>>
        %dma_start3A_466 = tpu.memref_squeeze %dma_start3A_465 : memref<1x128xi32, #tpu.memory_space<vmem>> -> memref<128xi32, #tpu.memory_space<vmem>>
        %dma_start3A_467 = tpu.memref_slice %arg4[%add3A_457] : memref<802816xi32, #tpu.memory_space<hbm>> -> memref<128xi32, #tpu.memory_space<hbm>>
        tpu.enqueue_dma source(%dma_start3A_467 : memref<128xi32, #tpu.memory_space<hbm>>) target(%dma_start3A_466 : memref<128xi32, #tpu.memory_space<vmem>>) target_semaphore(%dma_start3A_463 : memref<!tpu.dma_semaphore, #tpu.memory_space<semaphore_mem>>)
        %dma_start3A_468 = arith.constant 0 : i32
        %dma_start3A_469 = tpu.memref_slice %arg10[%and3A_373, %dma_start3A_468] : memref<4x128xi32, #tpu.memory_space<vmem>> -> memref<1x128xi32, #tpu.memory_space<vmem>>
        %dma_start3A_470 = tpu.memref_squeeze %dma_start3A_469 : memref<1x128xi32, #tpu.memory_space<vmem>> -> memref<128xi32, #tpu.memory_space<vmem>>
        %dma_start3A_471 = tpu.memref_slice %arg5[%add3A_457] : memref<802816xi32, #tpu.memory_space<hbm>> -> memref<128xi32, #tpu.memory_space<hbm>>
        %dma_start3A_472 = tpu.memref_slice %arg22[%and3A_373] : memref<4x!tpu.dma_semaphore, #tpu.memory_space<semaphore_mem>> -> memref<1x!tpu.dma_semaphore, #tpu.memory_space<semaphore_mem>>
        %dma_start3A_473 = tpu.memref_squeeze %dma_start3A_472 : memref<1x!tpu.dma_semaphore, #tpu.memory_space<semaphore_mem>> -> memref<!tpu.dma_semaphore, #tpu.memory_space<semaphore_mem>>
        %dma_start3A_474 = arith.constant 0 : i32
        %dma_start3A_475 = tpu.memref_slice %arg10[%and3A_373, %dma_start3A_474] : memref<4x128xi32, #tpu.memory_space<vmem>> -> memref<1x128xi32, #tpu.memory_space<vmem>>
        %dma_start3A_476 = tpu.memref_squeeze %dma_start3A_475 : memref<1x128xi32, #tpu.memory_space<vmem>> -> memref<128xi32, #tpu.memory_space<vmem>>
        %dma_start3A_477 = tpu.memref_slice %arg5[%add3A_457] : memref<802816xi32, #tpu.memory_space<hbm>> -> memref<128xi32, #tpu.memory_space<hbm>>
        tpu.enqueue_dma source(%dma_start3A_477 : memref<128xi32, #tpu.memory_space<hbm>>) target(%dma_start3A_476 : memref<128xi32, #tpu.memory_space<vmem>>) target_semaphore(%dma_start3A_473 : memref<!tpu.dma_semaphore, #tpu.memory_space<semaphore_mem>>)
      } else {
      }
      %add3A_432 = arith.constant 2 : i32
      %add3A_433 = arith.addi %scan3A_370, %add3A_432 : i32
      %lt3A_434 = arith.constant 196 : i32
      %lt3A_435 = arith.cmpi slt, %add3A_433, %lt3A_434 : i32
      %convert_element_type3A_436 = arith.extui %lt3A_435 : i1 to i32
      %cond3A_437 = arith.constant 0 : i32
      %cond3A_438 = arith.cmpi ne, %convert_element_type3A_436, %cond3A_437 : i32
      scf.if %cond3A_438 {
        %add3A_451 = arith.constant 2 : i32
        %add3A_452 = arith.addi %scan3A_370, %add3A_451 : i32
        %and3A_453 = arith.constant 3 : i32
        %and3A_454 = arith.andi %add3A_452, %and3A_453 : i32
        %add3A_455 = arith.constant 2 : i32
        %add3A_456 = arith.addi %scan3A_370, %add3A_455 : i32
        %mul3A_457 = arith.constant 25088 : i32
        %mul3A_458 = arith.muli %add3A, %mul3A_457 : i32
        %mul3A_459 = arith.constant 128 : i32
        %mul3A_460 = arith.muli %add3A_456, %mul3A_459 : i32
        %add3A_461 = arith.addi %mul3A_458, %mul3A_460 : i32
        %dma_wait3A_462 = arith.constant 0 : i32
        %dma_wait3A_463 = tpu.memref_slice %arg9[%and3A_454, %dma_wait3A_462] : memref<4x128xi32, #tpu.memory_space<vmem>> -> memref<1x128xi32, #tpu.memory_space<vmem>>
        %dma_wait3A_464 = tpu.memref_squeeze %dma_wait3A_463 : memref<1x128xi32, #tpu.memory_space<vmem>> -> memref<128xi32, #tpu.memory_space<vmem>>
        %dma_wait3A_465 = tpu.memref_slice %arg4[%add3A_461] : memref<802816xi32, #tpu.memory_space<hbm>> -> memref<128xi32, #tpu.memory_space<hbm>>
        %dma_wait3A_466 = tpu.memref_slice %arg21[%and3A_454] : memref<4x!tpu.dma_semaphore, #tpu.memory_space<semaphore_mem>> -> memref<1x!tpu.dma_semaphore, #tpu.memory_space<semaphore_mem>>
        %dma_wait3A_467 = tpu.memref_squeeze %dma_wait3A_466 : memref<1x!tpu.dma_semaphore, #tpu.memory_space<semaphore_mem>> -> memref<!tpu.dma_semaphore, #tpu.memory_space<semaphore_mem>>
        %dma_wait3A_468 = arith.constant 0 : i32
        %dma_wait3A_469 = tpu.memref_slice %arg9[%and3A_454, %dma_wait3A_468] : memref<4x128xi32, #tpu.memory_space<vmem>> -> memref<1x128xi32, #tpu.memory_space<vmem>>
        %dma_wait3A_470 = tpu.memref_squeeze %dma_wait3A_469 : memref<1x128xi32, #tpu.memory_space<vmem>> -> memref<128xi32, #tpu.memory_space<vmem>>
        %dma_wait3A_471 = tpu.memref_slice %arg4[%add3A_461] : memref<802816xi32, #tpu.memory_space<hbm>> -> memref<128xi32, #tpu.memory_space<hbm>>
        tpu.wait_dma2 semaphore(%dma_wait3A_467 : memref<!tpu.dma_semaphore, #tpu.memory_space<semaphore_mem>>) src(%dma_wait3A_471 : memref<128xi32, #tpu.memory_space<hbm>>) dst(%dma_wait3A_470 : memref<128xi32, #tpu.memory_space<vmem>>)
        %dma_wait3A_472 = arith.constant 0 : i32
        %dma_wait3A_473 = tpu.memref_slice %arg10[%and3A_454, %dma_wait3A_472] : memref<4x128xi32, #tpu.memory_space<vmem>> -> memref<1x128xi32, #tpu.memory_space<vmem>>
        %dma_wait3A_474 = tpu.memref_squeeze %dma_wait3A_473 : memref<1x128xi32, #tpu.memory_space<vmem>> -> memref<128xi32, #tpu.memory_space<vmem>>
        %dma_wait3A_475 = tpu.memref_slice %arg5[%add3A_461] : memref<802816xi32, #tpu.memory_space<hbm>> -> memref<128xi32, #tpu.memory_space<hbm>>
        %dma_wait3A_476 = tpu.memref_slice %arg22[%and3A_454] : memref<4x!tpu.dma_semaphore, #tpu.memory_space<semaphore_mem>> -> memref<1x!tpu.dma_semaphore, #tpu.memory_space<semaphore_mem>>
        %dma_wait3A_477 = tpu.memref_squeeze %dma_wait3A_476 : memref<1x!tpu.dma_semaphore, #tpu.memory_space<semaphore_mem>> -> memref<!tpu.dma_semaphore, #tpu.memory_space<semaphore_mem>>
        %dma_wait3A_478 = arith.constant 0 : i32
        %dma_wait3A_479 = tpu.memref_slice %arg10[%and3A_454, %dma_wait3A_478] : memref<4x128xi32, #tpu.memory_space<vmem>> -> memref<1x128xi32, #tpu.memory_space<vmem>>
        %dma_wait3A_480 = tpu.memref_squeeze %dma_wait3A_479 : memref<1x128xi32, #tpu.memory_space<vmem>> -> memref<128xi32, #tpu.memory_space<vmem>>
        %dma_wait3A_481 = tpu.memref_slice %arg5[%add3A_461] : memref<802816xi32, #tpu.memory_space<hbm>> -> memref<128xi32, #tpu.memory_space<hbm>>
        tpu.wait_dma2 semaphore(%dma_wait3A_477 : memref<!tpu.dma_semaphore, #tpu.memory_space<semaphore_mem>>) src(%dma_wait3A_481 : memref<128xi32, #tpu.memory_space<hbm>>) dst(%dma_wait3A_480 : memref<128xi32, #tpu.memory_space<vmem>>)
        %add3A_482 = arith.constant 2 : i32
        %add3A_483 = arith.addi %scan3A_370, %add3A_482 : i32
        %dma_start3A_484 = arith.constant 0 : i32
        %dma_start3A_485 = arith.constant 0 : i32
        %dma_start3A_486 = tpu.memref_slice %arg12[%and3A_371, %dma_start3A_484, %dma_start3A_485] : memref<2x128x128xbf16, #tpu.memory_space<vmem>> -> memref<1x128x128xbf16, #tpu.memory_space<vmem>>
        %dma_start3A_487 = tpu.memref_squeeze %dma_start3A_486 : memref<1x128x128xbf16, #tpu.memory_space<vmem>> -> memref<128x128xbf16, #tpu.memory_space<vmem>>
        %dma_start3A_488 = arith.constant 0 : i32
        %dma_start3A_489 = tpu.memref_slice %arg9[%and3A_454, %dma_start3A_488] : memref<4x128xi32, #tpu.memory_space<vmem>> -> memref<1x128xi32, #tpu.memory_space<vmem>>
        %dma_start3A_490 = tpu.memref_squeeze %dma_start3A_489 : memref<1x128xi32, #tpu.memory_space<vmem>> -> memref<128xi32, #tpu.memory_space<vmem>>
        %dma_start3A_491 = arith.constant 0 : i32
        %dma_start3A_492 = arith.constant 0 : i32
        %dma_start3A_493 = tpu.memref_slice %arg2[%dma_start3A_491, %dma_start3A_492] : memref<50000x128xbf16, #tpu.memory_space<hbm>> -> memref<50000x128xbf16, #tpu.memory_space<hbm>>
        %dma_start3A_494 = tpu.memref_slice %arg18[%and3A_371] : memref<2x!tpu.dma_semaphore, #tpu.memory_space<semaphore_mem>> -> memref<1x!tpu.dma_semaphore, #tpu.memory_space<semaphore_mem>>
        %dma_start3A_495 = tpu.memref_squeeze %dma_start3A_494 : memref<1x!tpu.dma_semaphore, #tpu.memory_space<semaphore_mem>> -> memref<!tpu.dma_semaphore, #tpu.memory_space<semaphore_mem>>
        tpu.enqueue_indirect_dma source(%dma_start3A_493 : memref<50000x128xbf16, #tpu.memory_space<hbm>>) target(%dma_start3A_487 : memref<128x128xbf16, #tpu.memory_space<vmem>>) offsets(%dma_start3A_490 : memref<128xi32, #tpu.memory_space<vmem>>) semaphore(%dma_start3A_495 : memref<!tpu.dma_semaphore, #tpu.memory_space<semaphore_mem>>)
        %dma_start3A_496 = arith.constant 0 : i32
        %dma_start3A_497 = arith.constant 0 : i32
        %dma_start3A_498 = tpu.memref_slice %arg13[%and3A_371, %dma_start3A_496, %dma_start3A_497] : memref<2x128x128xbf16, #tpu.memory_space<vmem>> -> memref<1x128x128xbf16, #tpu.memory_space<vmem>>
        %dma_start3A_499 = tpu.memref_squeeze %dma_start3A_498 : memref<1x128x128xbf16, #tpu.memory_space<vmem>> -> memref<128x128xbf16, #tpu.memory_space<vmem>>
        %dma_start3A_500 = arith.constant 0 : i32
        %dma_start3A_501 = tpu.memref_slice %arg10[%and3A_454, %dma_start3A_500] : memref<4x128xi32, #tpu.memory_space<vmem>> -> memref<1x128xi32, #tpu.memory_space<vmem>>
        %dma_start3A_502 = tpu.memref_squeeze %dma_start3A_501 : memref<1x128xi32, #tpu.memory_space<vmem>> -> memref<128xi32, #tpu.memory_space<vmem>>
        %dma_start3A_503 = arith.constant 0 : i32
        %dma_start3A_504 = arith.constant 0 : i32
        %dma_start3A_505 = tpu.memref_slice %arg2[%dma_start3A_503, %dma_start3A_504] : memref<50000x128xbf16, #tpu.memory_space<hbm>> -> memref<50000x128xbf16, #tpu.memory_space<hbm>>
        %dma_start3A_506 = tpu.memref_slice %arg19[%and3A_371] : memref<2x!tpu.dma_semaphore, #tpu.memory_space<semaphore_mem>> -> memref<1x!tpu.dma_semaphore, #tpu.memory_space<semaphore_mem>>
        %dma_start3A_507 = tpu.memref_squeeze %dma_start3A_506 : memref<1x!tpu.dma_semaphore, #tpu.memory_space<semaphore_mem>> -> memref<!tpu.dma_semaphore, #tpu.memory_space<semaphore_mem>>
        tpu.enqueue_indirect_dma source(%dma_start3A_505 : memref<50000x128xbf16, #tpu.memory_space<hbm>>) target(%dma_start3A_499 : memref<128x128xbf16, #tpu.memory_space<vmem>>) offsets(%dma_start3A_502 : memref<128xi32, #tpu.memory_space<vmem>>) semaphore(%dma_start3A_507 : memref<!tpu.dma_semaphore, #tpu.memory_space<semaphore_mem>>)
      } else {
      }
      %dma_start3A_439 = arith.constant 0 : i32
      %dma_start3A_440 = arith.constant 0 : i32
      %dma_start3A_441 = tpu.memref_slice %arg14[%and3A_371, %dma_start3A_439, %dma_start3A_440] : memref<2x128x16xf32, #tpu.memory_space<vmem>> -> memref<1x128x16xf32, #tpu.memory_space<vmem>>
      %dma_start3A_442 = tpu.memref_squeeze %dma_start3A_441 : memref<1x128x16xf32, #tpu.memory_space<vmem>> -> memref<128x16xf32, #tpu.memory_space<vmem>>
      %dma_start3A_443 = arith.constant 0 : i32
      %dma_start3A_444 = tpu.memref_slice %arg11[%and3A_371, %dma_start3A_443] : memref<2x128xi32, #tpu.memory_space<vmem>> -> memref<1x128xi32, #tpu.memory_space<vmem>>
      %dma_start3A_445 = tpu.memref_squeeze %dma_start3A_444 : memref<1x128xi32, #tpu.memory_space<vmem>> -> memref<128xi32, #tpu.memory_space<vmem>>
      %dma_start3A_446 = arith.constant 0 : i32
      %dma_start3A_447 = arith.constant 0 : i32
      %dma_start3A_448 = tpu.memref_slice %arg17[%dma_start3A_446, %dma_start3A_447] : memref<12544x16xf32, #tpu.memory_space<vmem_shared>> -> memref<12544x16xf32, #tpu.memory_space<vmem_shared>>
      %dma_start3A_449 = tpu.memref_slice %arg20[%and3A_371] : memref<2x!tpu.dma_semaphore, #tpu.memory_space<semaphore_mem>> -> memref<1x!tpu.dma_semaphore, #tpu.memory_space<semaphore_mem>>
      %dma_start3A_450 = tpu.memref_squeeze %dma_start3A_449 : memref<1x!tpu.dma_semaphore, #tpu.memory_space<semaphore_mem>> -> memref<!tpu.dma_semaphore, #tpu.memory_space<semaphore_mem>>
      tpu.enqueue_indirect_dma source(%dma_start3A_442 : memref<128x16xf32, #tpu.memory_space<vmem>>) target(%dma_start3A_448 : memref<12544x16xf32, #tpu.memory_space<vmem_shared>>) offsets(%dma_start3A_445 : memref<128xi32, #tpu.memory_space<vmem>>) semaphore(%dma_start3A_450 : memref<!tpu.dma_semaphore, #tpu.memory_space<semaphore_mem>>) {add = true}
    }
    %scan3A_268 = arith.constant 196 : i32
    %dma_wait3A_269 = arith.constant 0 : i32
    %dma_wait3A_270 = arith.constant 0 : i32
    %dma_wait3A_271 = arith.constant 0 : i32
    %dma_wait3A_272 = arith.constant 0 : i32
    %dma_wait3A_273 = arith.constant 0 : i32
    %dma_wait3A_274 = tpu.memref_slice %arg14[%dma_wait3A_269, %dma_wait3A_272, %dma_wait3A_273] : memref<2x128x16xf32, #tpu.memory_space<vmem>> -> memref<1x128x16xf32, #tpu.memory_space<vmem>>
    %dma_wait3A_275 = tpu.memref_squeeze %dma_wait3A_274 : memref<1x128x16xf32, #tpu.memory_space<vmem>> -> memref<128x16xf32, #tpu.memory_space<vmem>>
    %dma_wait3A_276 = arith.constant 0 : i32
    %dma_wait3A_277 = tpu.memref_slice %arg11[%dma_wait3A_270, %dma_wait3A_276] : memref<2x128xi32, #tpu.memory_space<vmem>> -> memref<1x128xi32, #tpu.memory_space<vmem>>
    %dma_wait3A_278 = tpu.memref_squeeze %dma_wait3A_277 : memref<1x128xi32, #tpu.memory_space<vmem>> -> memref<128xi32, #tpu.memory_space<vmem>>
    %dma_wait3A_279 = arith.constant 0 : i32
    %dma_wait3A_280 = arith.constant 0 : i32
    %dma_wait3A_281 = tpu.memref_slice %arg17[%dma_wait3A_279, %dma_wait3A_280] : memref<12544x16xf32, #tpu.memory_space<vmem_shared>> -> memref<12544x16xf32, #tpu.memory_space<vmem_shared>>
    %dma_wait3A_282 = tpu.memref_slice %arg20[%dma_wait3A_271] : memref<2x!tpu.dma_semaphore, #tpu.memory_space<semaphore_mem>> -> memref<1x!tpu.dma_semaphore, #tpu.memory_space<semaphore_mem>>
    %dma_wait3A_283 = tpu.memref_squeeze %dma_wait3A_282 : memref<1x!tpu.dma_semaphore, #tpu.memory_space<semaphore_mem>> -> memref<!tpu.dma_semaphore, #tpu.memory_space<semaphore_mem>>
    tpu.wait_indirect_dma semaphore(%dma_wait3A_283 : memref<!tpu.dma_semaphore, #tpu.memory_space<semaphore_mem>>) src(%dma_wait3A_275 : memref<128x16xf32, #tpu.memory_space<vmem>>) dst(%dma_wait3A_281 : memref<12544x16xf32, #tpu.memory_space<vmem_shared>>)
    %dma_wait3A_284 = arith.constant 1 : i32
    %dma_wait3A_285 = arith.constant 1 : i32
    %dma_wait3A_286 = arith.constant 1 : i32
    %dma_wait3A_287 = arith.constant 0 : i32
    %dma_wait3A_288 = arith.constant 0 : i32
    %dma_wait3A_289 = tpu.memref_slice %arg14[%dma_wait3A_284, %dma_wait3A_287, %dma_wait3A_288] : memref<2x128x16xf32, #tpu.memory_space<vmem>> -> memref<1x128x16xf32, #tpu.memory_space<vmem>>
    %dma_wait3A_290 = tpu.memref_squeeze %dma_wait3A_289 : memref<1x128x16xf32, #tpu.memory_space<vmem>> -> memref<128x16xf32, #tpu.memory_space<vmem>>
    %dma_wait3A_291 = arith.constant 0 : i32
    %dma_wait3A_292 = tpu.memref_slice %arg11[%dma_wait3A_285, %dma_wait3A_291] : memref<2x128xi32, #tpu.memory_space<vmem>> -> memref<1x128xi32, #tpu.memory_space<vmem>>
    %dma_wait3A_293 = tpu.memref_squeeze %dma_wait3A_292 : memref<1x128xi32, #tpu.memory_space<vmem>> -> memref<128xi32, #tpu.memory_space<vmem>>
    %dma_wait3A_294 = arith.constant 0 : i32
    %dma_wait3A_295 = arith.constant 0 : i32
    %dma_wait3A_296 = tpu.memref_slice %arg17[%dma_wait3A_294, %dma_wait3A_295] : memref<12544x16xf32, #tpu.memory_space<vmem_shared>> -> memref<12544x16xf32, #tpu.memory_space<vmem_shared>>
    %dma_wait3A_297 = tpu.memref_slice %arg20[%dma_wait3A_286] : memref<2x!tpu.dma_semaphore, #tpu.memory_space<semaphore_mem>> -> memref<1x!tpu.dma_semaphore, #tpu.memory_space<semaphore_mem>>
    %dma_wait3A_298 = tpu.memref_squeeze %dma_wait3A_297 : memref<1x!tpu.dma_semaphore, #tpu.memory_space<semaphore_mem>> -> memref<!tpu.dma_semaphore, #tpu.memory_space<semaphore_mem>>
    tpu.wait_indirect_dma semaphore(%dma_wait3A_298 : memref<!tpu.dma_semaphore, #tpu.memory_space<semaphore_mem>>) src(%dma_wait3A_290 : memref<128x16xf32, #tpu.memory_space<vmem>>) dst(%dma_wait3A_296 : memref<12544x16xf32, #tpu.memory_space<vmem_shared>>)
    %barrier3A_299 = arith.constant 0 : index
    tpu.barrier barrier_id(%barrier3A_299)
    %mul3A_300 = arith.constant 784 : i32
    %mul3A_301 = arith.muli %arg1, %mul3A_300 : i32
    %add3A_302 = arith.constant 0 : i32
    %add3A_303 = arith.addi %mul3A_301, %add3A_302 : i32
    %run_scoped3A_304 = arith.constant 0 : i32
    "tpu.region"() ({
      %run_scoped3A_370 = tpu.sem_alloc : memref<!tpu.dma_semaphore, #tpu.memory_space<semaphore_mem>>
      %dma_start3A_371 = arith.constant 0 : i32
      %dma_start3A_372 = arith.constant 0 : i32
      %dma_start3A_373 = tpu.memref_slice %arg14[%run_scoped3A_304, %dma_start3A_371, %dma_start3A_372] : memref<2x128x16xf32, #tpu.memory_space<vmem>> -> memref<1x112x16xf32, #tpu.memory_space<vmem>>
      %dma_start3A_374 = tpu.memref_squeeze %dma_start3A_373 : memref<1x112x16xf32, #tpu.memory_space<vmem>> -> memref<112x16xf32, #tpu.memory_space<vmem>>
      %dma_start3A_375 = arith.constant 0 : i32
      %dma_start3A_376 = tpu.memref_slice %arg17[%add3A_303, %dma_start3A_375] : memref<12544x16xf32, #tpu.memory_space<vmem_shared>> -> memref<112x16xf32, #tpu.memory_space<vmem_shared>>
      %dma_start3A_377 = arith.constant 0 : i32
      %dma_start3A_378 = arith.constant 0 : i32
      %dma_start3A_379 = tpu.memref_slice %arg14[%run_scoped3A_304, %dma_start3A_377, %dma_start3A_378] : memref<2x128x16xf32, #tpu.memory_space<vmem>> -> memref<1x112x16xf32, #tpu.memory_space<vmem>>
      %dma_start3A_380 = tpu.memref_squeeze %dma_start3A_379 : memref<1x112x16xf32, #tpu.memory_space<vmem>> -> memref<112x16xf32, #tpu.memory_space<vmem>>
      %dma_start3A_381 = arith.constant 0 : i32
      %dma_start3A_382 = tpu.memref_slice %arg17[%add3A_303, %dma_start3A_381] : memref<12544x16xf32, #tpu.memory_space<vmem_shared>> -> memref<112x16xf32, #tpu.memory_space<vmem_shared>>
      tpu.enqueue_dma source(%dma_start3A_382 : memref<112x16xf32, #tpu.memory_space<vmem_shared>>) target(%dma_start3A_380 : memref<112x16xf32, #tpu.memory_space<vmem>>) target_semaphore(%run_scoped3A_370 : memref<!tpu.dma_semaphore, #tpu.memory_space<semaphore_mem>>)
      %dma_wait3A_383 = arith.constant 0 : i32
      %dma_wait3A_384 = arith.constant 0 : i32
      %dma_wait3A_385 = tpu.memref_slice %arg14[%run_scoped3A_304, %dma_wait3A_383, %dma_wait3A_384] : memref<2x128x16xf32, #tpu.memory_space<vmem>> -> memref<1x112x16xf32, #tpu.memory_space<vmem>>
      %dma_wait3A_386 = tpu.memref_squeeze %dma_wait3A_385 : memref<1x112x16xf32, #tpu.memory_space<vmem>> -> memref<112x16xf32, #tpu.memory_space<vmem>>
      %dma_wait3A_387 = arith.constant 0 : i32
      %dma_wait3A_388 = tpu.memref_slice %arg17[%add3A_303, %dma_wait3A_387] : memref<12544x16xf32, #tpu.memory_space<vmem_shared>> -> memref<112x16xf32, #tpu.memory_space<vmem_shared>>
      %dma_wait3A_389 = arith.constant 0 : i32
      %dma_wait3A_390 = arith.constant 0 : i32
      %dma_wait3A_391 = tpu.memref_slice %arg14[%run_scoped3A_304, %dma_wait3A_389, %dma_wait3A_390] : memref<2x128x16xf32, #tpu.memory_space<vmem>> -> memref<1x112x16xf32, #tpu.memory_space<vmem>>
      %dma_wait3A_392 = tpu.memref_squeeze %dma_wait3A_391 : memref<1x112x16xf32, #tpu.memory_space<vmem>> -> memref<112x16xf32, #tpu.memory_space<vmem>>
      %dma_wait3A_393 = arith.constant 0 : i32
      %dma_wait3A_394 = tpu.memref_slice %arg17[%add3A_303, %dma_wait3A_393] : memref<12544x16xf32, #tpu.memory_space<vmem_shared>> -> memref<112x16xf32, #tpu.memory_space<vmem_shared>>
      tpu.wait_dma2 semaphore(%run_scoped3A_370 : memref<!tpu.dma_semaphore, #tpu.memory_space<semaphore_mem>>) src(%dma_wait3A_394 : memref<112x16xf32, #tpu.memory_space<vmem_shared>>) dst(%dma_wait3A_392 : memref<112x16xf32, #tpu.memory_space<vmem>>)
      tpu.yield
    }) : () -> ()
    %mul3A_305 = arith.constant 784 : i32
    %mul3A_306 = arith.muli %arg1, %mul3A_305 : i32
    %add3A_307 = arith.constant 0 : i32
    %add3A_308 = arith.addi %mul3A_306, %add3A_307 : i32
    %run_scoped3A_309 = arith.constant 0 : i32
    "tpu.region"() ({
      %run_scoped3A_370 = tpu.sem_alloc : memref<!tpu.dma_semaphore, #tpu.memory_space<semaphore_mem>>
      %dma_start3A_371 = arith.constant 0 : i32
      %dma_start3A_372 = arith.constant 0 : i32
      %dma_start3A_373 = tpu.memref_slice %arg14[%run_scoped3A_309, %dma_start3A_371, %dma_start3A_372] : memref<2x128x16xf32, #tpu.memory_space<vmem>> -> memref<1x112x16xf32, #tpu.memory_space<vmem>>
      %dma_start3A_374 = tpu.memref_squeeze %dma_start3A_373 : memref<1x112x16xf32, #tpu.memory_space<vmem>> -> memref<112x16xf32, #tpu.memory_space<vmem>>
      %dma_start3A_375 = arith.constant 0 : i32
      %dma_start3A_376 = tpu.memref_slice %arg8[%arg0, %add3A_308, %dma_start3A_375] : memref<2x12544x16xf32, #tpu.memory_space<hbm>> -> memref<1x112x16xf32, #tpu.memory_space<hbm>>
      %dma_start3A_377 = tpu.memref_squeeze %dma_start3A_376 : memref<1x112x16xf32, #tpu.memory_space<hbm>> -> memref<112x16xf32, #tpu.memory_space<hbm>>
      %dma_start3A_378 = arith.constant 0 : i32
      %dma_start3A_379 = tpu.memref_slice %arg8[%arg0, %add3A_308, %dma_start3A_378] : memref<2x12544x16xf32, #tpu.memory_space<hbm>> -> memref<1x112x16xf32, #tpu.memory_space<hbm>>
      %dma_start3A_380 = tpu.memref_squeeze %dma_start3A_379 : memref<1x112x16xf32, #tpu.memory_space<hbm>> -> memref<112x16xf32, #tpu.memory_space<hbm>>
      %dma_start3A_381 = arith.constant 0 : i32
      %dma_start3A_382 = arith.constant 0 : i32
      %dma_start3A_383 = tpu.memref_slice %arg14[%run_scoped3A_309, %dma_start3A_381, %dma_start3A_382] : memref<2x128x16xf32, #tpu.memory_space<vmem>> -> memref<1x112x16xf32, #tpu.memory_space<vmem>>
      %dma_start3A_384 = tpu.memref_squeeze %dma_start3A_383 : memref<1x112x16xf32, #tpu.memory_space<vmem>> -> memref<112x16xf32, #tpu.memory_space<vmem>>
      tpu.enqueue_dma source(%dma_start3A_384 : memref<112x16xf32, #tpu.memory_space<vmem>>) target(%dma_start3A_380 : memref<112x16xf32, #tpu.memory_space<hbm>>) target_semaphore(%run_scoped3A_370 : memref<!tpu.dma_semaphore, #tpu.memory_space<semaphore_mem>>)
      %dma_wait3A_385 = arith.constant 0 : i32
      %dma_wait3A_386 = arith.constant 0 : i32
      %dma_wait3A_387 = tpu.memref_slice %arg14[%run_scoped3A_309, %dma_wait3A_385, %dma_wait3A_386] : memref<2x128x16xf32, #tpu.memory_space<vmem>> -> memref<1x112x16xf32, #tpu.memory_space<vmem>>
      %dma_wait3A_388 = tpu.memref_squeeze %dma_wait3A_387 : memref<1x112x16xf32, #tpu.memory_space<vmem>> -> memref<112x16xf32, #tpu.memory_space<vmem>>
      %dma_wait3A_389 = arith.constant 0 : i32
      %dma_wait3A_390 = tpu.memref_slice %arg8[%arg0, %add3A_308, %dma_wait3A_389] : memref<2x12544x16xf32, #tpu.memory_space<hbm>> -> memref<1x112x16xf32, #tpu.memory_space<hbm>>
      %dma_wait3A_391 = tpu.memref_squeeze %dma_wait3A_390 : memref<1x112x16xf32, #tpu.memory_space<hbm>> -> memref<112x16xf32, #tpu.memory_space<hbm>>
      %dma_wait3A_392 = arith.constant 0 : i32
      %dma_wait3A_393 = tpu.memref_slice %arg8[%arg0, %add3A_308, %dma_wait3A_392] : memref<2x12544x16xf32, #tpu.memory_space<hbm>> -> memref<1x112x16xf32, #tpu.memory_space<hbm>>
      %dma_wait3A_394 = tpu.memref_squeeze %dma_wait3A_393 : memref<1x112x16xf32, #tpu.memory_space<hbm>> -> memref<112x16xf32, #tpu.memory_space<hbm>>
      %dma_wait3A_395 = arith.constant 0 : i32
      %dma_wait3A_396 = arith.constant 0 : i32
      %dma_wait3A_397 = tpu.memref_slice %arg14[%run_scoped3A_309, %dma_wait3A_395, %dma_wait3A_396] : memref<2x128x16xf32, #tpu.memory_space<vmem>> -> memref<1x112x16xf32, #tpu.memory_space<vmem>>
      %dma_wait3A_398 = tpu.memref_squeeze %dma_wait3A_397 : memref<1x112x16xf32, #tpu.memory_space<vmem>> -> memref<112x16xf32, #tpu.memory_space<vmem>>
      tpu.wait_dma2 semaphore(%run_scoped3A_370 : memref<!tpu.dma_semaphore, #tpu.memory_space<semaphore_mem>>) src(%dma_wait3A_398 : memref<112x16xf32, #tpu.memory_space<vmem>>) dst(%dma_wait3A_394 : memref<112x16xf32, #tpu.memory_space<hbm>>)
      tpu.yield
    }) : () -> ()
    %mul3A_310 = arith.constant 784 : i32
    %mul3A_311 = arith.muli %arg1, %mul3A_310 : i32
    %add3A_312 = arith.constant 112 : i32
    %add3A_313 = arith.addi %mul3A_311, %add3A_312 : i32
    %run_scoped3A_314 = arith.constant 0 : i32
    "tpu.region"() ({
      %run_scoped3A_370 = tpu.sem_alloc : memref<!tpu.dma_semaphore, #tpu.memory_space<semaphore_mem>>
      %dma_start3A_371 = arith.constant 0 : i32
      %dma_start3A_372 = arith.constant 0 : i32
      %dma_start3A_373 = tpu.memref_slice %arg14[%run_scoped3A_314, %dma_start3A_371, %dma_start3A_372] : memref<2x128x16xf32, #tpu.memory_space<vmem>> -> memref<1x112x16xf32, #tpu.memory_space<vmem>>
      %dma_start3A_374 = tpu.memref_squeeze %dma_start3A_373 : memref<1x112x16xf32, #tpu.memory_space<vmem>> -> memref<112x16xf32, #tpu.memory_space<vmem>>
      %dma_start3A_375 = arith.constant 0 : i32
      %dma_start3A_376 = tpu.memref_slice %arg17[%add3A_313, %dma_start3A_375] : memref<12544x16xf32, #tpu.memory_space<vmem_shared>> -> memref<112x16xf32, #tpu.memory_space<vmem_shared>>
      %dma_start3A_377 = arith.constant 0 : i32
      %dma_start3A_378 = arith.constant 0 : i32
      %dma_start3A_379 = tpu.memref_slice %arg14[%run_scoped3A_314, %dma_start3A_377, %dma_start3A_378] : memref<2x128x16xf32, #tpu.memory_space<vmem>> -> memref<1x112x16xf32, #tpu.memory_space<vmem>>
      %dma_start3A_380 = tpu.memref_squeeze %dma_start3A_379 : memref<1x112x16xf32, #tpu.memory_space<vmem>> -> memref<112x16xf32, #tpu.memory_space<vmem>>
      %dma_start3A_381 = arith.constant 0 : i32
      %dma_start3A_382 = tpu.memref_slice %arg17[%add3A_313, %dma_start3A_381] : memref<12544x16xf32, #tpu.memory_space<vmem_shared>> -> memref<112x16xf32, #tpu.memory_space<vmem_shared>>
      tpu.enqueue_dma source(%dma_start3A_382 : memref<112x16xf32, #tpu.memory_space<vmem_shared>>) target(%dma_start3A_380 : memref<112x16xf32, #tpu.memory_space<vmem>>) target_semaphore(%run_scoped3A_370 : memref<!tpu.dma_semaphore, #tpu.memory_space<semaphore_mem>>)
      %dma_wait3A_383 = arith.constant 0 : i32
      %dma_wait3A_384 = arith.constant 0 : i32
      %dma_wait3A_385 = tpu.memref_slice %arg14[%run_scoped3A_314, %dma_wait3A_383, %dma_wait3A_384] : memref<2x128x16xf32, #tpu.memory_space<vmem>> -> memref<1x112x16xf32, #tpu.memory_space<vmem>>
      %dma_wait3A_386 = tpu.memref_squeeze %dma_wait3A_385 : memref<1x112x16xf32, #tpu.memory_space<vmem>> -> memref<112x16xf32, #tpu.memory_space<vmem>>
      %dma_wait3A_387 = arith.constant 0 : i32
      %dma_wait3A_388 = tpu.memref_slice %arg17[%add3A_313, %dma_wait3A_387] : memref<12544x16xf32, #tpu.memory_space<vmem_shared>> -> memref<112x16xf32, #tpu.memory_space<vmem_shared>>
      %dma_wait3A_389 = arith.constant 0 : i32
      %dma_wait3A_390 = arith.constant 0 : i32
      %dma_wait3A_391 = tpu.memref_slice %arg14[%run_scoped3A_314, %dma_wait3A_389, %dma_wait3A_390] : memref<2x128x16xf32, #tpu.memory_space<vmem>> -> memref<1x112x16xf32, #tpu.memory_space<vmem>>
      %dma_wait3A_392 = tpu.memref_squeeze %dma_wait3A_391 : memref<1x112x16xf32, #tpu.memory_space<vmem>> -> memref<112x16xf32, #tpu.memory_space<vmem>>
      %dma_wait3A_393 = arith.constant 0 : i32
      %dma_wait3A_394 = tpu.memref_slice %arg17[%add3A_313, %dma_wait3A_393] : memref<12544x16xf32, #tpu.memory_space<vmem_shared>> -> memref<112x16xf32, #tpu.memory_space<vmem_shared>>
      tpu.wait_dma2 semaphore(%run_scoped3A_370 : memref<!tpu.dma_semaphore, #tpu.memory_space<semaphore_mem>>) src(%dma_wait3A_394 : memref<112x16xf32, #tpu.memory_space<vmem_shared>>) dst(%dma_wait3A_392 : memref<112x16xf32, #tpu.memory_space<vmem>>)
      tpu.yield
    }) : () -> ()
    %mul3A_315 = arith.constant 784 : i32
    %mul3A_316 = arith.muli %arg1, %mul3A_315 : i32
    %add3A_317 = arith.constant 112 : i32
    %add3A_318 = arith.addi %mul3A_316, %add3A_317 : i32
    %run_scoped3A_319 = arith.constant 0 : i32
    "tpu.region"() ({
      %run_scoped3A_370 = tpu.sem_alloc : memref<!tpu.dma_semaphore, #tpu.memory_space<semaphore_mem>>
      %dma_start3A_371 = arith.constant 0 : i32
      %dma_start3A_372 = arith.constant 0 : i32
      %dma_start3A_373 = tpu.memref_slice %arg14[%run_scoped3A_319, %dma_start3A_371, %dma_start3A_372] : memref<2x128x16xf32, #tpu.memory_space<vmem>> -> memref<1x112x16xf32, #tpu.memory_space<vmem>>
      %dma_start3A_374 = tpu.memref_squeeze %dma_start3A_373 : memref<1x112x16xf32, #tpu.memory_space<vmem>> -> memref<112x16xf32, #tpu.memory_space<vmem>>
      %dma_start3A_375 = arith.constant 0 : i32
      %dma_start3A_376 = tpu.memref_slice %arg8[%arg0, %add3A_318, %dma_start3A_375] : memref<2x12544x16xf32, #tpu.memory_space<hbm>> -> memref<1x112x16xf32, #tpu.memory_space<hbm>>
      %dma_start3A_377 = tpu.memref_squeeze %dma_start3A_376 : memref<1x112x16xf32, #tpu.memory_space<hbm>> -> memref<112x16xf32, #tpu.memory_space<hbm>>
      %dma_start3A_378 = arith.constant 0 : i32
      %dma_start3A_379 = tpu.memref_slice %arg8[%arg0, %add3A_318, %dma_start3A_378] : memref<2x12544x16xf32, #tpu.memory_space<hbm>> -> memref<1x112x16xf32, #tpu.memory_space<hbm>>
      %dma_start3A_380 = tpu.memref_squeeze %dma_start3A_379 : memref<1x112x16xf32, #tpu.memory_space<hbm>> -> memref<112x16xf32, #tpu.memory_space<hbm>>
      %dma_start3A_381 = arith.constant 0 : i32
      %dma_start3A_382 = arith.constant 0 : i32
      %dma_start3A_383 = tpu.memref_slice %arg14[%run_scoped3A_319, %dma_start3A_381, %dma_start3A_382] : memref<2x128x16xf32, #tpu.memory_space<vmem>> -> memref<1x112x16xf32, #tpu.memory_space<vmem>>
      %dma_start3A_384 = tpu.memref_squeeze %dma_start3A_383 : memref<1x112x16xf32, #tpu.memory_space<vmem>> -> memref<112x16xf32, #tpu.memory_space<vmem>>
      tpu.enqueue_dma source(%dma_start3A_384 : memref<112x16xf32, #tpu.memory_space<vmem>>) target(%dma_start3A_380 : memref<112x16xf32, #tpu.memory_space<hbm>>) target_semaphore(%run_scoped3A_370 : memref<!tpu.dma_semaphore, #tpu.memory_space<semaphore_mem>>)
      %dma_wait3A_385 = arith.constant 0 : i32
      %dma_wait3A_386 = arith.constant 0 : i32
      %dma_wait3A_387 = tpu.memref_slice %arg14[%run_scoped3A_319, %dma_wait3A_385, %dma_wait3A_386] : memref<2x128x16xf32, #tpu.memory_space<vmem>> -> memref<1x112x16xf32, #tpu.memory_space<vmem>>
      %dma_wait3A_388 = tpu.memref_squeeze %dma_wait3A_387 : memref<1x112x16xf32, #tpu.memory_space<vmem>> -> memref<112x16xf32, #tpu.memory_space<vmem>>
      %dma_wait3A_389 = arith.constant 0 : i32
      %dma_wait3A_390 = tpu.memref_slice %arg8[%arg0, %add3A_318, %dma_wait3A_389] : memref<2x12544x16xf32, #tpu.memory_space<hbm>> -> memref<1x112x16xf32, #tpu.memory_space<hbm>>
      %dma_wait3A_391 = tpu.memref_squeeze %dma_wait3A_390 : memref<1x112x16xf32, #tpu.memory_space<hbm>> -> memref<112x16xf32, #tpu.memory_space<hbm>>
      %dma_wait3A_392 = arith.constant 0 : i32
      %dma_wait3A_393 = tpu.memref_slice %arg8[%arg0, %add3A_318, %dma_wait3A_392] : memref<2x12544x16xf32, #tpu.memory_space<hbm>> -> memref<1x112x16xf32, #tpu.memory_space<hbm>>
      %dma_wait3A_394 = tpu.memref_squeeze %dma_wait3A_393 : memref<1x112x16xf32, #tpu.memory_space<hbm>> -> memref<112x16xf32, #tpu.memory_space<hbm>>
      %dma_wait3A_395 = arith.constant 0 : i32
      %dma_wait3A_396 = arith.constant 0 : i32
      %dma_wait3A_397 = tpu.memref_slice %arg14[%run_scoped3A_319, %dma_wait3A_395, %dma_wait3A_396] : memref<2x128x16xf32, #tpu.memory_space<vmem>> -> memref<1x112x16xf32, #tpu.memory_space<vmem>>
      %dma_wait3A_398 = tpu.memref_squeeze %dma_wait3A_397 : memref<1x112x16xf32, #tpu.memory_space<vmem>> -> memref<112x16xf32, #tpu.memory_space<vmem>>
      tpu.wait_dma2 semaphore(%run_scoped3A_370 : memref<!tpu.dma_semaphore, #tpu.memory_space<semaphore_mem>>) src(%dma_wait3A_398 : memref<112x16xf32, #tpu.memory_space<vmem>>) dst(%dma_wait3A_394 : memref<112x16xf32, #tpu.memory_space<hbm>>)
      tpu.yield
    }) : () -> ()
    %mul3A_320 = arith.constant 784 : i32
    %mul3A_321 = arith.muli %arg1, %mul3A_320 : i32
    %add3A_322 = arith.constant 224 : i32
    %add3A_323 = arith.addi %mul3A_321, %add3A_322 : i32
    %run_scoped3A_324 = arith.constant 0 : i32
    "tpu.region"() ({
      %run_scoped3A_370 = tpu.sem_alloc : memref<!tpu.dma_semaphore, #tpu.memory_space<semaphore_mem>>
      %dma_start3A_371 = arith.constant 0 : i32
      %dma_start3A_372 = arith.constant 0 : i32
      %dma_start3A_373 = tpu.memref_slice %arg14[%run_scoped3A_324, %dma_start3A_371, %dma_start3A_372] : memref<2x128x16xf32, #tpu.memory_space<vmem>> -> memref<1x112x16xf32, #tpu.memory_space<vmem>>
      %dma_start3A_374 = tpu.memref_squeeze %dma_start3A_373 : memref<1x112x16xf32, #tpu.memory_space<vmem>> -> memref<112x16xf32, #tpu.memory_space<vmem>>
      %dma_start3A_375 = arith.constant 0 : i32
      %dma_start3A_376 = tpu.memref_slice %arg17[%add3A_323, %dma_start3A_375] : memref<12544x16xf32, #tpu.memory_space<vmem_shared>> -> memref<112x16xf32, #tpu.memory_space<vmem_shared>>
      %dma_start3A_377 = arith.constant 0 : i32
      %dma_start3A_378 = arith.constant 0 : i32
      %dma_start3A_379 = tpu.memref_slice %arg14[%run_scoped3A_324, %dma_start3A_377, %dma_start3A_378] : memref<2x128x16xf32, #tpu.memory_space<vmem>> -> memref<1x112x16xf32, #tpu.memory_space<vmem>>
      %dma_start3A_380 = tpu.memref_squeeze %dma_start3A_379 : memref<1x112x16xf32, #tpu.memory_space<vmem>> -> memref<112x16xf32, #tpu.memory_space<vmem>>
      %dma_start3A_381 = arith.constant 0 : i32
      %dma_start3A_382 = tpu.memref_slice %arg17[%add3A_323, %dma_start3A_381] : memref<12544x16xf32, #tpu.memory_space<vmem_shared>> -> memref<112x16xf32, #tpu.memory_space<vmem_shared>>
      tpu.enqueue_dma source(%dma_start3A_382 : memref<112x16xf32, #tpu.memory_space<vmem_shared>>) target(%dma_start3A_380 : memref<112x16xf32, #tpu.memory_space<vmem>>) target_semaphore(%run_scoped3A_370 : memref<!tpu.dma_semaphore, #tpu.memory_space<semaphore_mem>>)
      %dma_wait3A_383 = arith.constant 0 : i32
      %dma_wait3A_384 = arith.constant 0 : i32
      %dma_wait3A_385 = tpu.memref_slice %arg14[%run_scoped3A_324, %dma_wait3A_383, %dma_wait3A_384] : memref<2x128x16xf32, #tpu.memory_space<vmem>> -> memref<1x112x16xf32, #tpu.memory_space<vmem>>
      %dma_wait3A_386 = tpu.memref_squeeze %dma_wait3A_385 : memref<1x112x16xf32, #tpu.memory_space<vmem>> -> memref<112x16xf32, #tpu.memory_space<vmem>>
      %dma_wait3A_387 = arith.constant 0 : i32
      %dma_wait3A_388 = tpu.memref_slice %arg17[%add3A_323, %dma_wait3A_387] : memref<12544x16xf32, #tpu.memory_space<vmem_shared>> -> memref<112x16xf32, #tpu.memory_space<vmem_shared>>
      %dma_wait3A_389 = arith.constant 0 : i32
      %dma_wait3A_390 = arith.constant 0 : i32
      %dma_wait3A_391 = tpu.memref_slice %arg14[%run_scoped3A_324, %dma_wait3A_389, %dma_wait3A_390] : memref<2x128x16xf32, #tpu.memory_space<vmem>> -> memref<1x112x16xf32, #tpu.memory_space<vmem>>
      %dma_wait3A_392 = tpu.memref_squeeze %dma_wait3A_391 : memref<1x112x16xf32, #tpu.memory_space<vmem>> -> memref<112x16xf32, #tpu.memory_space<vmem>>
      %dma_wait3A_393 = arith.constant 0 : i32
      %dma_wait3A_394 = tpu.memref_slice %arg17[%add3A_323, %dma_wait3A_393] : memref<12544x16xf32, #tpu.memory_space<vmem_shared>> -> memref<112x16xf32, #tpu.memory_space<vmem_shared>>
      tpu.wait_dma2 semaphore(%run_scoped3A_370 : memref<!tpu.dma_semaphore, #tpu.memory_space<semaphore_mem>>) src(%dma_wait3A_394 : memref<112x16xf32, #tpu.memory_space<vmem_shared>>) dst(%dma_wait3A_392 : memref<112x16xf32, #tpu.memory_space<vmem>>)
      tpu.yield
    }) : () -> ()
    %mul3A_325 = arith.constant 784 : i32
    %mul3A_326 = arith.muli %arg1, %mul3A_325 : i32
    %add3A_327 = arith.constant 224 : i32
    %add3A_328 = arith.addi %mul3A_326, %add3A_327 : i32
    %run_scoped3A_329 = arith.constant 0 : i32
    "tpu.region"() ({
      %run_scoped3A_370 = tpu.sem_alloc : memref<!tpu.dma_semaphore, #tpu.memory_space<semaphore_mem>>
      %dma_start3A_371 = arith.constant 0 : i32
      %dma_start3A_372 = arith.constant 0 : i32
      %dma_start3A_373 = tpu.memref_slice %arg14[%run_scoped3A_329, %dma_start3A_371, %dma_start3A_372] : memref<2x128x16xf32, #tpu.memory_space<vmem>> -> memref<1x112x16xf32, #tpu.memory_space<vmem>>
      %dma_start3A_374 = tpu.memref_squeeze %dma_start3A_373 : memref<1x112x16xf32, #tpu.memory_space<vmem>> -> memref<112x16xf32, #tpu.memory_space<vmem>>
      %dma_start3A_375 = arith.constant 0 : i32
      %dma_start3A_376 = tpu.memref_slice %arg8[%arg0, %add3A_328, %dma_start3A_375] : memref<2x12544x16xf32, #tpu.memory_space<hbm>> -> memref<1x112x16xf32, #tpu.memory_space<hbm>>
      %dma_start3A_377 = tpu.memref_squeeze %dma_start3A_376 : memref<1x112x16xf32, #tpu.memory_space<hbm>> -> memref<112x16xf32, #tpu.memory_space<hbm>>
      %dma_start3A_378 = arith.constant 0 : i32
      %dma_start3A_379 = tpu.memref_slice %arg8[%arg0, %add3A_328, %dma_start3A_378] : memref<2x12544x16xf32, #tpu.memory_space<hbm>> -> memref<1x112x16xf32, #tpu.memory_space<hbm>>
      %dma_start3A_380 = tpu.memref_squeeze %dma_start3A_379 : memref<1x112x16xf32, #tpu.memory_space<hbm>> -> memref<112x16xf32, #tpu.memory_space<hbm>>
      %dma_start3A_381 = arith.constant 0 : i32
      %dma_start3A_382 = arith.constant 0 : i32
      %dma_start3A_383 = tpu.memref_slice %arg14[%run_scoped3A_329, %dma_start3A_381, %dma_start3A_382] : memref<2x128x16xf32, #tpu.memory_space<vmem>> -> memref<1x112x16xf32, #tpu.memory_space<vmem>>
      %dma_start3A_384 = tpu.memref_squeeze %dma_start3A_383 : memref<1x112x16xf32, #tpu.memory_space<vmem>> -> memref<112x16xf32, #tpu.memory_space<vmem>>
      tpu.enqueue_dma source(%dma_start3A_384 : memref<112x16xf32, #tpu.memory_space<vmem>>) target(%dma_start3A_380 : memref<112x16xf32, #tpu.memory_space<hbm>>) target_semaphore(%run_scoped3A_370 : memref<!tpu.dma_semaphore, #tpu.memory_space<semaphore_mem>>)
      %dma_wait3A_385 = arith.constant 0 : i32
      %dma_wait3A_386 = arith.constant 0 : i32
      %dma_wait3A_387 = tpu.memref_slice %arg14[%run_scoped3A_329, %dma_wait3A_385, %dma_wait3A_386] : memref<2x128x16xf32, #tpu.memory_space<vmem>> -> memref<1x112x16xf32, #tpu.memory_space<vmem>>
      %dma_wait3A_388 = tpu.memref_squeeze %dma_wait3A_387 : memref<1x112x16xf32, #tpu.memory_space<vmem>> -> memref<112x16xf32, #tpu.memory_space<vmem>>
      %dma_wait3A_389 = arith.constant 0 : i32
      %dma_wait3A_390 = tpu.memref_slice %arg8[%arg0, %add3A_328, %dma_wait3A_389] : memref<2x12544x16xf32, #tpu.memory_space<hbm>> -> memref<1x112x16xf32, #tpu.memory_space<hbm>>
      %dma_wait3A_391 = tpu.memref_squeeze %dma_wait3A_390 : memref<1x112x16xf32, #tpu.memory_space<hbm>> -> memref<112x16xf32, #tpu.memory_space<hbm>>
      %dma_wait3A_392 = arith.constant 0 : i32
      %dma_wait3A_393 = tpu.memref_slice %arg8[%arg0, %add3A_328, %dma_wait3A_392] : memref<2x12544x16xf32, #tpu.memory_space<hbm>> -> memref<1x112x16xf32, #tpu.memory_space<hbm>>
      %dma_wait3A_394 = tpu.memref_squeeze %dma_wait3A_393 : memref<1x112x16xf32, #tpu.memory_space<hbm>> -> memref<112x16xf32, #tpu.memory_space<hbm>>
      %dma_wait3A_395 = arith.constant 0 : i32
      %dma_wait3A_396 = arith.constant 0 : i32
      %dma_wait3A_397 = tpu.memref_slice %arg14[%run_scoped3A_329, %dma_wait3A_395, %dma_wait3A_396] : memref<2x128x16xf32, #tpu.memory_space<vmem>> -> memref<1x112x16xf32, #tpu.memory_space<vmem>>
      %dma_wait3A_398 = tpu.memref_squeeze %dma_wait3A_397 : memref<1x112x16xf32, #tpu.memory_space<vmem>> -> memref<112x16xf32, #tpu.memory_space<vmem>>
      tpu.wait_dma2 semaphore(%run_scoped3A_370 : memref<!tpu.dma_semaphore, #tpu.memory_space<semaphore_mem>>) src(%dma_wait3A_398 : memref<112x16xf32, #tpu.memory_space<vmem>>) dst(%dma_wait3A_394 : memref<112x16xf32, #tpu.memory_space<hbm>>)
      tpu.yield
    }) : () -> ()
    %mul3A_330 = arith.constant 784 : i32
    %mul3A_331 = arith.muli %arg1, %mul3A_330 : i32
    %add3A_332 = arith.constant 336 : i32
    %add3A_333 = arith.addi %mul3A_331, %add3A_332 : i32
    %run_scoped3A_334 = arith.constant 0 : i32
    "tpu.region"() ({
      %run_scoped3A_370 = tpu.sem_alloc : memref<!tpu.dma_semaphore, #tpu.memory_space<semaphore_mem>>
      %dma_start3A_371 = arith.constant 0 : i32
      %dma_start3A_372 = arith.constant 0 : i32
      %dma_start3A_373 = tpu.memref_slice %arg14[%run_scoped3A_334, %dma_start3A_371, %dma_start3A_372] : memref<2x128x16xf32, #tpu.memory_space<vmem>> -> memref<1x112x16xf32, #tpu.memory_space<vmem>>
      %dma_start3A_374 = tpu.memref_squeeze %dma_start3A_373 : memref<1x112x16xf32, #tpu.memory_space<vmem>> -> memref<112x16xf32, #tpu.memory_space<vmem>>
      %dma_start3A_375 = arith.constant 0 : i32
      %dma_start3A_376 = tpu.memref_slice %arg17[%add3A_333, %dma_start3A_375] : memref<12544x16xf32, #tpu.memory_space<vmem_shared>> -> memref<112x16xf32, #tpu.memory_space<vmem_shared>>
      %dma_start3A_377 = arith.constant 0 : i32
      %dma_start3A_378 = arith.constant 0 : i32
      %dma_start3A_379 = tpu.memref_slice %arg14[%run_scoped3A_334, %dma_start3A_377, %dma_start3A_378] : memref<2x128x16xf32, #tpu.memory_space<vmem>> -> memref<1x112x16xf32, #tpu.memory_space<vmem>>
      %dma_start3A_380 = tpu.memref_squeeze %dma_start3A_379 : memref<1x112x16xf32, #tpu.memory_space<vmem>> -> memref<112x16xf32, #tpu.memory_space<vmem>>
      %dma_start3A_381 = arith.constant 0 : i32
      %dma_start3A_382 = tpu.memref_slice %arg17[%add3A_333, %dma_start3A_381] : memref<12544x16xf32, #tpu.memory_space<vmem_shared>> -> memref<112x16xf32, #tpu.memory_space<vmem_shared>>
      tpu.enqueue_dma source(%dma_start3A_382 : memref<112x16xf32, #tpu.memory_space<vmem_shared>>) target(%dma_start3A_380 : memref<112x16xf32, #tpu.memory_space<vmem>>) target_semaphore(%run_scoped3A_370 : memref<!tpu.dma_semaphore, #tpu.memory_space<semaphore_mem>>)
      %dma_wait3A_383 = arith.constant 0 : i32
      %dma_wait3A_384 = arith.constant 0 : i32
      %dma_wait3A_385 = tpu.memref_slice %arg14[%run_scoped3A_334, %dma_wait3A_383, %dma_wait3A_384] : memref<2x128x16xf32, #tpu.memory_space<vmem>> -> memref<1x112x16xf32, #tpu.memory_space<vmem>>
      %dma_wait3A_386 = tpu.memref_squeeze %dma_wait3A_385 : memref<1x112x16xf32, #tpu.memory_space<vmem>> -> memref<112x16xf32, #tpu.memory_space<vmem>>
      %dma_wait3A_387 = arith.constant 0 : i32
      %dma_wait3A_388 = tpu.memref_slice %arg17[%add3A_333, %dma_wait3A_387] : memref<12544x16xf32, #tpu.memory_space<vmem_shared>> -> memref<112x16xf32, #tpu.memory_space<vmem_shared>>
      %dma_wait3A_389 = arith.constant 0 : i32
      %dma_wait3A_390 = arith.constant 0 : i32
      %dma_wait3A_391 = tpu.memref_slice %arg14[%run_scoped3A_334, %dma_wait3A_389, %dma_wait3A_390] : memref<2x128x16xf32, #tpu.memory_space<vmem>> -> memref<1x112x16xf32, #tpu.memory_space<vmem>>
      %dma_wait3A_392 = tpu.memref_squeeze %dma_wait3A_391 : memref<1x112x16xf32, #tpu.memory_space<vmem>> -> memref<112x16xf32, #tpu.memory_space<vmem>>
      %dma_wait3A_393 = arith.constant 0 : i32
      %dma_wait3A_394 = tpu.memref_slice %arg17[%add3A_333, %dma_wait3A_393] : memref<12544x16xf32, #tpu.memory_space<vmem_shared>> -> memref<112x16xf32, #tpu.memory_space<vmem_shared>>
      tpu.wait_dma2 semaphore(%run_scoped3A_370 : memref<!tpu.dma_semaphore, #tpu.memory_space<semaphore_mem>>) src(%dma_wait3A_394 : memref<112x16xf32, #tpu.memory_space<vmem_shared>>) dst(%dma_wait3A_392 : memref<112x16xf32, #tpu.memory_space<vmem>>)
      tpu.yield
    }) : () -> ()
    %mul3A_335 = arith.constant 784 : i32
    %mul3A_336 = arith.muli %arg1, %mul3A_335 : i32
    %add3A_337 = arith.constant 336 : i32
    %add3A_338 = arith.addi %mul3A_336, %add3A_337 : i32
    %run_scoped3A_339 = arith.constant 0 : i32
    "tpu.region"() ({
      %run_scoped3A_370 = tpu.sem_alloc : memref<!tpu.dma_semaphore, #tpu.memory_space<semaphore_mem>>
      %dma_start3A_371 = arith.constant 0 : i32
      %dma_start3A_372 = arith.constant 0 : i32
      %dma_start3A_373 = tpu.memref_slice %arg14[%run_scoped3A_339, %dma_start3A_371, %dma_start3A_372] : memref<2x128x16xf32, #tpu.memory_space<vmem>> -> memref<1x112x16xf32, #tpu.memory_space<vmem>>
      %dma_start3A_374 = tpu.memref_squeeze %dma_start3A_373 : memref<1x112x16xf32, #tpu.memory_space<vmem>> -> memref<112x16xf32, #tpu.memory_space<vmem>>
      %dma_start3A_375 = arith.constant 0 : i32
      %dma_start3A_376 = tpu.memref_slice %arg8[%arg0, %add3A_338, %dma_start3A_375] : memref<2x12544x16xf32, #tpu.memory_space<hbm>> -> memref<1x112x16xf32, #tpu.memory_space<hbm>>
      %dma_start3A_377 = tpu.memref_squeeze %dma_start3A_376 : memref<1x112x16xf32, #tpu.memory_space<hbm>> -> memref<112x16xf32, #tpu.memory_space<hbm>>
      %dma_start3A_378 = arith.constant 0 : i32
      %dma_start3A_379 = tpu.memref_slice %arg8[%arg0, %add3A_338, %dma_start3A_378] : memref<2x12544x16xf32, #tpu.memory_space<hbm>> -> memref<1x112x16xf32, #tpu.memory_space<hbm>>
      %dma_start3A_380 = tpu.memref_squeeze %dma_start3A_379 : memref<1x112x16xf32, #tpu.memory_space<hbm>> -> memref<112x16xf32, #tpu.memory_space<hbm>>
      %dma_start3A_381 = arith.constant 0 : i32
      %dma_start3A_382 = arith.constant 0 : i32
      %dma_start3A_383 = tpu.memref_slice %arg14[%run_scoped3A_339, %dma_start3A_381, %dma_start3A_382] : memref<2x128x16xf32, #tpu.memory_space<vmem>> -> memref<1x112x16xf32, #tpu.memory_space<vmem>>
      %dma_start3A_384 = tpu.memref_squeeze %dma_start3A_383 : memref<1x112x16xf32, #tpu.memory_space<vmem>> -> memref<112x16xf32, #tpu.memory_space<vmem>>
      tpu.enqueue_dma source(%dma_start3A_384 : memref<112x16xf32, #tpu.memory_space<vmem>>) target(%dma_start3A_380 : memref<112x16xf32, #tpu.memory_space<hbm>>) target_semaphore(%run_scoped3A_370 : memref<!tpu.dma_semaphore, #tpu.memory_space<semaphore_mem>>)
      %dma_wait3A_385 = arith.constant 0 : i32
      %dma_wait3A_386 = arith.constant 0 : i32
      %dma_wait3A_387 = tpu.memref_slice %arg14[%run_scoped3A_339, %dma_wait3A_385, %dma_wait3A_386] : memref<2x128x16xf32, #tpu.memory_space<vmem>> -> memref<1x112x16xf32, #tpu.memory_space<vmem>>
      %dma_wait3A_388 = tpu.memref_squeeze %dma_wait3A_387 : memref<1x112x16xf32, #tpu.memory_space<vmem>> -> memref<112x16xf32, #tpu.memory_space<vmem>>
      %dma_wait3A_389 = arith.constant 0 : i32
      %dma_wait3A_390 = tpu.memref_slice %arg8[%arg0, %add3A_338, %dma_wait3A_389] : memref<2x12544x16xf32, #tpu.memory_space<hbm>> -> memref<1x112x16xf32, #tpu.memory_space<hbm>>
      %dma_wait3A_391 = tpu.memref_squeeze %dma_wait3A_390 : memref<1x112x16xf32, #tpu.memory_space<hbm>> -> memref<112x16xf32, #tpu.memory_space<hbm>>
      %dma_wait3A_392 = arith.constant 0 : i32
      %dma_wait3A_393 = tpu.memref_slice %arg8[%arg0, %add3A_338, %dma_wait3A_392] : memref<2x12544x16xf32, #tpu.memory_space<hbm>> -> memref<1x112x16xf32, #tpu.memory_space<hbm>>
      %dma_wait3A_394 = tpu.memref_squeeze %dma_wait3A_393 : memref<1x112x16xf32, #tpu.memory_space<hbm>> -> memref<112x16xf32, #tpu.memory_space<hbm>>
      %dma_wait3A_395 = arith.constant 0 : i32
      %dma_wait3A_396 = arith.constant 0 : i32
      %dma_wait3A_397 = tpu.memref_slice %arg14[%run_scoped3A_339, %dma_wait3A_395, %dma_wait3A_396] : memref<2x128x16xf32, #tpu.memory_space<vmem>> -> memref<1x112x16xf32, #tpu.memory_space<vmem>>
      %dma_wait3A_398 = tpu.memref_squeeze %dma_wait3A_397 : memref<1x112x16xf32, #tpu.memory_space<vmem>> -> memref<112x16xf32, #tpu.memory_space<vmem>>
      tpu.wait_dma2 semaphore(%run_scoped3A_370 : memref<!tpu.dma_semaphore, #tpu.memory_space<semaphore_mem>>) src(%dma_wait3A_398 : memref<112x16xf32, #tpu.memory_space<vmem>>) dst(%dma_wait3A_394 : memref<112x16xf32, #tpu.memory_space<hbm>>)
      tpu.yield
    }) : () -> ()
    %mul3A_340 = arith.constant 784 : i32
    %mul3A_341 = arith.muli %arg1, %mul3A_340 : i32
    %add3A_342 = arith.constant 448 : i32
    %add3A_343 = arith.addi %mul3A_341, %add3A_342 : i32
    %run_scoped3A_344 = arith.constant 0 : i32
    "tpu.region"() ({
      %run_scoped3A_370 = tpu.sem_alloc : memref<!tpu.dma_semaphore, #tpu.memory_space<semaphore_mem>>
      %dma_start3A_371 = arith.constant 0 : i32
      %dma_start3A_372 = arith.constant 0 : i32
      %dma_start3A_373 = tpu.memref_slice %arg14[%run_scoped3A_344, %dma_start3A_371, %dma_start3A_372] : memref<2x128x16xf32, #tpu.memory_space<vmem>> -> memref<1x112x16xf32, #tpu.memory_space<vmem>>
      %dma_start3A_374 = tpu.memref_squeeze %dma_start3A_373 : memref<1x112x16xf32, #tpu.memory_space<vmem>> -> memref<112x16xf32, #tpu.memory_space<vmem>>
      %dma_start3A_375 = arith.constant 0 : i32
      %dma_start3A_376 = tpu.memref_slice %arg17[%add3A_343, %dma_start3A_375] : memref<12544x16xf32, #tpu.memory_space<vmem_shared>> -> memref<112x16xf32, #tpu.memory_space<vmem_shared>>
      %dma_start3A_377 = arith.constant 0 : i32
      %dma_start3A_378 = arith.constant 0 : i32
      %dma_start3A_379 = tpu.memref_slice %arg14[%run_scoped3A_344, %dma_start3A_377, %dma_start3A_378] : memref<2x128x16xf32, #tpu.memory_space<vmem>> -> memref<1x112x16xf32, #tpu.memory_space<vmem>>
      %dma_start3A_380 = tpu.memref_squeeze %dma_start3A_379 : memref<1x112x16xf32, #tpu.memory_space<vmem>> -> memref<112x16xf32, #tpu.memory_space<vmem>>
      %dma_start3A_381 = arith.constant 0 : i32
      %dma_start3A_382 = tpu.memref_slice %arg17[%add3A_343, %dma_start3A_381] : memref<12544x16xf32, #tpu.memory_space<vmem_shared>> -> memref<112x16xf32, #tpu.memory_space<vmem_shared>>
      tpu.enqueue_dma source(%dma_start3A_382 : memref<112x16xf32, #tpu.memory_space<vmem_shared>>) target(%dma_start3A_380 : memref<112x16xf32, #tpu.memory_space<vmem>>) target_semaphore(%run_scoped3A_370 : memref<!tpu.dma_semaphore, #tpu.memory_space<semaphore_mem>>)
      %dma_wait3A_383 = arith.constant 0 : i32
      %dma_wait3A_384 = arith.constant 0 : i32
      %dma_wait3A_385 = tpu.memref_slice %arg14[%run_scoped3A_344, %dma_wait3A_383, %dma_wait3A_384] : memref<2x128x16xf32, #tpu.memory_space<vmem>> -> memref<1x112x16xf32, #tpu.memory_space<vmem>>
      %dma_wait3A_386 = tpu.memref_squeeze %dma_wait3A_385 : memref<1x112x16xf32, #tpu.memory_space<vmem>> -> memref<112x16xf32, #tpu.memory_space<vmem>>
      %dma_wait3A_387 = arith.constant 0 : i32
      %dma_wait3A_388 = tpu.memref_slice %arg17[%add3A_343, %dma_wait3A_387] : memref<12544x16xf32, #tpu.memory_space<vmem_shared>> -> memref<112x16xf32, #tpu.memory_space<vmem_shared>>
      %dma_wait3A_389 = arith.constant 0 : i32
      %dma_wait3A_390 = arith.constant 0 : i32
      %dma_wait3A_391 = tpu.memref_slice %arg14[%run_scoped3A_344, %dma_wait3A_389, %dma_wait3A_390] : memref<2x128x16xf32, #tpu.memory_space<vmem>> -> memref<1x112x16xf32, #tpu.memory_space<vmem>>
      %dma_wait3A_392 = tpu.memref_squeeze %dma_wait3A_391 : memref<1x112x16xf32, #tpu.memory_space<vmem>> -> memref<112x16xf32, #tpu.memory_space<vmem>>
      %dma_wait3A_393 = arith.constant 0 : i32
      %dma_wait3A_394 = tpu.memref_slice %arg17[%add3A_343, %dma_wait3A_393] : memref<12544x16xf32, #tpu.memory_space<vmem_shared>> -> memref<112x16xf32, #tpu.memory_space<vmem_shared>>
      tpu.wait_dma2 semaphore(%run_scoped3A_370 : memref<!tpu.dma_semaphore, #tpu.memory_space<semaphore_mem>>) src(%dma_wait3A_394 : memref<112x16xf32, #tpu.memory_space<vmem_shared>>) dst(%dma_wait3A_392 : memref<112x16xf32, #tpu.memory_space<vmem>>)
      tpu.yield
    }) : () -> ()
    %mul3A_345 = arith.constant 784 : i32
    %mul3A_346 = arith.muli %arg1, %mul3A_345 : i32
    %add3A_347 = arith.constant 448 : i32
    %add3A_348 = arith.addi %mul3A_346, %add3A_347 : i32
    %run_scoped3A_349 = arith.constant 0 : i32
    "tpu.region"() ({
      %run_scoped3A_370 = tpu.sem_alloc : memref<!tpu.dma_semaphore, #tpu.memory_space<semaphore_mem>>
      %dma_start3A_371 = arith.constant 0 : i32
      %dma_start3A_372 = arith.constant 0 : i32
      %dma_start3A_373 = tpu.memref_slice %arg14[%run_scoped3A_349, %dma_start3A_371, %dma_start3A_372] : memref<2x128x16xf32, #tpu.memory_space<vmem>> -> memref<1x112x16xf32, #tpu.memory_space<vmem>>
      %dma_start3A_374 = tpu.memref_squeeze %dma_start3A_373 : memref<1x112x16xf32, #tpu.memory_space<vmem>> -> memref<112x16xf32, #tpu.memory_space<vmem>>
      %dma_start3A_375 = arith.constant 0 : i32
      %dma_start3A_376 = tpu.memref_slice %arg8[%arg0, %add3A_348, %dma_start3A_375] : memref<2x12544x16xf32, #tpu.memory_space<hbm>> -> memref<1x112x16xf32, #tpu.memory_space<hbm>>
      %dma_start3A_377 = tpu.memref_squeeze %dma_start3A_376 : memref<1x112x16xf32, #tpu.memory_space<hbm>> -> memref<112x16xf32, #tpu.memory_space<hbm>>
      %dma_start3A_378 = arith.constant 0 : i32
      %dma_start3A_379 = tpu.memref_slice %arg8[%arg0, %add3A_348, %dma_start3A_378] : memref<2x12544x16xf32, #tpu.memory_space<hbm>> -> memref<1x112x16xf32, #tpu.memory_space<hbm>>
      %dma_start3A_380 = tpu.memref_squeeze %dma_start3A_379 : memref<1x112x16xf32, #tpu.memory_space<hbm>> -> memref<112x16xf32, #tpu.memory_space<hbm>>
      %dma_start3A_381 = arith.constant 0 : i32
      %dma_start3A_382 = arith.constant 0 : i32
      %dma_start3A_383 = tpu.memref_slice %arg14[%run_scoped3A_349, %dma_start3A_381, %dma_start3A_382] : memref<2x128x16xf32, #tpu.memory_space<vmem>> -> memref<1x112x16xf32, #tpu.memory_space<vmem>>
      %dma_start3A_384 = tpu.memref_squeeze %dma_start3A_383 : memref<1x112x16xf32, #tpu.memory_space<vmem>> -> memref<112x16xf32, #tpu.memory_space<vmem>>
      tpu.enqueue_dma source(%dma_start3A_384 : memref<112x16xf32, #tpu.memory_space<vmem>>) target(%dma_start3A_380 : memref<112x16xf32, #tpu.memory_space<hbm>>) target_semaphore(%run_scoped3A_370 : memref<!tpu.dma_semaphore, #tpu.memory_space<semaphore_mem>>)
      %dma_wait3A_385 = arith.constant 0 : i32
      %dma_wait3A_386 = arith.constant 0 : i32
      %dma_wait3A_387 = tpu.memref_slice %arg14[%run_scoped3A_349, %dma_wait3A_385, %dma_wait3A_386] : memref<2x128x16xf32, #tpu.memory_space<vmem>> -> memref<1x112x16xf32, #tpu.memory_space<vmem>>
      %dma_wait3A_388 = tpu.memref_squeeze %dma_wait3A_387 : memref<1x112x16xf32, #tpu.memory_space<vmem>> -> memref<112x16xf32, #tpu.memory_space<vmem>>
      %dma_wait3A_389 = arith.constant 0 : i32
      %dma_wait3A_390 = tpu.memref_slice %arg8[%arg0, %add3A_348, %dma_wait3A_389] : memref<2x12544x16xf32, #tpu.memory_space<hbm>> -> memref<1x112x16xf32, #tpu.memory_space<hbm>>
      %dma_wait3A_391 = tpu.memref_squeeze %dma_wait3A_390 : memref<1x112x16xf32, #tpu.memory_space<hbm>> -> memref<112x16xf32, #tpu.memory_space<hbm>>
      %dma_wait3A_392 = arith.constant 0 : i32
      %dma_wait3A_393 = tpu.memref_slice %arg8[%arg0, %add3A_348, %dma_wait3A_392] : memref<2x12544x16xf32, #tpu.memory_space<hbm>> -> memref<1x112x16xf32, #tpu.memory_space<hbm>>
      %dma_wait3A_394 = tpu.memref_squeeze %dma_wait3A_393 : memref<1x112x16xf32, #tpu.memory_space<hbm>> -> memref<112x16xf32, #tpu.memory_space<hbm>>
      %dma_wait3A_395 = arith.constant 0 : i32
      %dma_wait3A_396 = arith.constant 0 : i32
      %dma_wait3A_397 = tpu.memref_slice %arg14[%run_scoped3A_349, %dma_wait3A_395, %dma_wait3A_396] : memref<2x128x16xf32, #tpu.memory_space<vmem>> -> memref<1x112x16xf32, #tpu.memory_space<vmem>>
      %dma_wait3A_398 = tpu.memref_squeeze %dma_wait3A_397 : memref<1x112x16xf32, #tpu.memory_space<vmem>> -> memref<112x16xf32, #tpu.memory_space<vmem>>
      tpu.wait_dma2 semaphore(%run_scoped3A_370 : memref<!tpu.dma_semaphore, #tpu.memory_space<semaphore_mem>>) src(%dma_wait3A_398 : memref<112x16xf32, #tpu.memory_space<vmem>>) dst(%dma_wait3A_394 : memref<112x16xf32, #tpu.memory_space<hbm>>)
      tpu.yield
    }) : () -> ()
    %mul3A_350 = arith.constant 784 : i32
    %mul3A_351 = arith.muli %arg1, %mul3A_350 : i32
    %add3A_352 = arith.constant 560 : i32
    %add3A_353 = arith.addi %mul3A_351, %add3A_352 : i32
    %run_scoped3A_354 = arith.constant 0 : i32
    "tpu.region"() ({
      %run_scoped3A_370 = tpu.sem_alloc : memref<!tpu.dma_semaphore, #tpu.memory_space<semaphore_mem>>
      %dma_start3A_371 = arith.constant 0 : i32
      %dma_start3A_372 = arith.constant 0 : i32
      %dma_start3A_373 = tpu.memref_slice %arg14[%run_scoped3A_354, %dma_start3A_371, %dma_start3A_372] : memref<2x128x16xf32, #tpu.memory_space<vmem>> -> memref<1x112x16xf32, #tpu.memory_space<vmem>>
      %dma_start3A_374 = tpu.memref_squeeze %dma_start3A_373 : memref<1x112x16xf32, #tpu.memory_space<vmem>> -> memref<112x16xf32, #tpu.memory_space<vmem>>
      %dma_start3A_375 = arith.constant 0 : i32
      %dma_start3A_376 = tpu.memref_slice %arg17[%add3A_353, %dma_start3A_375] : memref<12544x16xf32, #tpu.memory_space<vmem_shared>> -> memref<112x16xf32, #tpu.memory_space<vmem_shared>>
      %dma_start3A_377 = arith.constant 0 : i32
      %dma_start3A_378 = arith.constant 0 : i32
      %dma_start3A_379 = tpu.memref_slice %arg14[%run_scoped3A_354, %dma_start3A_377, %dma_start3A_378] : memref<2x128x16xf32, #tpu.memory_space<vmem>> -> memref<1x112x16xf32, #tpu.memory_space<vmem>>
      %dma_start3A_380 = tpu.memref_squeeze %dma_start3A_379 : memref<1x112x16xf32, #tpu.memory_space<vmem>> -> memref<112x16xf32, #tpu.memory_space<vmem>>
      %dma_start3A_381 = arith.constant 0 : i32
      %dma_start3A_382 = tpu.memref_slice %arg17[%add3A_353, %dma_start3A_381] : memref<12544x16xf32, #tpu.memory_space<vmem_shared>> -> memref<112x16xf32, #tpu.memory_space<vmem_shared>>
      tpu.enqueue_dma source(%dma_start3A_382 : memref<112x16xf32, #tpu.memory_space<vmem_shared>>) target(%dma_start3A_380 : memref<112x16xf32, #tpu.memory_space<vmem>>) target_semaphore(%run_scoped3A_370 : memref<!tpu.dma_semaphore, #tpu.memory_space<semaphore_mem>>)
      %dma_wait3A_383 = arith.constant 0 : i32
      %dma_wait3A_384 = arith.constant 0 : i32
      %dma_wait3A_385 = tpu.memref_slice %arg14[%run_scoped3A_354, %dma_wait3A_383, %dma_wait3A_384] : memref<2x128x16xf32, #tpu.memory_space<vmem>> -> memref<1x112x16xf32, #tpu.memory_space<vmem>>
      %dma_wait3A_386 = tpu.memref_squeeze %dma_wait3A_385 : memref<1x112x16xf32, #tpu.memory_space<vmem>> -> memref<112x16xf32, #tpu.memory_space<vmem>>
      %dma_wait3A_387 = arith.constant 0 : i32
      %dma_wait3A_388 = tpu.memref_slice %arg17[%add3A_353, %dma_wait3A_387] : memref<12544x16xf32, #tpu.memory_space<vmem_shared>> -> memref<112x16xf32, #tpu.memory_space<vmem_shared>>
      %dma_wait3A_389 = arith.constant 0 : i32
      %dma_wait3A_390 = arith.constant 0 : i32
      %dma_wait3A_391 = tpu.memref_slice %arg14[%run_scoped3A_354, %dma_wait3A_389, %dma_wait3A_390] : memref<2x128x16xf32, #tpu.memory_space<vmem>> -> memref<1x112x16xf32, #tpu.memory_space<vmem>>
      %dma_wait3A_392 = tpu.memref_squeeze %dma_wait3A_391 : memref<1x112x16xf32, #tpu.memory_space<vmem>> -> memref<112x16xf32, #tpu.memory_space<vmem>>
      %dma_wait3A_393 = arith.constant 0 : i32
      %dma_wait3A_394 = tpu.memref_slice %arg17[%add3A_353, %dma_wait3A_393] : memref<12544x16xf32, #tpu.memory_space<vmem_shared>> -> memref<112x16xf32, #tpu.memory_space<vmem_shared>>
      tpu.wait_dma2 semaphore(%run_scoped3A_370 : memref<!tpu.dma_semaphore, #tpu.memory_space<semaphore_mem>>) src(%dma_wait3A_394 : memref<112x16xf32, #tpu.memory_space<vmem_shared>>) dst(%dma_wait3A_392 : memref<112x16xf32, #tpu.memory_space<vmem>>)
      tpu.yield
    }) : () -> ()
    %mul3A_355 = arith.constant 784 : i32
    %mul3A_356 = arith.muli %arg1, %mul3A_355 : i32
    %add3A_357 = arith.constant 560 : i32
    %add3A_358 = arith.addi %mul3A_356, %add3A_357 : i32
    %run_scoped3A_359 = arith.constant 0 : i32
    "tpu.region"() ({
      %run_scoped3A_370 = tpu.sem_alloc : memref<!tpu.dma_semaphore, #tpu.memory_space<semaphore_mem>>
      %dma_start3A_371 = arith.constant 0 : i32
      %dma_start3A_372 = arith.constant 0 : i32
      %dma_start3A_373 = tpu.memref_slice %arg14[%run_scoped3A_359, %dma_start3A_371, %dma_start3A_372] : memref<2x128x16xf32, #tpu.memory_space<vmem>> -> memref<1x112x16xf32, #tpu.memory_space<vmem>>
      %dma_start3A_374 = tpu.memref_squeeze %dma_start3A_373 : memref<1x112x16xf32, #tpu.memory_space<vmem>> -> memref<112x16xf32, #tpu.memory_space<vmem>>
      %dma_start3A_375 = arith.constant 0 : i32
      %dma_start3A_376 = tpu.memref_slice %arg8[%arg0, %add3A_358, %dma_start3A_375] : memref<2x12544x16xf32, #tpu.memory_space<hbm>> -> memref<1x112x16xf32, #tpu.memory_space<hbm>>
      %dma_start3A_377 = tpu.memref_squeeze %dma_start3A_376 : memref<1x112x16xf32, #tpu.memory_space<hbm>> -> memref<112x16xf32, #tpu.memory_space<hbm>>
      %dma_start3A_378 = arith.constant 0 : i32
      %dma_start3A_379 = tpu.memref_slice %arg8[%arg0, %add3A_358, %dma_start3A_378] : memref<2x12544x16xf32, #tpu.memory_space<hbm>> -> memref<1x112x16xf32, #tpu.memory_space<hbm>>
      %dma_start3A_380 = tpu.memref_squeeze %dma_start3A_379 : memref<1x112x16xf32, #tpu.memory_space<hbm>> -> memref<112x16xf32, #tpu.memory_space<hbm>>
      %dma_start3A_381 = arith.constant 0 : i32
      %dma_start3A_382 = arith.constant 0 : i32
      %dma_start3A_383 = tpu.memref_slice %arg14[%run_scoped3A_359, %dma_start3A_381, %dma_start3A_382] : memref<2x128x16xf32, #tpu.memory_space<vmem>> -> memref<1x112x16xf32, #tpu.memory_space<vmem>>
      %dma_start3A_384 = tpu.memref_squeeze %dma_start3A_383 : memref<1x112x16xf32, #tpu.memory_space<vmem>> -> memref<112x16xf32, #tpu.memory_space<vmem>>
      tpu.enqueue_dma source(%dma_start3A_384 : memref<112x16xf32, #tpu.memory_space<vmem>>) target(%dma_start3A_380 : memref<112x16xf32, #tpu.memory_space<hbm>>) target_semaphore(%run_scoped3A_370 : memref<!tpu.dma_semaphore, #tpu.memory_space<semaphore_mem>>)
      %dma_wait3A_385 = arith.constant 0 : i32
      %dma_wait3A_386 = arith.constant 0 : i32
      %dma_wait3A_387 = tpu.memref_slice %arg14[%run_scoped3A_359, %dma_wait3A_385, %dma_wait3A_386] : memref<2x128x16xf32, #tpu.memory_space<vmem>> -> memref<1x112x16xf32, #tpu.memory_space<vmem>>
      %dma_wait3A_388 = tpu.memref_squeeze %dma_wait3A_387 : memref<1x112x16xf32, #tpu.memory_space<vmem>> -> memref<112x16xf32, #tpu.memory_space<vmem>>
      %dma_wait3A_389 = arith.constant 0 : i32
      %dma_wait3A_390 = tpu.memref_slice %arg8[%arg0, %add3A_358, %dma_wait3A_389] : memref<2x12544x16xf32, #tpu.memory_space<hbm>> -> memref<1x112x16xf32, #tpu.memory_space<hbm>>
      %dma_wait3A_391 = tpu.memref_squeeze %dma_wait3A_390 : memref<1x112x16xf32, #tpu.memory_space<hbm>> -> memref<112x16xf32, #tpu.memory_space<hbm>>
      %dma_wait3A_392 = arith.constant 0 : i32
      %dma_wait3A_393 = tpu.memref_slice %arg8[%arg0, %add3A_358, %dma_wait3A_392] : memref<2x12544x16xf32, #tpu.memory_space<hbm>> -> memref<1x112x16xf32, #tpu.memory_space<hbm>>
      %dma_wait3A_394 = tpu.memref_squeeze %dma_wait3A_393 : memref<1x112x16xf32, #tpu.memory_space<hbm>> -> memref<112x16xf32, #tpu.memory_space<hbm>>
      %dma_wait3A_395 = arith.constant 0 : i32
      %dma_wait3A_396 = arith.constant 0 : i32
      %dma_wait3A_397 = tpu.memref_slice %arg14[%run_scoped3A_359, %dma_wait3A_395, %dma_wait3A_396] : memref<2x128x16xf32, #tpu.memory_space<vmem>> -> memref<1x112x16xf32, #tpu.memory_space<vmem>>
      %dma_wait3A_398 = tpu.memref_squeeze %dma_wait3A_397 : memref<1x112x16xf32, #tpu.memory_space<vmem>> -> memref<112x16xf32, #tpu.memory_space<vmem>>
      tpu.wait_dma2 semaphore(%run_scoped3A_370 : memref<!tpu.dma_semaphore, #tpu.memory_space<semaphore_mem>>) src(%dma_wait3A_398 : memref<112x16xf32, #tpu.memory_space<vmem>>) dst(%dma_wait3A_394 : memref<112x16xf32, #tpu.memory_space<hbm>>)
      tpu.yield
    }) : () -> ()
    %mul3A_360 = arith.constant 784 : i32
    %mul3A_361 = arith.muli %arg1, %mul3A_360 : i32
    %add3A_362 = arith.constant 672 : i32
    %add3A_363 = arith.addi %mul3A_361, %add3A_362 : i32
    %run_scoped3A_364 = arith.constant 0 : i32
    "tpu.region"() ({
      %run_scoped3A_370 = tpu.sem_alloc : memref<!tpu.dma_semaphore, #tpu.memory_space<semaphore_mem>>
      %dma_start3A_371 = arith.constant 0 : i32
      %dma_start3A_372 = arith.constant 0 : i32
      %dma_start3A_373 = tpu.memref_slice %arg14[%run_scoped3A_364, %dma_start3A_371, %dma_start3A_372] : memref<2x128x16xf32, #tpu.memory_space<vmem>> -> memref<1x112x16xf32, #tpu.memory_space<vmem>>
      %dma_start3A_374 = tpu.memref_squeeze %dma_start3A_373 : memref<1x112x16xf32, #tpu.memory_space<vmem>> -> memref<112x16xf32, #tpu.memory_space<vmem>>
      %dma_start3A_375 = arith.constant 0 : i32
      %dma_start3A_376 = tpu.memref_slice %arg17[%add3A_363, %dma_start3A_375] : memref<12544x16xf32, #tpu.memory_space<vmem_shared>> -> memref<112x16xf32, #tpu.memory_space<vmem_shared>>
      %dma_start3A_377 = arith.constant 0 : i32
      %dma_start3A_378 = arith.constant 0 : i32
      %dma_start3A_379 = tpu.memref_slice %arg14[%run_scoped3A_364, %dma_start3A_377, %dma_start3A_378] : memref<2x128x16xf32, #tpu.memory_space<vmem>> -> memref<1x112x16xf32, #tpu.memory_space<vmem>>
      %dma_start3A_380 = tpu.memref_squeeze %dma_start3A_379 : memref<1x112x16xf32, #tpu.memory_space<vmem>> -> memref<112x16xf32, #tpu.memory_space<vmem>>
      %dma_start3A_381 = arith.constant 0 : i32
      %dma_start3A_382 = tpu.memref_slice %arg17[%add3A_363, %dma_start3A_381] : memref<12544x16xf32, #tpu.memory_space<vmem_shared>> -> memref<112x16xf32, #tpu.memory_space<vmem_shared>>
      tpu.enqueue_dma source(%dma_start3A_382 : memref<112x16xf32, #tpu.memory_space<vmem_shared>>) target(%dma_start3A_380 : memref<112x16xf32, #tpu.memory_space<vmem>>) target_semaphore(%run_scoped3A_370 : memref<!tpu.dma_semaphore, #tpu.memory_space<semaphore_mem>>)
      %dma_wait3A_383 = arith.constant 0 : i32
      %dma_wait3A_384 = arith.constant 0 : i32
      %dma_wait3A_385 = tpu.memref_slice %arg14[%run_scoped3A_364, %dma_wait3A_383, %dma_wait3A_384] : memref<2x128x16xf32, #tpu.memory_space<vmem>> -> memref<1x112x16xf32, #tpu.memory_space<vmem>>
      %dma_wait3A_386 = tpu.memref_squeeze %dma_wait3A_385 : memref<1x112x16xf32, #tpu.memory_space<vmem>> -> memref<112x16xf32, #tpu.memory_space<vmem>>
      %dma_wait3A_387 = arith.constant 0 : i32
      %dma_wait3A_388 = tpu.memref_slice %arg17[%add3A_363, %dma_wait3A_387] : memref<12544x16xf32, #tpu.memory_space<vmem_shared>> -> memref<112x16xf32, #tpu.memory_space<vmem_shared>>
      %dma_wait3A_389 = arith.constant 0 : i32
      %dma_wait3A_390 = arith.constant 0 : i32
      %dma_wait3A_391 = tpu.memref_slice %arg14[%run_scoped3A_364, %dma_wait3A_389, %dma_wait3A_390] : memref<2x128x16xf32, #tpu.memory_space<vmem>> -> memref<1x112x16xf32, #tpu.memory_space<vmem>>
      %dma_wait3A_392 = tpu.memref_squeeze %dma_wait3A_391 : memref<1x112x16xf32, #tpu.memory_space<vmem>> -> memref<112x16xf32, #tpu.memory_space<vmem>>
      %dma_wait3A_393 = arith.constant 0 : i32
      %dma_wait3A_394 = tpu.memref_slice %arg17[%add3A_363, %dma_wait3A_393] : memref<12544x16xf32, #tpu.memory_space<vmem_shared>> -> memref<112x16xf32, #tpu.memory_space<vmem_shared>>
      tpu.wait_dma2 semaphore(%run_scoped3A_370 : memref<!tpu.dma_semaphore, #tpu.memory_space<semaphore_mem>>) src(%dma_wait3A_394 : memref<112x16xf32, #tpu.memory_space<vmem_shared>>) dst(%dma_wait3A_392 : memref<112x16xf32, #tpu.memory_space<vmem>>)
      tpu.yield
    }) : () -> ()
    %mul3A_365 = arith.constant 784 : i32
    %mul3A_366 = arith.muli %arg1, %mul3A_365 : i32
    %add3A_367 = arith.constant 672 : i32
    %add3A_368 = arith.addi %mul3A_366, %add3A_367 : i32
    %run_scoped3A_369 = arith.constant 0 : i32
    "tpu.region"() ({
      %run_scoped3A_370 = tpu.sem_alloc : memref<!tpu.dma_semaphore, #tpu.memory_space<semaphore_mem>>
      %dma_start3A_371 = arith.constant 0 : i32
      %dma_start3A_372 = arith.constant 0 : i32
      %dma_start3A_373 = tpu.memref_slice %arg14[%run_scoped3A_369, %dma_start3A_371, %dma_start3A_372] : memref<2x128x16xf32, #tpu.memory_space<vmem>> -> memref<1x112x16xf32, #tpu.memory_space<vmem>>
      %dma_start3A_374 = tpu.memref_squeeze %dma_start3A_373 : memref<1x112x16xf32, #tpu.memory_space<vmem>> -> memref<112x16xf32, #tpu.memory_space<vmem>>
      %dma_start3A_375 = arith.constant 0 : i32
      %dma_start3A_376 = tpu.memref_slice %arg8[%arg0, %add3A_368, %dma_start3A_375] : memref<2x12544x16xf32, #tpu.memory_space<hbm>> -> memref<1x112x16xf32, #tpu.memory_space<hbm>>
      %dma_start3A_377 = tpu.memref_squeeze %dma_start3A_376 : memref<1x112x16xf32, #tpu.memory_space<hbm>> -> memref<112x16xf32, #tpu.memory_space<hbm>>
      %dma_start3A_378 = arith.constant 0 : i32
      %dma_start3A_379 = tpu.memref_slice %arg8[%arg0, %add3A_368, %dma_start3A_378] : memref<2x12544x16xf32, #tpu.memory_space<hbm>> -> memref<1x112x16xf32, #tpu.memory_space<hbm>>
      %dma_start3A_380 = tpu.memref_squeeze %dma_start3A_379 : memref<1x112x16xf32, #tpu.memory_space<hbm>> -> memref<112x16xf32, #tpu.memory_space<hbm>>
      %dma_start3A_381 = arith.constant 0 : i32
      %dma_start3A_382 = arith.constant 0 : i32
      %dma_start3A_383 = tpu.memref_slice %arg14[%run_scoped3A_369, %dma_start3A_381, %dma_start3A_382] : memref<2x128x16xf32, #tpu.memory_space<vmem>> -> memref<1x112x16xf32, #tpu.memory_space<vmem>>
      %dma_start3A_384 = tpu.memref_squeeze %dma_start3A_383 : memref<1x112x16xf32, #tpu.memory_space<vmem>> -> memref<112x16xf32, #tpu.memory_space<vmem>>
      tpu.enqueue_dma source(%dma_start3A_384 : memref<112x16xf32, #tpu.memory_space<vmem>>) target(%dma_start3A_380 : memref<112x16xf32, #tpu.memory_space<hbm>>) target_semaphore(%run_scoped3A_370 : memref<!tpu.dma_semaphore, #tpu.memory_space<semaphore_mem>>)
      %dma_wait3A_385 = arith.constant 0 : i32
      %dma_wait3A_386 = arith.constant 0 : i32
      %dma_wait3A_387 = tpu.memref_slice %arg14[%run_scoped3A_369, %dma_wait3A_385, %dma_wait3A_386] : memref<2x128x16xf32, #tpu.memory_space<vmem>> -> memref<1x112x16xf32, #tpu.memory_space<vmem>>
      %dma_wait3A_388 = tpu.memref_squeeze %dma_wait3A_387 : memref<1x112x16xf32, #tpu.memory_space<vmem>> -> memref<112x16xf32, #tpu.memory_space<vmem>>
      %dma_wait3A_389 = arith.constant 0 : i32
      %dma_wait3A_390 = tpu.memref_slice %arg8[%arg0, %add3A_368, %dma_wait3A_389] : memref<2x12544x16xf32, #tpu.memory_space<hbm>> -> memref<1x112x16xf32, #tpu.memory_space<hbm>>
      %dma_wait3A_391 = tpu.memref_squeeze %dma_wait3A_390 : memref<1x112x16xf32, #tpu.memory_space<hbm>> -> memref<112x16xf32, #tpu.memory_space<hbm>>
      %dma_wait3A_392 = arith.constant 0 : i32
      %dma_wait3A_393 = tpu.memref_slice %arg8[%arg0, %add3A_368, %dma_wait3A_392] : memref<2x12544x16xf32, #tpu.memory_space<hbm>> -> memref<1x112x16xf32, #tpu.memory_space<hbm>>
      %dma_wait3A_394 = tpu.memref_squeeze %dma_wait3A_393 : memref<1x112x16xf32, #tpu.memory_space<hbm>> -> memref<112x16xf32, #tpu.memory_space<hbm>>
      %dma_wait3A_395 = arith.constant 0 : i32
      %dma_wait3A_396 = arith.constant 0 : i32
      %dma_wait3A_397 = tpu.memref_slice %arg14[%run_scoped3A_369, %dma_wait3A_395, %dma_wait3A_396] : memref<2x128x16xf32, #tpu.memory_space<vmem>> -> memref<1x112x16xf32, #tpu.memory_space<vmem>>
      %dma_wait3A_398 = tpu.memref_squeeze %dma_wait3A_397 : memref<1x112x16xf32, #tpu.memory_space<vmem>> -> memref<112x16xf32, #tpu.memory_space<vmem>>
      tpu.wait_dma2 semaphore(%run_scoped3A_370 : memref<!tpu.dma_semaphore, #tpu.memory_space<semaphore_mem>>) src(%dma_wait3A_398 : memref<112x16xf32, #tpu.memory_space<vmem>>) dst(%dma_wait3A_394 : memref<112x16xf32, #tpu.memory_space<hbm>>)
      tpu.yield
    }) : () -> ()
    return
  }
}

module attributes {stable_mosaic.version = 14 : i64} {
  func.func @_pre_body(%arg0: i32, %arg1: memref<1xf32, #tpu.memory_space<smem>>, %arg2: memref<400x128xf32, #tpu.memory_space<vmem>>, %arg3: memref<128x64xf32, #tpu.memory_space<vmem>>, %arg4: memref<1x64xf32, #tpu.memory_space<vmem>>, %arg5: memref<64x64xf32, #tpu.memory_space<vmem>>, %arg6: memref<1x64xf32, #tpu.memory_space<vmem>>, %arg7: memref<64x2xf32, #tpu.memory_space<vmem>>, %arg8: memref<400x128xbf16, #tpu.memory_space<vmem>>, %arg9: memref<400x16xf32, #tpu.memory_space<vmem>>) attributes {dimension_semantics = [#tpu.dimension_semantics<arbitrary>], iteration_bounds = array<i64: 125>, scalar_prefetch = 0 : i64, scratch_operands = 0 : i64, tpu.core_type = #tpu.core_type<tc>, window_params = [{transform_indices = @transform_0, window_bounds = array<i64: 1>}, {transform_indices = @transform_1, window_bounds = array<i64: 400, 128>}, {pipeline_mode = #tpu.pipeline_mode<synchronous>, transform_indices = @transform_2, window_bounds = array<i64: 128, 64>}, {pipeline_mode = #tpu.pipeline_mode<synchronous>, transform_indices = @transform_3, window_bounds = array<i64: 1, 64>}, {pipeline_mode = #tpu.pipeline_mode<synchronous>, transform_indices = @transform_4, window_bounds = array<i64: 64, 64>}, {pipeline_mode = #tpu.pipeline_mode<synchronous>, transform_indices = @transform_5, window_bounds = array<i64: 1, 64>}, {pipeline_mode = #tpu.pipeline_mode<synchronous>, transform_indices = @transform_6, window_bounds = array<i64: 64, 2>}, {transform_indices = @transform_7, window_bounds = array<i64: 400, 128>}, {transform_indices = @transform_8, window_bounds = array<i64: 400, 16>}]} {
    %get3A = arith.constant 0 : index
    %get3A_0 = arith.constant 0 : index
    %get3A_1 = vector.load %arg2[%get3A, %get3A_0] : memref<400x128xf32, #tpu.memory_space<vmem>>, vector<400x128xf32>
    %get3A_2 = arith.constant 0 : index
    %get3A_3 = arith.constant 0 : index
    %get3A_4 = vector.load %arg3[%get3A_2, %get3A_3] : memref<128x64xf32, #tpu.memory_space<vmem>>, vector<128x64xf32>
    %dot_general3A = arith.constant dense<0.000000e+00> : vector<400x64xf32>
    %dot_general3A_5 = tpu.matmul %get3A_1, %get3A_4, %dot_general3A {dimension_numbers = #tpu.dot_dimension_numbers<[1], [0], [0], [1], [0, 0, 1, 1], [], []>, transpose_lhs_hint = false} : vector<400x128xf32>, vector<128x64xf32>, vector<400x64xf32> -> vector<400x64xf32>
    %get3A_6 = arith.constant 0 : index
    %get3A_7 = arith.constant 0 : index
    %get3A_8 = vector.load %arg4[%get3A_6, %get3A_7] : memref<1x64xf32, #tpu.memory_space<vmem>>, vector<1x64xf32>
    %add3A = vector.broadcast %get3A_8 : vector<1x64xf32> to vector<400x64xf32>
    %add3A_9 = arith.addf %dot_general3A_5, %add3A : vector<400x64xf32>
    %max3A = arith.constant 0.000000e+00 : f32
    %max3A_10 = vector.broadcast %max3A : f32 to vector<400x64xf32>
    %max3A_11 = arith.maximumf %add3A_9, %max3A_10 : vector<400x64xf32>
    %get3A_12 = arith.constant 0 : index
    %get3A_13 = arith.constant 0 : index
    %get3A_14 = vector.load %arg5[%get3A_12, %get3A_13] : memref<64x64xf32, #tpu.memory_space<vmem>>, vector<64x64xf32>
    %dot_general3A_15 = arith.constant dense<0.000000e+00> : vector<400x64xf32>
    %dot_general3A_16 = tpu.matmul %max3A_11, %get3A_14, %dot_general3A_15 {dimension_numbers = #tpu.dot_dimension_numbers<[1], [0], [0], [1], [0, 0, 1, 1], [], []>, transpose_lhs_hint = false} : vector<400x64xf32>, vector<64x64xf32>, vector<400x64xf32> -> vector<400x64xf32>
    %get3A_17 = arith.constant 0 : index
    %get3A_18 = arith.constant 0 : index
    %get3A_19 = vector.load %arg6[%get3A_17, %get3A_18] : memref<1x64xf32, #tpu.memory_space<vmem>>, vector<1x64xf32>
    %add3A_20 = vector.broadcast %get3A_19 : vector<1x64xf32> to vector<400x64xf32>
    %add3A_21 = arith.addf %dot_general3A_16, %add3A_20 : vector<400x64xf32>
    %mul3A = arith.mulf %add3A_21, %add3A_21 : vector<400x64xf32>
    %reduce_sum3A = arith.constant dense<0.000000e+00> : vector<400xf32>
    %reduce_sum3A_22 = vector.multi_reduction <add>, %mul3A, %reduce_sum3A [1] : vector<400x64xf32> to vector<400xf32>
    %broadcast_in_dim3A = vector.shape_cast %reduce_sum3A_22 : vector<400xf32> to vector<400x1xf32>
    %max3A_23 = arith.constant 1.000000e-24 : f32
    %max3A_24 = vector.broadcast %max3A_23 : f32 to vector<400x1xf32>
    %max3A_25 = arith.maximumf %broadcast_in_dim3A, %max3A_24 : vector<400x1xf32>
    %rsqrt3A = math.rsqrt %max3A_25 : vector<400x1xf32>
    %mul3A_26 = vector.broadcast %rsqrt3A : vector<400x1xf32> to vector<400x64xf32>
    %mul3A_27 = arith.mulf %add3A_21, %mul3A_26 : vector<400x64xf32>
    %get3A_28 = arith.constant 0 : index
    %get3A_29 = arith.constant 0 : index
    %get3A_30 = vector.load %arg7[%get3A_28, %get3A_29] : memref<64x2xf32, #tpu.memory_space<vmem>>, vector<64x2xf32>
    %dot_general3A_31 = arith.constant dense<0.000000e+00> : vector<400x2xf32>
    %dot_general3A_32 = tpu.matmul %add3A_21, %get3A_30, %dot_general3A_31 {dimension_numbers = #tpu.dot_dimension_numbers<[1], [0], [0], [1], [0, 0, 1, 1], [], []>, transpose_lhs_hint = false} : vector<400x64xf32>, vector<64x2xf32>, vector<400x2xf32> -> vector<400x2xf32>
    %get3A_33 = arith.constant 0 : index
    %get3A_34 = memref.load %arg1[%get3A_33] : memref<1xf32, #tpu.memory_space<smem>>
    %mul3A_35 = arith.mulf %mul3A_27, %mul3A_27 : vector<400x64xf32>
    %reduce_sum3A_36 = arith.constant dense<0.000000e+00> : vector<400xf32>
    %reduce_sum3A_37 = vector.multi_reduction <add>, %mul3A_35, %reduce_sum3A_36 [1] : vector<400x64xf32> to vector<400xf32>
    %broadcast_in_dim3A_38 = vector.shape_cast %reduce_sum3A_37 : vector<400xf32> to vector<400x1xf32>
    %mul3A_39 = vector.broadcast %get3A_34 : f32 to vector<400x1xf32>
    %mul3A_40 = arith.mulf %mul3A_39, %broadcast_in_dim3A_38 : vector<400x1xf32>
    %exp3A = math.exp %mul3A_40 : vector<400x1xf32>
    %broadcast_in_dim3A_41 = arith.constant 0.000000e+00 : f32
    %broadcast_in_dim3A_42 = vector.broadcast %broadcast_in_dim3A_41 : f32 to vector<400x13xf32>
    %concatenate3A = tpu.concatenate %dot_general3A_32, %exp3A, %broadcast_in_dim3A_42 in 1 : vector<400x2xf32>, vector<400x1xf32>, vector<400x13xf32> -> vector<400x16xf32>
    %swap3A = arith.constant 0 : index
    %swap3A_43 = arith.constant 0 : index
    %swap3A_44 = vector.load %arg9[%swap3A, %swap3A_43] : memref<400x16xf32, #tpu.memory_space<vmem>>, vector<400x16xf32>
    tpu.vector_store %arg9[%swap3A, %swap3A_43], %concatenate3A {strides = array<i32>} : memref<400x16xf32, #tpu.memory_space<vmem>>, vector<400x16xf32>,
    %broadcast_in_dim3A_45 = arith.constant 0.000000e+00 : f32
    %broadcast_in_dim3A_46 = vector.broadcast %broadcast_in_dim3A_45 : f32 to vector<400x64xf32>
    %concatenate3A_47 = tpu.concatenate %mul3A_27, %broadcast_in_dim3A_46 in 1 : vector<400x64xf32>, vector<400x64xf32> -> vector<400x128xf32>
    %convert_element_type3A = arith.truncf %concatenate3A_47 : vector<400x128xf32> to vector<400x128xbf16>
    %swap3A_48 = arith.constant 0 : index
    %swap3A_49 = arith.constant 0 : index
    %swap3A_50 = vector.load %arg8[%swap3A_48, %swap3A_49] : memref<400x128xbf16, #tpu.memory_space<vmem>>, vector<400x128xbf16>
    tpu.vector_store %arg8[%swap3A_48, %swap3A_49], %convert_element_type3A {strides = array<i32>} : memref<400x128xbf16, #tpu.memory_space<vmem>>, vector<400x128xbf16>,
    return
  }
  func.func @transform_0(%arg0: i32) -> i32 {
    %c0_i32 = arith.constant 0 : i32
    %c0_i32_0 = arith.constant 0 : i32
    return %c0_i32 : i32
  }
  func.func @transform_1(%arg0: i32) -> (i32, i32) {
    %c0_i32 = arith.constant 0 : i32
    %c0_i32_0 = arith.constant 0 : i32
    return %arg0, %c0_i32 : i32, i32
  }
  func.func @transform_2(%arg0: i32) -> (i32, i32) {
    %c0_i32 = arith.constant 0 : i32
    %c0_i32_0 = arith.constant 0 : i32
    %c0_i32_1 = arith.constant 0 : i32
    return %c0_i32, %c0_i32_0 : i32, i32
  }
  func.func @transform_3(%arg0: i32) -> (i32, i32) {
    %c0_i32 = arith.constant 0 : i32
    %c0_i32_0 = arith.constant 0 : i32
    %c0_i32_1 = arith.constant 0 : i32
    return %c0_i32, %c0_i32_0 : i32, i32
  }
  func.func @transform_4(%arg0: i32) -> (i32, i32) {
    %c0_i32 = arith.constant 0 : i32
    %c0_i32_0 = arith.constant 0 : i32
    %c0_i32_1 = arith.constant 0 : i32
    return %c0_i32, %c0_i32_0 : i32, i32
  }
  func.func @transform_5(%arg0: i32) -> (i32, i32) {
    %c0_i32 = arith.constant 0 : i32
    %c0_i32_0 = arith.constant 0 : i32
    %c0_i32_1 = arith.constant 0 : i32
    return %c0_i32, %c0_i32_0 : i32, i32
  }
  func.func @transform_6(%arg0: i32) -> (i32, i32) {
    %c0_i32 = arith.constant 0 : i32
    %c0_i32_0 = arith.constant 0 : i32
    %c0_i32_1 = arith.constant 0 : i32
    return %c0_i32, %c0_i32_0 : i32, i32
  }
  func.func @transform_7(%arg0: i32) -> (i32, i32) {
    %c0_i32 = arith.constant 0 : i32
    %c0_i32_0 = arith.constant 0 : i32
    return %arg0, %c0_i32 : i32, i32
  }
  func.func @transform_8(%arg0: i32) -> (i32, i32) {
    %c0_i32 = arith.constant 0 : i32
    %c0_i32_0 = arith.constant 0 : i32
    return %arg0, %c0_i32 : i32, i32
  }
}

module attributes {stable_mosaic.version = 14 : i64} {
  func.func @_post_body(%arg0: i32, %arg1: memref<2x400x4xf32, #tpu.memory_space<vmem>>, %arg2: memref<400x16xf32, #tpu.memory_space<vmem>>, %arg3: memref<1x2xf32, #tpu.memory_space<vmem>>, %arg4: memref<400x2xf32, #tpu.memory_space<vmem>>) attributes {dimension_semantics = [#tpu.dimension_semantics<arbitrary>], iteration_bounds = array<i64: 125>, scalar_prefetch = 0 : i64, scratch_operands = 0 : i64, tpu.core_type = #tpu.core_type<tc>, window_params = [{transform_indices = @transform_0, window_bounds = array<i64: 2, 400, 4>}, {transform_indices = @transform_1, window_bounds = array<i64: 400, 16>}, {pipeline_mode = #tpu.pipeline_mode<synchronous>, transform_indices = @transform_2, window_bounds = array<i64: 1, 2>}, {transform_indices = @transform_3, window_bounds = array<i64: 400, 2>}]} {
    %get3A = arith.constant 0 : index
    %get3A_0 = arith.constant 0 : index
    %get3A_1 = arith.constant 0 : index
    %get3A_2 = vector.load %arg1[%get3A, %get3A_0, %get3A_1] : memref<2x400x4xf32, #tpu.memory_space<vmem>>, vector<2x400x4xf32>
    %get3A_3 = arith.constant 0 : index
    %get3A_4 = arith.constant 0 : index
    %get3A_5 = vector.load %arg2[%get3A_3, %get3A_4] : memref<400x16xf32, #tpu.memory_space<vmem>>, vector<400x16xf32>
    %slice3A = vector.extract_strided_slice %get3A_5 {offsets = [0, 2], sizes = [400, 1], strides = [1, 1]} : vector<400x16xf32> to vector<400x1xf32>
    %slice3A_6 = vector.extract_strided_slice %get3A_2 {offsets = [0, 0, 0], sizes = [1, 400, 1], strides = [1, 1, 1]} : vector<2x400x4xf32> to vector<1x400x1xf32>
    %squeeze3A = vector.shape_cast %slice3A_6 : vector<1x400x1xf32> to vector<400x1xf32>
    %slice3A_7 = vector.extract_strided_slice %get3A_2 {offsets = [1, 0, 0], sizes = [1, 400, 1], strides = [1, 1, 1]} : vector<2x400x4xf32> to vector<1x400x1xf32>
    %squeeze3A_8 = vector.shape_cast %slice3A_7 : vector<1x400x1xf32> to vector<400x1xf32>
    %add3A = arith.addf %squeeze3A, %squeeze3A_8 : vector<400x1xf32>
    %add3A_9 = arith.addf %add3A, %slice3A : vector<400x1xf32>
    %slice3A_10 = vector.extract_strided_slice %get3A_2 {offsets = [0, 0, 1], sizes = [1, 400, 1], strides = [1, 1, 1]} : vector<2x400x4xf32> to vector<1x400x1xf32>
    %squeeze3A_11 = vector.shape_cast %slice3A_10 : vector<1x400x1xf32> to vector<400x1xf32>
    %slice3A_12 = vector.extract_strided_slice %get3A_2 {offsets = [1, 0, 1], sizes = [1, 400, 1], strides = [1, 1, 1]} : vector<2x400x4xf32> to vector<1x400x1xf32>
    %squeeze3A_13 = vector.shape_cast %slice3A_12 : vector<1x400x1xf32> to vector<400x1xf32>
    %add3A_14 = arith.addf %squeeze3A_11, %squeeze3A_13 : vector<400x1xf32>
    %slice3A_15 = vector.extract_strided_slice %get3A_5 {offsets = [0, 0], sizes = [400, 1], strides = [1, 1]} : vector<400x16xf32> to vector<400x1xf32>
    %mul3A = arith.mulf %slice3A, %slice3A_15 : vector<400x1xf32>
    %add3A_16 = arith.addf %add3A_14, %mul3A : vector<400x1xf32>
    %slice3A_17 = vector.extract_strided_slice %get3A_2 {offsets = [0, 0, 2], sizes = [1, 400, 1], strides = [1, 1, 1]} : vector<2x400x4xf32> to vector<1x400x1xf32>
    %squeeze3A_18 = vector.shape_cast %slice3A_17 : vector<1x400x1xf32> to vector<400x1xf32>
    %slice3A_19 = vector.extract_strided_slice %get3A_2 {offsets = [1, 0, 2], sizes = [1, 400, 1], strides = [1, 1, 1]} : vector<2x400x4xf32> to vector<1x400x1xf32>
    %squeeze3A_20 = vector.shape_cast %slice3A_19 : vector<1x400x1xf32> to vector<400x1xf32>
    %add3A_21 = arith.addf %squeeze3A_18, %squeeze3A_20 : vector<400x1xf32>
    %slice3A_22 = vector.extract_strided_slice %get3A_5 {offsets = [0, 1], sizes = [400, 1], strides = [1, 1]} : vector<400x16xf32> to vector<400x1xf32>
    %mul3A_23 = arith.mulf %slice3A, %slice3A_22 : vector<400x1xf32>
    %add3A_24 = arith.addf %add3A_21, %mul3A_23 : vector<400x1xf32>
    %add3A_25 = arith.constant 1.000000e-16 : f32
    %add3A_26 = vector.broadcast %add3A_25 : f32 to vector<400x1xf32>
    %add3A_27 = arith.addf %add3A_9, %add3A_26 : vector<400x1xf32>
    %div3A = arith.constant 1.000000e+00 : f32
    %div3A_28 = vector.broadcast %div3A : f32 to vector<400x1xf32>
    %div3A_29 = arith.divf %div3A_28, %add3A_27 : vector<400x1xf32>
    %mul3A_30 = arith.mulf %add3A_16, %div3A_29 : vector<400x1xf32>
    %mul3A_31 = arith.mulf %add3A_24, %div3A_29 : vector<400x1xf32>
    %concatenate3A = tpu.concatenate %mul3A_30, %mul3A_31 in 1 : vector<400x1xf32>, vector<400x1xf32> -> vector<400x2xf32>
    %get3A_32 = arith.constant 0 : index
    %get3A_33 = arith.constant 0 : index
    %get3A_34 = vector.load %arg3[%get3A_32, %get3A_33] : memref<1x2xf32, #tpu.memory_space<vmem>>, vector<1x2xf32>
    %add3A_35 = vector.broadcast %get3A_34 : vector<1x2xf32> to vector<400x2xf32>
    %add3A_36 = arith.addf %concatenate3A, %add3A_35 : vector<400x2xf32>
    %swap3A = arith.constant 0 : index
    %swap3A_37 = arith.constant 0 : index
    %swap3A_38 = vector.load %arg4[%swap3A, %swap3A_37] : memref<400x2xf32, #tpu.memory_space<vmem>>, vector<400x2xf32>
    tpu.vector_store %arg4[%swap3A, %swap3A_37], %add3A_36 {strides = array<i32>} : memref<400x2xf32, #tpu.memory_space<vmem>>, vector<400x2xf32>,
    return
  }
  func.func @transform_0(%arg0: i32) -> (i32, i32, i32) {
    %c0_i32 = arith.constant 0 : i32
    %c0_i32_0 = arith.constant 0 : i32
    %c0_i32_1 = arith.constant 0 : i32
    return %c0_i32, %arg0, %c0_i32_0 : i32, i32, i32
  }
  func.func @transform_1(%arg0: i32) -> (i32, i32) {
    %c0_i32 = arith.constant 0 : i32
    %c0_i32_0 = arith.constant 0 : i32
    return %arg0, %c0_i32 : i32, i32
  }
  func.func @transform_2(%arg0: i32) -> (i32, i32) {
    %c0_i32 = arith.constant 0 : i32
    %c0_i32_0 = arith.constant 0 : i32
    %c0_i32_1 = arith.constant 0 : i32
    return %c0_i32, %c0_i32_0 : i32, i32
  }
  func.func @transform_3(%arg0: i32) -> (i32, i32) {
    %c0_i32 = arith.constant 0 : i32
    %c0_i32_0 = arith.constant 0 : i32
    return %arg0, %c0_i32 : i32, i32
  }
}

</mosaic_0001>

<sc_bundles>
// kernel: kernel.5.cloned.1.call-start
scs
__scs_entry_jumppad:
0x0: {  	(pc) =	sbr.rel $0x88, $3  }
0x1: {  	(tag) =	ssettag $0x0;
	lr =	simm.s32 $0x1  }
0x2: {  	[smem:$0x3F98] =	sst lr;
	_ =	strace $0xD0000000  }
0x3: {  	_ = 	snop  }
0x4: {  	_ = 	snop  }
0x5: {  	_ = 	snop  }
0x6: {  	_ = 	snop  }
0x7: {  	_ = 	snop  }
__scs_overlays_trampoline_lowered:
0x8: {  	[smem:$0x3FA7] =	sst s0  }
0x9: {  	[smem:$0x3FA8] =	sst s1  }
0xa: {  	[smem:$0x3FA9] =	sst s2  }
0xb: {  	[smem:$0x3FAA] =	sst s3  }
0xc: {  	[smem:$0x3FAB] =	sst s4  }
0xd: {  	[smem:$0x3FAC] =	sst s5  }
0xe: {  	[smem:$0x3FAD] =	sst s6  }
0xf: {  	[smem:$0x3FAE] =	sst s7  }
0x10: {  	[smem:$0x3FAF] =	sst s8  }
0x11: {  	[smem:$0x3FB0] =	sst s9;
	s0 =	simm.s32 @!p0 $0x0  }
0x12: {  	s1 =	sld [smem:$0x3F96];
	s0 =	simm.s32 @p0 $0x1  }
0x13: {  	[smem:$0x3FB1] =	sst s0;
	s0 =	simm.s32 @!p1 $0x0  }
0x14: {  	s2 =	sld [smem:$0x3F95];
	s0 =	simm.s32 @p1 $0x1  }
0x15: {  	[smem:$0x3FB2] =	sst s0;
	s0 =	simm.s32 @!p2 $0x0  }
0x16: {  	s3 =	sld [smem:$0x3FDB];
	s0 =	simm.s32 @p2 $0x1  }
0x17: {  	s4 =	simm.s32 $0x1BF5;
	[smem:$0x3FB4] =	sst s0  }
0x18: {  	s0 =	sld [smem:$0x3F97];
	_ =	swait.ge [sflag:s4], $0x0  }
0x19: {  	s7 =	sld [smem:$0x3F98]  }
0x1a: {  	s8 =	sadd.s32 $0xFFFFE003, lr  }
0x1b: {  	s9 =	sadd.s32 $0xFFFFFEF7, lr;
	s5 =	simm.s32 $0xFFFFFFFF;
	p2 =	slt.u32 s8, $0xFFFFF086  }
0x1c: {  	p1 =	slt.u32 s9, $0xF7A;
	s5 =	simm.s32 @!p2 $0x0  }
0x1d: {  	s5 =	simm.s32 @p1 $0x1;
	p0 =	seq.s32 s7, s2  }
0x1e: {  	s7 =	smul.u32 @!p0 $0xF7A, s2;
	p2 =	seq.s32 @!p0 s5, $0x0  }
0x1f: {  	s9 =	smul.u32 $0xF7A, s1;
	s8 =	simm.s32 @!p0 $0x1BF5;
	p2 =	por !p2, p0  }
0x20: {  	[sflag:s8] =	ssyncset.s32 @!p0 $0xFFFFF086;
	s6 =	sadd.s32 @!p0 s3, s7;
	s7 =	simm.s32 @!p0 $0x108  }
0x21: {  	s3 =	sadd.s32 s3, s9;
	s6 =	sadd.s32 @!p0 $0x88, s6;
	s7 =	simm.s32 @p2 $0x1082  }
0x22: {  	[simem:s7], [sflag:s8] =	dma.local @!p0 [hbm:s6], $0xF7A  }
0x23: {  	s9 =	sor.u32 $0xD0000000, s2;
	s6 =	simm.s32 $0x108;
	_ =	swait.ge @!p0 [sflag:s8], $0x0  }
0x24: {  	s3 =	sadd.s32 $0x88, s3;
	s6 =	simm.s32 @!p1 $0x1082;
	[sflag:s4] =	ssyncset.s32 $0xFFFFF086  }
0x25: {  	[simem:s6], [sflag:s4] =	dma.local [hbm:s3], $0xF7A  }
0x26: {  	[smem:$0x3F98] =	sst s1;
	(tag) =	ssettag s2;
	_ =	strace s9  }
0x27: {  	s1 =	sld [smem:$0x3FA8]  }
0x28: {  	s2 =	sld [smem:$0x3FA9]  }
0x29: {  	s4 =	sld [smem:$0x3FAB]  }
0x2a: {  	p0 =	seq.s32 s5, $0x0;
	s5 =	sld [smem:$0x3FAC]  }
0x2b: {  	s6 =	sld [smem:$0x3FAD]  }
0x2c: {  	s7 =	sld [smem:$0x3FAE]  }
0x2d: {  	s3 =	simm.s32 $0x108;
	s8 =	sld [smem:$0x3FAF]  }
0x2e: {  	s3 =	simm.s32 @!p0 $0x1082;
	s9 =	sld [smem:$0x3FB0]  }
0x2f: {  	lr =	sadd.s32 s0, s3;
	s0 =	sld [smem:$0x3FA7]  }
0x30: {  	s3 =	sld [smem:$0x3FAA]  }
0x31: {  	[smem:$0x3FB3] =	sst s10  }
0x32: {  	s10 =	sld [smem:$0x3FB1];
	_ =	sdelay $0x3  }
0x33: {  	p0 =	seq.s32 s10, $0x1;
	s10 =	sld [smem:$0x3FB3];
	_ =	sdelay $0x3  }
0x34: {  	[smem:$0x3FB3] =	sst s10  }
0x35: {  	s10 =	sld [smem:$0x3FB2];
	_ =	sdelay $0x3  }
0x36: {  	p1 =	seq.s32 s10, $0x1;
	s10 =	sld [smem:$0x3FB3];
	_ =	sdelay $0x3  }
0x37: {  	[smem:$0x3FB3] =	sst s10  }
0x38: {  	s10 =	sld [smem:$0x3FB4]  }
0x39: {  	_ = 	snop;
	(pc) =	sbr.ind lr, $3  }
0x3a: {  	_ = 	snop  }
0x3b: {  	_ = 	snop  }
0x3c: {  	p2 =	seq.s32 s10, $0x1;
	s10 =	sld [smem:$0x3FB3]  }
0x3d: {  	_ =	shalt  }
0x3e: {  	_ =	shalt  }
0x3f: {  	_ =	shalt  }
0x40: {  	_ =	shalt  }
0x41: {  	_ =	shalt  }
0x42: {  	_ =	shalt  }
0x43: {  	_ =	shalt  }
0x44: {  	_ =	shalt  }
0x45: {  	_ =	shalt  }
0x46: {  	_ =	shalt  }
0x47: {  	_ =	shalt  }
0x48: {  	_ =	shalt  }
0x49: {  	_ =	shalt  }
0x4a: {  	_ =	shalt  }
0x4b: {  	_ =	shalt  }
0x4c: {  	_ =	shalt  }
0x4d: {  	_ =	shalt  }
0x4e: {  	_ =	shalt  }
0x4f: {  	_ =	shalt  }
0x50: {  	_ =	shalt  }
0x51: {  	_ =	shalt  }
0x52: {  	_ =	shalt  }
0x53: {  	_ =	shalt  }
0x54: {  	_ =	shalt  }
0x55: {  	_ =	shalt  }
0x56: {  	_ =	shalt  }
0x57: {  	_ =	shalt  }
0x58: {  	_ =	shalt  }
0x59: {  	_ =	shalt  }
0x5a: {  	_ =	shalt  }
0x5b: {  	_ =	shalt  }
0x5c: {  	_ =	shalt  }
0x5d: {  	_ =	shalt  }
0x5e: {  	_ =	shalt  }
0x5f: {  	_ =	shalt  }
0x60: {  	_ =	shalt  }
0x61: {  	_ =	shalt  }
0x62: {  	_ =	shalt  }
0x63: {  	_ =	shalt  }
0x64: {  	_ =	shalt  }
0x65: {  	_ =	shalt  }
0x66: {  	_ =	shalt  }
0x67: {  	_ =	shalt  }
0x68: {  	_ =	shalt  }
0x69: {  	_ =	shalt  }
0x6a: {  	_ =	shalt  }
0x6b: {  	_ =	shalt  }
0x6c: {  	_ =	shalt  }
0x6d: {  	_ =	shalt  }
0x6e: {  	_ =	shalt  }
0x6f: {  	_ =	shalt  }
0x70: {  	_ =	shalt  }
0x71: {  	_ =	shalt  }
0x72: {  	_ =	shalt  }
0x73: {  	_ =	shalt  }
0x74: {  	_ =	shalt  }
0x75: {  	_ =	shalt  }
0x76: {  	_ =	shalt  }
0x77: {  	_ =	shalt  }
0x78: {  	_ =	shalt  }
0x79: {  	_ =	shalt  }
0x7a: {  	_ =	shalt  }
0x7b: {  	_ =	shalt  }
0x7c: {  	_ =	shalt  }
0x7d: {  	_ =	shalt  }
0x7e: {  	_ =	shalt  }
0x7f: {  	_ =	shalt  }
0x80: {  	_ =	shalt  }
0x81: {  	_ =	shalt  }
0x82: {  	_ =	shalt  }
0x83: {  	_ =	shalt  }
0x84: {  	_ =	shalt  }
0x85: {  	_ =	shalt  }
0x86: {  	_ =	shalt  }
0x87: {  	_ =	shalt  }
.Lfunc_end0:
.L_simem_size_0:
called_computation_lowered:
.L_overlay_start_0:
0x88: {  	s2 =	sld [smem:$0x3FD9]  }
0x89: {  	s3 =	sld [smem:$0x3FFE];
	_ =	sdelay $0x1  }
0x8a: {  	s1 =	srdreg.scid  }
0x8b: {  	s0 =	sand.u32 $0x1, s1  }
0x8c: {  	s17 =	sshll.u32 s0, $0xA;
	s2 =	sadd.s32 s3, s2  }
0x8d: {  	s2 =	sadd.s32 s2, s17  }
0x8e: {  	[smem:$0x3FBF] =	sst s2  }
0x8f: {  	_ = 	snop  }
0x90: {  	s2 =	sld [smem:$0x3FD0];
	(tm) =	ssettm $0x1  }
0x91: {  	s18 =	sld [smem:$0x3FFB];
	_ =	sdelay $0x3  }
0x92: {  	_ =	strace s18  }
0x93: {  	s3 =	sld [smem:$0x3FFC];
	_ =	sdelay $0x3  }
0x94: {  	_ =	strace s3  }
0x95: {  	s3 =	sld [smem:$0x3FFD];
	_ =	sdelay $0x3  }
0x96: {  	_ =	strace s3  }
0x97: {  	_ =	strace $0x8FFFFFFF  }
0x98: {  	s19 =	sld [smem:$0x3FDB];
	_ =	sdelay $0x1  }
0x99: {  	s4 =	simm.s32 $_scs_section_size  }
0x9a: {  	s5 =	simm.s32 $_size__tile_overlayer_lowered;
	s6 =	simm.s32 $_tile_overlayer_lowered  }
0x9b: {  	s22 =	simm.s32 $0x1BFF;
	s21 =	sshll.u32 s6, $0x1;
	s3 =	sadd.s32 s4, s19  }
0x9c: {  	s7 =	simm.s32 $0x0;
	s20 =	sshll.u32 s5, $0x1;
	s5 =	sadd.s32 s21, s3  }
0x9d: {  	[timem:s7], [sflag:s22] =	dma.local [hbm:s5], s20  }
0x9e: {  	_ =	swait.ge [sflag:s22], s20  }
0x9f: {  	s4 =	ssub.s32 $0x0, s20;
	[sflag:s22] =	ssyncset.done $0x0  }
0xa0: {  	[sflag:s22] =	ssyncadd.s32 s4;
	_ =	sdelay $0x1  }
0xa1: {  	s23 =	simm.s32 $0x1B8B  }
0xa2: {  	_ =	swait.ge [sflag:s23], $0x1  }
0xa3: {  	[sflag:s23] =	ssyncset.done $0x0  }
0xa4: {  	s25 =	simm.s32 $0x1B8E;
	s24 =	sld [smem:$0x3FFE];
	[sflag:s23] =	ssyncadd.s32 $0xFFFFFFFF  }
0xa5: {  	s26 =	simm.s32 $execute0_lowered;
	[smem:$0x3FD2] =	sst s25  }
0xa6: {  	s5 =	sshll.u32 s26, $0x1;
	_ =	strace $0x80000046;
	[dreg:$0x1] =	wrdreg $0xFFFFFFFF  }
0xa7: {  	s28 =	simm.s32 $_size_execute0_lowered;
	s3 =	sadd.s32 s3, s5;
	[dreg:$0x0] =	wrdreg $0x0  }
0xa8: {  	s5 =	sshll.u32 s28, $0x1;
	[dreg:$0x2] =	wrdreg s3  }
0xa9: {  	[dreg:$0x3] =	wrdreg s5  }
0xaa: {  	[dreg:$0x4] =	wrdreg $0xC0  }
0xab: {  	_ =	task [dreg:s7], $0x5FFFF  }
0xac: {  	[dreg:$0x1] =	wrdreg $0xFFFFFFFF  }
0xad: {  	[dreg:$0x0] =	wrdreg $0x60  }
0xae: {  	[dreg:$0x2] =	wrdreg s24  }
0xaf: {  	[dreg:$0x3] =	wrdreg s2  }
0xb0: {  	[dreg:$0x4] =	wrdreg $0x158600  }
0xb1: {  	[dreg:$0x5] =	wrdreg $0x9  }
0xb2: {  	_ =	task.clear_ibuf [dreg:s7], $0x6FFFF;
	_ =	strace $0x90000046  }
0xb3: {  	s29 =	simm.s32 $0x9;
	_ =	strace $0x80000048  }
0xb4: {  	_ =	swait.ge [sflag:s29], $0x1  }
0xb5: {  	[sflag:s29] =	ssyncadd.s32 $0xFFFFFFFF  }
0xb6: {  	_ =	strace $0x90000048  }
0xb7: {  	_ =	sfence  }
0xb8: {  	s30 =	sld [smem:$0x0];
	_ =	sdelay $0x2  }
0xb9: {  	s31 =	sshll.u32 s1, $0xD;
	s1 =	sshrl.u32 s1, $0x2  }
0xba: {  	s3 =	sand.u32 $0x4000, s31;
	s1 =	sadd.s32 s1, s30  }
0xbb: {  	s0 =	sor.u32 s3, s0;
	s1 =	sshll.u32 s1, $0x11  }
0xbc: {  	s0 =	sor.u32 s1, s0  }
0xbd: {  	s0 =	sadd.s32 $0x8F2B, s0  }
0xbe: {  	[sflag:s0] =	ssyncadd.remote.s32 $0x1  }
0xbf: {  	_ =	sfence.sel $0xFFFF  }
0xc0: {  	[dreg:$0x0] =	wrdreg $0xFFFFFFFF;
	(pc) =	sbr.abs _section_cstart, $3  }
0xc1: {  	[dreg:$0x1] =	wrdreg $0xFFFFFFFF  }
0xc2: {  	_ =	task.clear_ibuf [dreg:s7], $0x2FFFF;
	_ =	strace $0x9FFFFFFF  }
0xc3: {  	(tm) =	ssettm $0x7FFFFFFF  }
tec
execute0_lowered:
.L_overlay_start_1:
0x0: {  	(tag) =	ssettag $0x1  }
0x1: {  	s0 =	rddreg [dreg:$0x0]  }
0x2: {  	s2 =	rddreg [dreg:$0x2];
	s3 =	simm.s32 $0x0;
	s1 =	srdreg.scid  }
0x3: {  	s11 =	stileid.u32;
	s29 =	simm.s32 $0x0;
	[smem:$0x7FF] =	sst s3  }
0x4: {  	s5 =	sadd.s32 $0xC5400, s0;
	s6 =	sadd.s32 $0x13F800, s0;
	s1 =	sand.u32 $0x1, s1  }
0x5: {  	s7 =	sadd.s32 $0x127000, s0;
	s8 =	sadd.s32 $0x158400, s0;
	s10 =	smul.u32 $0x3100, s11  }
0x6: {  	s22 =	sshll.u32 s11, $0x1;
	_ =	strace $0x80000047;
	s4 =	ssub.s32 $0x2, s1  }
0x7: {  	s23 =	smul.u32 $0x31000, s1;
	s1 =	sor.u32 s1, s22;
	s9 =	sshrl.u32 s4, $0x1  }
0x8: {  	s24 =	sadd.s32 $0x700, s10;
	s12 =	sadd.s32 $0xE00, s10;
	s13 =	sadd.s32 $0x1500, s10  }
0x9: {  	s14 =	sadd.s32 $0x1C00, s10;
	s17 =	sadd.s32 $0x2300, s10;
	s18 =	sadd.s32 $0x2A00, s10  }
0xa: {  	s1 =	smul.u32 $0x6200, s1;
	s9 =	ssub.s32 s4, s9;
	s15 =	sadd.s32 s10, s23  }
0xb: {  	s25 =	sadd.s32 s23, s24;
	s16 =	sadd.s32 s23, s12;
	s19 =	sadd.s32 s23, s13  }
0xc: {  	s30 =	sadd.s32 s23, s14;
	s31 =	sadd.s32 s23, s17;
	s13 =	sadd.s32 s13, s2  }
0xd: {  	s11 =	sadd.s32 s23, s18;
	s14 =	sadd.s32 s14, s2;
	[dreg:$0xc] =	wrdreg s13  }
0xe: {  	s17 =	sadd.s32 s17, s2;
	s18 =	sadd.s32 s18, s2;
	[dreg:$0xd] =	wrdreg s14  }
0xf: {  	s15 =	sshrl.u32 s15, $0x3;
	s16 =	sshrl.u32 s16, $0x3;
	[dreg:$0xe] =	wrdreg s17  }
0x10: {  	s28 =	sshrl.u32 s19, $0x3;
	s19 =	sadd.s32 $0x158000, s0;
	[dreg:$0xf] =	wrdreg s18  }
0x11: {  	s11 =	sshrl.u32 s11, $0x3;
	s15 =	sadd.s32 s8, s15;
	[dreg:$0xb] =	wrdreg s19  }
0x12: {  	s20 =	sshrl.u32 s1, $0x3;
	s26 =	sadd.s32 s8, s16;
	[dreg:$0x4] =	wrdreg s15  }
0x13: {  	s16 =	sshrl.u32 s31, $0x3;
	s31 =	smax.u32 s9, $0x1;
	[dreg:$0x6] =	wrdreg s26  }
0x14: {  	s21 =	sor.u32 $0x10, s20;
	s16 =	sadd.s32 s8, s16;
	[dreg:$0x18] =	wrdreg s31  }
0x15: {  	s19 =	sadd.s32 s12, s2;
	s22 =	sadd.s32 s6, s21;
	[dreg:$0x9] =	wrdreg s16  }
0x16: {  	s23 =	sor.u32 $0x20, s20;
	s4 =	sadd.s32 s7, s21;
	[dreg:$0x10] =	wrdreg s22  }
0x17: {  	s15 =	sshrl.u32 s25, $0x3;
	s25 =	sadd.s32 s7, s23;
	[dreg:$0x11] =	wrdreg s4  }
0x18: {  	s9 =	simm.s32 $0x9510;
	s26 =	sadd.s32 s6, s20;
	[dreg:$0x13] =	wrdreg s25  }
0x19: {  	s12 =	simm.s32 $0x80;
	s15 =	sadd.s32 s8, s15;
	[dreg:$0x14] =	wrdreg s26  }
0x1a: {  	s16 =	sadd.s32 $0x158200, s0;
	[dreg:$0x5] =	wrdreg s15;
	s15 =	sadd.s32 s8, s28  }
0x1b: {  	s0 =	sor.u32 $0x30, s20;
	s28 =	sadd.s32 s7, s20;
	[dreg:$0x7] =	wrdreg s15  }
0x1c: {  	vm0 =	vmmov $0x1;
	vm1 =	vmmov $0x3;
	s15 =	sshrl.u32 s30, $0x3;
	[dreg:$0x15] =	wrdreg s28;
	s30 =	sadd.s32 s6, s0  }
.Ltmp0:
0x1d: {  	vm2 =	vmmov $0x7;
	vm3 =	vmmov $0xf;
	vm4 =	vmmov $0x1f;
	s0 =	sadd.s32 s7, s0;
	[dreg:$0x16] =	wrdreg s30;
	(pc) =	sbr.rel .LBB2_1-.Ltmp0, $4  }
0x1e: {  	vm5 =	vmmov $0x3f;
	vm6 =	vmmov $0x7f;
	vm7 =	vmmov $0xff;
	s4 =	sadd.s32 $0x200, s1;
	s15 =	sadd.s32 s8, s15;
	[dreg:$0x17] =	wrdreg s0  }
0x1f: {  	vm8 =	vmmov $0x1ff;
	vm9 =	vmmov $0x3ff;
	vm10 =	vmmov $0x7ff;
	s8 =	sadd.s32 s8, s11;
	s11 =	sadd.s32 s10, s2;
	[dreg:$0x8] =	wrdreg s15  }
0x20: {  	vm11 =	vmmov $0xfff;
	vm12 =	vmmov $0x1fff;
	v0 =	vlaneseq.u32;
	[dreg:$0xa] =	wrdreg s8;
	s15 =	sadd.s32 s24, s2;
	s24 =	sadd.s32 s6, s23  }
0x21: {  	vm13 =	vmmov $0x3fff;
	vm14 =	vmmov $0x7fff;
	v0 =	vmul.u32 $0x10, v0;
	s10 =	simm.s32 $0x8500;
	s8 =	simm.s32 $0x11;
	[dreg:$0x12] =	wrdreg s24  }
.LBB2_9:
0x22: {  	s0 =	simm.s32 $0x5  }
0x23: {  	_ =	swait.ge [sflag:s0], $0x800  }
0x24: {  	[sflag:s0] =	ssyncset.done $0x0  }
0x25: {  	s20 =	simm.s32 $0x6;
	[sflag:s0] =	ssyncadd.s32 $0xFFFFF800  }
0x26: {  	_ =	swait.ge [sflag:s20], $0x800  }
0x27: {  	[sflag:s20] =	ssyncset.done $0x0  }
0x28: {  	[sflag:s20] =	ssyncadd.s32 $0xFFFFF800  }
0x29: {  	[bflag:$0x0] =	sbarrier.arrive $0xFFFF  }
0x2a: {  	[tilespmem:s10], [sflag:$0x11] =	stream.linear.gather [spmem:s21], $0x700, $0x38;
	[tilespmem:$0x18960] =	vst v63  }
0x2b: {  	_ =	swait.ge [sflag:s8], $0x700  }
0x2c: {  	[sflag:s8] =	ssyncset.done $0x0  }
0x2d: {  	s11 =	smov.u32 s21;
	s21 =	rddreg [dreg:$0x4];
	[sflag:s8] =	ssyncadd.s32 $0xFFFFF900  }
0x2e: {  	[hbm4b:s21+s3] =	stream.linear.scatter [tilespmem:s10], [sflag:$0x11], $0x700, $0x38;
	[tilespmem:$0x18960] =	vst v63  }
0x2f: {  	_ =	swait.ge [sflag:s8], $0x700  }
0x30: {  	[sflag:s8] =	ssyncset.done $0x0  }
0x31: {  	[sflag:s8] =	ssyncadd.s32 $0xFFFFF900  }
0x32: {  	[tilespmem:s10], [sflag:$0x11] =	stream.linear.gather [spmem:s22], $0x700, $0x38;
	[tilespmem:$0x18960] =	vst v63  }
0x33: {  	_ =	swait.ge [sflag:s8], $0x700  }
0x34: {  	[sflag:s8] =	ssyncset.done $0x0  }
0x35: {  	s15 =	smov.u32 s22;
	s22 =	rddreg [dreg:$0x5];
	[sflag:s8] =	ssyncadd.s32 $0xFFFFF900  }
0x36: {  	[hbm4b:s22+s3] =	stream.linear.scatter [tilespmem:s10], [sflag:$0x11], $0x700, $0x38;
	[tilespmem:$0x18960] =	vst v63  }
0x37: {  	_ =	swait.ge [sflag:s8], $0x700  }
0x38: {  	[sflag:s8] =	ssyncset.done $0x0  }
0x39: {  	[sflag:s8] =	ssyncadd.s32 $0xFFFFF900  }
0x3a: {  	[tilespmem:s10], [sflag:$0x11] =	stream.linear.gather [spmem:s23], $0x700, $0x38;
	[tilespmem:$0x18960] =	vst v63  }
0x3b: {  	_ =	swait.ge [sflag:s8], $0x700  }
0x3c: {  	[sflag:s8] =	ssyncset.done $0x0  }
0x3d: {  	s24 =	rddreg [dreg:$0x6];
	[sflag:s8] =	ssyncadd.s32 $0xFFFFF900  }
0x3e: {  	[hbm4b:s24+s3] =	stream.linear.scatter [tilespmem:s10], [sflag:$0x11], $0x700, $0x38;
	[tilespmem:$0x18960] =	vst v63  }
0x3f: {  	_ =	swait.ge [sflag:s8], $0x700  }
0x40: {  	[sflag:s8] =	ssyncset.done $0x0  }
0x41: {  	s13 =	rddreg [dreg:$0xc];
	[sflag:s8] =	ssyncadd.s32 $0xFFFFF900  }
0x42: {  	[tilespmem:s10], [sflag:$0x11] =	stream.linear.gather [spmem:s13], $0x700, $0x38;
	[tilespmem:$0x18960] =	vst v63  }
0x43: {  	_ =	swait.ge [sflag:s8], $0x700  }
0x44: {  	[sflag:s8] =	ssyncset.done $0x0  }
0x45: {  	s25 =	rddreg [dreg:$0x7];
	[sflag:s8] =	ssyncadd.s32 $0xFFFFF900  }
0x46: {  	[hbm4b:s25+s3] =	stream.linear.scatter [tilespmem:s10], [sflag:$0x11], $0x700, $0x38;
	[tilespmem:$0x18960] =	vst v63  }
0x47: {  	_ =	swait.ge [sflag:s8], $0x700  }
0x48: {  	[sflag:s8] =	ssyncset.done $0x0  }
0x49: {  	s14 =	rddreg [dreg:$0xd];
	[sflag:s8] =	ssyncadd.s32 $0xFFFFF900  }
0x4a: {  	[tilespmem:s10], [sflag:$0x11] =	stream.linear.gather [spmem:s14], $0x700, $0x38;
	[tilespmem:$0x18960] =	vst v63  }
0x4b: {  	_ =	swait.ge [sflag:s8], $0x700  }
0x4c: {  	[sflag:s8] =	ssyncset.done $0x0  }
0x4d: {  	s26 =	rddreg [dreg:$0x8];
	[sflag:s8] =	ssyncadd.s32 $0xFFFFF900  }
0x4e: {  	[hbm4b:s26+s3] =	stream.linear.scatter [tilespmem:s10], [sflag:$0x11], $0x700, $0x38;
	[tilespmem:$0x18960] =	vst v63  }
0x4f: {  	_ =	swait.ge [sflag:s8], $0x700  }
0x50: {  	[sflag:s8] =	ssyncset.done $0x0  }
0x51: {  	s17 =	rddreg [dreg:$0xe];
	[sflag:s8] =	ssyncadd.s32 $0xFFFFF900  }
0x52: {  	[tilespmem:s10], [sflag:$0x11] =	stream.linear.gather [spmem:s17], $0x700, $0x38;
	[tilespmem:$0x18960] =	vst v63  }
0x53: {  	_ =	swait.ge [sflag:s8], $0x700  }
0x54: {  	[sflag:s8] =	ssyncset.done $0x0  }
0x55: {  	s28 =	rddreg [dreg:$0x9];
	[sflag:s8] =	ssyncadd.s32 $0xFFFFF900  }
0x56: {  	[hbm4b:s28+s3] =	stream.linear.scatter [tilespmem:s10], [sflag:$0x11], $0x700, $0x38;
	[tilespmem:$0x18960] =	vst v63  }
0x57: {  	_ =	swait.ge [sflag:s8], $0x700  }
0x58: {  	[sflag:s8] =	ssyncset.done $0x0  }
0x59: {  	s18 =	rddreg [dreg:$0xf];
	[sflag:s8] =	ssyncadd.s32 $0xFFFFF900  }
0x5a: {  	[tilespmem:s10], [sflag:$0x11] =	stream.linear.gather [spmem:s18], $0x700, $0x38;
	[tilespmem:$0x18960] =	vst v63  }
0x5b: {  	_ =	swait.ge [sflag:s8], $0x700  }
0x5c: {  	[sflag:s8] =	ssyncset.done $0x0  }
0x5d: {  	s30 =	rddreg [dreg:$0xa];
	[sflag:s8] =	ssyncadd.s32 $0xFFFFF900  }
0x5e: {  	[hbm4b:s30+s3] =	stream.linear.scatter [tilespmem:s10], [sflag:$0x11], $0x700, $0x38;
	[tilespmem:$0x18960] =	vst v63  }
0x5f: {  	_ =	swait.ge [sflag:s8], $0x700  }
0x60: {  	s29 =	sadd.s32 $0x1, s29;
	s31 =	rddreg [dreg:$0x18]  }
0x61: {  	p0 =	sne.s32 s29, s31  }
.Ltmp1:
0x62: {  	_ = 	snop;
	(pc) =	sbr.rel @!p0 .LBB2_10-.Ltmp1, $3  }
0x63: {  	_ =	sdelay $0x1  }
0x64: {  	[sflag:s8] =	ssyncset.done $0x0  }
0x65: {  	s19 =	smov.u32 s23;
	[sflag:s8] =	ssyncadd.s32 $0xFFFFF900  }
.LBB2_1:
0x66: {  	s0 =	rddreg [dreg:$0xb];
	s1 =	simm.s32 $0x9500  }
0x67: {  	[tilespmem:s1], [sflag:$0x11] =	stream.linear.gather [hbm4b:s0+s3], $0x10, $0x38;
	[tilespmem:$0x18960] =	vst v63  }
0x68: {  	_ =	swait.ge [sflag:s8], $0x10  }
0x69: {  	[sflag:s8] =	ssyncset.done $0x0  }
0x6a: {  	[sflag:s8] =	ssyncadd.s32 $0xFFFFFFF0  }
0x6b: {  	s28 =	rddreg [dreg:$0x1]  }
0x6c: {  	[tilespmem:s9], [sflag:$0x11] =	stream.linear.gather [hbm4b:s28+s3], $0xC350, $0x38;
	[tilespmem:$0x18960] =	vst v63  }
0x6d: {  	_ =	swait.ge [sflag:s8], $0xC350  }
0x6e: {  	[sflag:s8] =	ssyncset.done $0x0  }
0x6f: {  	[sflag:s8] =	ssyncadd.s32 $0xFFFF3CB0  }
0x70: {  	[tilespmem:s10], [sflag:$0x11] =	stream.linear.gather [hbm4b:s16+s3], $0x800, $0x38;
	[tilespmem:$0x18960] =	vst v63  }
0x71: {  	_ =	swait.ge [sflag:s8], $0x800  }
0x72: {  	[sflag:s8] =	ssyncset.done $0x0  }
0x73: {  	s1 =	simm.s32 $0x8D00;
	[sflag:s8] =	ssyncadd.s32 $0xFFFFF800  }
0x74: {  	[tilespmem:s1], [sflag:$0x11] =	stream.linear.gather [hbm4b:s16+s3], $0x800, $0x38;
	[tilespmem:$0x18960] =	vst v63  }
0x75: {  	_ =	swait.ge [sflag:s8], $0x800  }
0x76: {  	[sflag:s8] =	ssyncset.done $0x0  }
0x77: {  	[sflag:s8] =	ssyncadd.s32 $0xFFFFF800  }
0x78: {  	[spmem:s11] =	stream.linear.scatter [tilespmem:s10], [sflag:$0x11], $0x700, $0x38;
	[tilespmem:$0x18960] =	vst v63  }
0x79: {  	_ =	swait.ge [sflag:s8], $0x700  }
0x7a: {  	[sflag:s8] =	ssyncset.done $0x0  }
0x7b: {  	[sflag:s8] =	ssyncadd.s32 $0xFFFFF900  }
0x7c: {  	[spmem:s15] =	stream.linear.scatter [tilespmem:s10], [sflag:$0x11], $0x700, $0x38;
	[tilespmem:$0x18960] =	vst v63  }
0x7d: {  	_ =	swait.ge [sflag:s8], $0x700  }
0x7e: {  	[sflag:s8] =	ssyncset.done $0x0  }
0x7f: {  	[sflag:s8] =	ssyncadd.s32 $0xFFFFF900  }
0x80: {  	[spmem:s19] =	stream.linear.scatter [tilespmem:s10], [sflag:$0x11], $0x700, $0x38;
	[tilespmem:$0x18960] =	vst v63  }
0x81: {  	_ =	swait.ge [sflag:s8], $0x700  }
0x82: {  	[sflag:s8] =	ssyncset.done $0x0  }
0x83: {  	[sflag:s8] =	ssyncadd.s32 $0xFFFFF900  }
0x84: {  	[spmem:s13] =	stream.linear.scatter [tilespmem:s10], [sflag:$0x11], $0x700, $0x38;
	[tilespmem:$0x18960] =	vst v63  }
0x85: {  	_ =	swait.ge [sflag:s8], $0x700  }
0x86: {  	[sflag:s8] =	ssyncset.done $0x0  }
0x87: {  	[sflag:s8] =	ssyncadd.s32 $0xFFFFF900  }
0x88: {  	[spmem:s14] =	stream.linear.scatter [tilespmem:s10], [sflag:$0x11], $0x700, $0x38;
	[tilespmem:$0x18960] =	vst v63  }
0x89: {  	_ =	swait.ge [sflag:s8], $0x700  }
0x8a: {  	[sflag:s8] =	ssyncset.done $0x0  }
0x8b: {  	[sflag:s8] =	ssyncadd.s32 $0xFFFFF900  }
0x8c: {  	[spmem:s17] =	stream.linear.scatter [tilespmem:s10], [sflag:$0x11], $0x700, $0x38;
	[tilespmem:$0x18960] =	vst v63  }
0x8d: {  	_ =	swait.ge [sflag:s8], $0x700  }
0x8e: {  	[sflag:s8] =	ssyncset.done $0x0  }
0x8f: {  	[sflag:s8] =	ssyncadd.s32 $0xFFFFF900  }
0x90: {  	[spmem:s18] =	stream.linear.scatter [tilespmem:s10], [sflag:$0x11], $0x700, $0x38;
	[tilespmem:$0x18960] =	vst v63  }
0x91: {  	_ =	swait.ge [sflag:s8], $0x700  }
0x92: {  	[sflag:s8] =	ssyncset.done $0x0  }
0x93: {  	[sflag:s8] =	ssyncadd.s32 $0xFFFFF900  }
0x94: {  	[bflag:$0x0] =	sbarrier.arrive $0xFFFF  }
0x95: {  	s14 =	rddreg [dreg:$0x14]  }
0x96: {  	v1 =	vld [tilespmem:$0x9500];
	[tilespmem:s3], [sflag:$0x7] =	stream.linear.gather [hbm4b:s14+s3], $0x80, $0x38  }
0x97: {  	s22 =	smov.u32 s15;
	s1 =	simm.s32 $0x200;
	s15 =	rddreg [dreg:$0x15]  }
0x98: {  	[tilespmem:s1], [sflag:$0xB] =	stream.linear.gather [hbm4b:s15+s3], $0x80, $0x38;
	[tilespmem:$0x18960] =	vst v63  }
0x99: {  	s17 =	rddreg [dreg:$0x10]  }
0x9a: {  	[tilespmem:s12], [sflag:$0x8] =	stream.linear.gather [hbm4b:s17+s3], $0x80, $0x38;
	[tilespmem:$0x18960] =	vst v63  }
0x9b: {  	s21 =	smov.u32 s11;
	s11 =	simm.s32 $0x280;
	s18 =	rddreg [dreg:$0x11]  }
0x9c: {  	[tilespmem:s11], [sflag:$0xC] =	stream.linear.gather [hbm4b:s18+s3], $0x80, $0x38;
	[tilespmem:$0x18960] =	vst v63  }
0x9d: {  	s23 =	smov.u32 s19;
	s20 =	simm.s32 $0x100;
	s19 =	rddreg [dreg:$0x12]  }
0x9e: {  	[tilespmem:s20], [sflag:$0x9] =	stream.linear.gather [hbm4b:s19+s3], $0x80, $0x38;
	[tilespmem:$0x18960] =	vst v63  }
0x9f: {  	s25 =	simm.s32 $0x300;
	s24 =	rddreg [dreg:$0x13]  }
0xa0: {  	[tilespmem:s25], [sflag:$0xD] =	stream.linear.gather [hbm4b:s24+s3], $0x80, $0x38;
	[tilespmem:$0x18960] =	vst v63  }
0xa1: {  	s28 =	simm.s32 $0x180;
	s26 =	rddreg [dreg:$0x16]  }
0xa2: {  	[tilespmem:s28], [sflag:$0xA] =	stream.linear.gather [hbm4b:s26+s3], $0x80, $0x38;
	[tilespmem:$0x18960] =	vst v63  }
0xa3: {  	s14 =	rddreg [dreg:$0x17];
	s15 =	simm.s32 $0x380;
	s17 =	simm.s32 $0x7  }
0xa4: {  	[tilespmem:s15], [sflag:$0xE] =	stream.linear.gather [hbm4b:s14+s3], $0x80, $0x38;
	[tilespmem:$0x18960] =	vst v63  }
0xa5: {  	_ =	swait.ge [sflag:s17], $0x80  }
0xa6: {  	[sflag:s17] =	ssyncset.done $0x0  }
0xa7: {  	s18 =	simm.s32 $0xB;
	[sflag:s17] =	ssyncadd.s32 $0xFFFFFF80  }
0xa8: {  	_ =	swait.ge [sflag:s18], $0x80  }
0xa9: {  	[sflag:s18] =	ssyncset.done $0x0  }
0xaa: {  	s19 =	simm.s32 $0x500;
	[sflag:s18] =	ssyncadd.s32 $0xFFFFFF80  }
0xab: {  	[tilespmem:s19], [sflag:$0x1] =	stream.indirect.gather [hbm4b:s5+s12], $0x40, s3, s12, $0xb8;
	[tilespmem:$0x18960] =	vst v63  }
0xac: {  	s20 =	simm.s32 $0x4500;
	s24 =	simm.s32 $0x8  }
0xad: {  	[tilespmem:s20], [sflag:$0x3] =	stream.indirect.gather [hbm4b:s5+s12], $0x40, s1, s12, $0xb8;
	[tilespmem:$0x18960] =	vst v63  }
0xae: {  	_ =	swait.ge [sflag:s24], $0x80  }
0xaf: {  	[sflag:s24] =	ssyncset.done $0x0  }
0xb0: {  	s25 =	simm.s32 $0xC;
	[sflag:s24] =	ssyncadd.s32 $0xFFFFFF80  }
0xb1: {  	_ =	swait.ge [sflag:s25], $0x80  }
.Ltmp2:
0xb2: {  	[sflag:s25] =	ssyncset.done $0x0;
	(pc) =	sbr.rel .LBB2_2-.Ltmp2, $4  }
0xb3: {  	p0 =	por $0x0, $0x0;
	s26 =	simm.s32 $0x2500;
	[sflag:s25] =	ssyncadd.s32 $0xFFFFFF80  }
0xb4: {  	[tilespmem:s26], [sflag:$0x2] =	stream.indirect.gather [hbm4b:s5+s12], $0x40, s12, s12, $0xb8;
	[tilespmem:$0x18960] =	vst v63  }
0xb5: {  	s30 =	simm.s32 $0x0;
	s31 =	simm.s32 $0x0;
	s28 =	simm.s32 $0x6500  }
0xb6: {  	[tilespmem:s28], [sflag:$0x4] =	stream.indirect.gather [hbm4b:s5+s12], $0x40, s11, s12, $0xb8;
	[tilespmem:$0x18960] =	vst v63  }
.LBB2_5:
0xb7: {  	s17 =	sshll.u32 s31, $0x7  }
0xb8: {  	s17 =	sadd.s32 s17, s4  }
0xb9: {  	s17 =	sshrl.u32 s17, $0x3  }
0xba: {  	s18 =	sadd.s32 $0x7, s24;
	s19 =	sadd.s32 s6, s17  }
0xbb: {  	[tilespmem:s26], [sflag:s18] =	stream.linear.gather [hbm4b:s19+s3], $0x80, $0x38;
	[tilespmem:$0x18960] =	vst v63  }
0xbc: {  	s28 =	sadd.s32 $0xB, s24;
	s17 =	sadd.s32 s7, s17;
	s26 =	sor.u32 $0x200, s26  }
0xbd: {  	[tilespmem:s26], [sflag:s28] =	stream.linear.gather [hbm4b:s17+s3], $0x80, $0x38;
	[tilespmem:$0x18960] =	vst v63  }
.LBB2_7:
0xbe: {  	s17 =	sxor.u32 $0x2, s24  }
0xbf: {  	s18 =	sadd.s32 $0x7, s17  }
0xc0: {  	_ =	swait.ge [sflag:s18], $0x80  }
0xc1: {  	[sflag:s18] =	ssyncset.done $0x0  }
0xc2: {  	s25 =	sadd.s32 $0xB, s17;
	[sflag:s18] =	ssyncadd.s32 $0xFFFFFF80  }
0xc3: {  	_ =	swait.ge [sflag:s25], $0x80  }
0xc4: {  	s15 =	sshrl.u32 s15, $0x1;
	[sflag:s25] =	ssyncset.done $0x0  }
0xc5: {  	s17 =	sshll.u32 s17, $0x7;
	s26 =	sadd.s32 $0x500, s15;
	[sflag:s25] =	ssyncadd.s32 $0xFFFFFF80  }
0xc6: {  	[tilespmem:s26], [sflag:s13] =	stream.indirect.gather [hbm4b:s5+s12], $0x40, s17, s12, $0xb8;
	[tilespmem:$0x18960] =	vst v63  }
0xc7: {  	s15 =	sadd.s32 $0x4500, s15;
	s28 =	sor.u32 $0x200, s17  }
0xc8: {  	[tilespmem:s15], [sflag:s1] =	stream.indirect.gather [hbm4b:s5+s12], $0x40, s28, s12, $0xb8;
	[tilespmem:$0x18960] =	vst v63  }
.LBB2_8:
0xc9: {  	s31 =	sadd.s32 $0x1, s31  }
0xca: {  	p1 =	sne.s32 s31, $0xC4  }
.Ltmp3:
0xcb: {  	_ = 	snop;
	(pc) =	sbr.rel @!p1 .LBB2_9-.Ltmp3, $3  }
0xcc: {  	_ =	sdelay $0x1  }
0xcd: {  	s1 =	sadd.s32 $0x5, s11;
	p0 =	por !p0, !p0;
	s30 =	sadd.s32 $0x1, s30  }
0xce: {  	[spmem:s2] =	stream.indirect.scatter.add.f32 [tilespmem:s0], [sflag:s1], $0x10, s14, s12, $0xb8;
	[tilespmem:$0x18960] =	vst v63  }
.LBB2_2:
0xcf: {  	s11 =	sand.u32 $0x1, s31;
	p1 =	slt.u32 s31, $0x2  }
0xd0: {  	s0 =	sadd.s32 @!p1 $0x5, s11  }
0xd1: {  	s25 =	sshll.u32 s11, $0xB;
	_ =	swait.ge @!p1 [sflag:s0], $0x800  }
0xd2: {  	s14 =	sadd.s32 $0xF, s11;
	s13 =	sadd.s32 $0x1, s11;
	[sflag:s0] =	ssyncset.done @!p1 $0x0  }
0xd3: {  	[sflag:s0] =	ssyncadd.s32 @!p1 $0xFFFFF800;
	s0 =	sor.u32 $0x8500, s25;
	s25 =	simm.s32 $0x0  }
0xd4: {  	[tilespmem:s0], [sflag:s14] =	stream.linear.gather [hbm4b:s16+s25], $0x800, $0x38;
	[tilespmem:$0x18960] =	vst v63  }
0xd5: {  	_ =	swait.ge [sflag:s13], $0x2000  }
0xd6: {  	[sflag:s13] =	ssyncset.done $0x0  }
0xd7: {  	s15 =	simm.s32 $0x1;
	s1 =	sadd.s32 $0x3, s11;
	[sflag:s13] =	ssyncadd.s32 $0xFFFFE000  }
0xd8: {  	s26 =	sshll.u32 s30, $0x7;
	s24 =	sand.u32 $0x3, s31;
	_ =	swait.ge [sflag:s1], $0x2000  }
0xd9: {  	s15 =	simm.s32 @!p0 $0x0;
	s19 =	sand.u32 $0x180, s26;
	[sflag:s1] =	ssyncset.done $0x0  }
0xda: {  	s26 =	sshll.u32 s24, $0x7;
	s17 =	sshll.u32 s15, $0x7;
	[sflag:s1] =	ssyncadd.s32 $0xFFFFE000  }
0xdb: {  	s15 =	sshll.u32 s15, $0xD;
	s20 =	sor.u32 $0x200, s19;
	_ =	swait.ge [sflag:s14], $0x800  }
0xdc: {  	s18 =	sor.u32 $0x400, s17;
	s28 =	sor.u32 $0x700, s15;
	[sflag:s14] =	ssyncset.done $0x0  }
0xdd: {  	s17 =	sor.u32 $0x4700, s15;
	[sflag:s14] =	ssyncadd.s32 $0xFFFFF800;
	s14 =	sshll.u32 s11, $0x7  }
0xde: {  	v2 =	vmov s19;
	s15 =	sshll.u32 s11, $0xE;
	v3 =	vmov s20;
	v4 =	vmov s18;
	s18 =	simm.s32 $0x0;
	s14 =	sor.u32 $0x400, s14  }
.LBB2_3:
0xdf: {  	v5 =	vld [tilespmem:s28+$0xFFFFFE00]  }
0xe0: {  	v6 =	vld [tilespmem:s17+$0xFFFFFE00]  }
0xe1: {  	v7 =	vld [tilespmem:s28+$0xFFFFFE10]  }
0xe2: {  	v8 =	vld [tilespmem:s17+$0xFFFFFE10]  }
0xe3: {  	v12 =	vld [tilespmem:s17+$0xFFFFFE40]  }
0xe4: {  	v15 =	vld [tilespmem:s28+$0xFFFFFE50]  }
0xe5: {  	v37 =	vld [tilespmem:s17+$0xFFFFFE50]  }
0xe6: {  	v39 =	vld [tilespmem:s28+$0xFFFFFE80]  }
0xe7: {  	v40 =	vld [tilespmem:s17+$0xFFFFFE80]  }
0xe8: {  	v41 =	vld [tilespmem:s28+$0xFFFFFE90]  }
0xe9: {  	v16 =	vld [tilespmem:s17+$0xFFFFFE90]  }
0xea: {  	v46 =	vld [tilespmem:s28+$0xFFFFFEC0]  }
0xeb: {  	v20 =	vld [tilespmem:s17+$0xFFFFFEC0]  }
0xec: {  	v49 =	vld [tilespmem:s28+$0xFFFFFED0]  }
0xed: {  	v51 =	vld [tilespmem:s17+$0xFFFFFED0]  }
0xee: {  	v52 =	vld [tilespmem:s28+$0xFFFFFF00];
	v9 =	vunpack.i.u.bf16.f32 v5;
	v5 =	vunpack.i.l.bf16.f32 v5;
	v11 =	vunpack.i.u.bf16.f32 v6  }
0xef: {  	v54 =	vld [tilespmem:s17+$0xFFFFFF00];
	v6 =	vunpack.i.l.bf16.f32 v6;
	v13 =	vunpack.i.u.bf16.f32 v7;
	v7 =	vunpack.i.l.bf16.f32 v7  }
0xf0: {  	v58 =	vld [tilespmem:s28+$0xFFFFFF10];
	v14 =	vunpack.i.u.bf16.f32 v8;
	v8 =	vunpack.i.l.bf16.f32 v8;
	v42 =	vunpack.i.u.bf16.f32 v12  }
0xf1: {  	v60 =	vld [tilespmem:s17+$0xFFFFFF10];
	v12 =	vunpack.i.l.bf16.f32 v12;
	v17 =	vunpack.i.u.bf16.f32 v15;
	v15 =	vunpack.i.l.bf16.f32 v15  }
0xf2: {  	v63 =	vld [tilespmem:s28+$0xFFFFFF40];
	v18 =	vunpack.i.u.bf16.f32 v37;
	v44 =	vunpack.i.u.bf16.f32 v39;
	v45 =	vunpack.i.u.bf16.f32 v40  }
0xf3: {  	v24 =	vld [tilespmem:s17+$0xFFFFFF40];
	v47 =	vunpack.i.u.bf16.f32 v41;
	v19 =	vunpack.i.u.bf16.f32 v16;
	v16 =	vunpack.i.l.bf16.f32 v16  }
0xf4: {  	v28 =	vld [tilespmem:s17+$0xFFFFFF50];
	v53 =	vunpack.i.u.bf16.f32 v46;
	v55 =	vunpack.i.l.bf16.f32 v46;
	v56 =	vunpack.i.u.bf16.f32 v20  }
0xf5: {  	v57 =	vunpack.i.l.bf16.f32 v20;
	v61 =	vunpack.i.u.bf16.f32 v49;
	v62 =	vunpack.i.l.bf16.f32 v49  }
0xf6: {  	v23 =	vunpack.i.u.bf16.f32 v51;
	v25 =	vunpack.i.u.bf16.f32 v52;
	v27 =	vunpack.i.u.bf16.f32 v54  }
0xf7: {  	v21 =	vunpack.i.u.bf16.f32 v58;
	v22 =	vunpack.i.u.bf16.f32 v60;
	v32 =	vunpack.i.u.bf16.f32 v63  }
0xf8: {  	v26 =	vld [tilespmem:s28+$0xFFFFFF50];
	v34 =	vunpack.i.u.bf16.f32 v24;
	v5 =	vmul.f32 v6, v5;
	v6 =	vmul.f32 v11, v9  }
0xf9: {  	v33 =	vld [tilespmem:s28+$0xFFFFFF80];
	v20 =	vunpack.i.l.bf16.f32 v28;
	v7 =	vmul.f32 v8, v7;
	v38 =	vmul.f32 v14, v13  }
0xfa: {  	v35 =	vld [tilespmem:s17+$0xFFFFFF80];
	v9 =	vunpack.i.l.bf16.f32 v37;
	v43 =	vmul.f32 v18, v17;
	v11 =	vunpack.i.l.bf16.f32 v39  }
0xfb: {  	v13 =	vunpack.i.l.bf16.f32 v40;
	v8 =	vunpack.i.l.bf16.f32 v41;
	v48 =	vmul.f32 v45, v44  }
0xfc: {  	v10 =	vld [tilespmem:s28+$0xFFFFFE40];
	v50 =	vmul.f32 v19, v47;
	v59 =	vmul.f32 v57, v55;
	v19 =	vunpack.i.l.bf16.f32 v58  }
0xfd: {  	v29 =	vmul.f32 v27, v25;
	v31 =	vmul.f32 v22, v21;
	v14 =	vunpack.i.l.bf16.f32 v63  }
0xfe: {  	v17 =	vunpack.i.l.bf16.f32 v26;
	v36 =	vmul.f32 v34, v32;
	v40 =	vunpack.i.u.bf16.f32 v33  }
0xff: {  	v44 =	vunpack.i.l.bf16.f32 v35;
	v9 =	vmul.f32 v9, v15;
	v11 =	vmul.f32 v13, v11  }
0x100: {  	v49 =	vld [tilespmem:s28+$0xFFFFFFD0];
	v15 =	vunpack.i.l.bf16.f32 v51;
	v5 =	vadd.f32 v5, v6;
	v6 =	vadd.f32 v7, v38  }
0x101: {  	v25 =	vld [tilespmem:s28+$0xFFFFFF90];
	v7 =	vunpack.i.u.bf16.f32 v10;
	v10 =	vunpack.i.l.bf16.f32 v10;
	v38 =	vmul.f32 v20, v17  }
0x102: {  	v37 =	vld [tilespmem:s17+$0xFFFFFF90];
	v13 =	vunpack.i.l.bf16.f32 v54;
	v10 =	vmul.f32 v12, v10;
	v7 =	vmul.f32 v42, v7  }
0x103: {  	v41 =	vld [tilespmem:s28+$0xFFFFFFC0];
	v9 =	vadd.f32 v9, v43;
	v11 =	vadd.f32 v11, v48;
	v12 =	vmul.f32 v56, v53  }
0x104: {  	v45 =	vld [tilespmem:s17+$0xFFFFFFC0];
	v42 =	vunpack.i.l.bf16.f32 v33;
	v43 =	vunpack.i.u.bf16.f32 v35;
	v5 =	vadd.f32 v6, v5  }
0x105: {  	v32 =	vld [tilespmem:s28+$0x40];
	v6 =	vmul.f32 v16, v8;
	v16 =	vunpack.i.l.bf16.f32 v60;
	v17 =	vmul.f32 v43, v40  }
0x106: {  	v60 =	vunpack.i.u.bf16.f32 v49;
	v7 =	vadd.f32 v10, v7;
	v10 =	vunpack.i.l.bf16.f32 v52  }
0x107: {  	v30 =	vmul.f32 v16, v19;
	v46 =	vunpack.i.u.bf16.f32 v25;
	v47 =	vunpack.i.l.bf16.f32 v25  }
0x108: {  	v48 =	vunpack.i.u.bf16.f32 v37;
	v18 =	vunpack.i.l.bf16.f32 v37;
	v16 =	vmul.f32 v44, v42  }
0x109: {  	v55 =	vunpack.i.u.bf16.f32 v41;
	v57 =	vunpack.i.u.bf16.f32 v45;
	v58 =	vunpack.i.l.bf16.f32 v45  }
0x10a: {  	v51 =	vld [tilespmem:s28+$0x0];
	v43 =	vunpack.i.l.bf16.f32 v32;
	v8 =	vadd.f32 v6, v50;
	v10 =	vmul.f32 v13, v10  }
0x10b: {  	v56 =	vld [tilespmem:s28+$0x10];
	v18 =	vmul.f32 v18, v47;
	v21 =	vmul.f32 v48, v46;
	v6 =	vadd.f32 v9, v7  }
0x10c: {  	v35 =	vld [tilespmem:s28+$0x50];
	v9 =	vadd.f32 v59, v12;
	v12 =	vunpack.i.l.bf16.f32 v24;
	v24 =	vunpack.i.u.bf16.f32 v28  }
0x10d: {  	v40 =	vld [tilespmem:s28+$0x80];
	v53 =	vadd.f32 v16, v17;
	v7 =	vadd.f32 v8, v11;
	v11 =	vmul.f32 v15, v62  }
0x10e: {  	v52 =	vld [tilespmem:s17+$0x0];
	v8 =	vmul.f32 v23, v61;
	v23 =	vunpack.i.u.bf16.f32 v26;
	v13 =	vadd.f32 v10, v29  }
0x10f: {  	v42 =	vld [tilespmem:s17+$0x80];
	v12 =	vmul.f32 v12, v14;
	v15 =	vadd.f32 v30, v31;
	v54 =	vadd.f32 v18, v21  }
0x110: {  	v50 =	vld [tilespmem:s17+$0xFFFFFFD0];
	v14 =	vunpack.i.l.bf16.f32 v41;
	v61 =	vunpack.i.l.bf16.f32 v49;
	v29 =	vunpack.i.u.bf16.f32 v51  }
0x111: {  	v46 =	vld [tilespmem:s28+$0x90];
	v30 =	vunpack.i.l.bf16.f32 v51;
	v33 =	vunpack.i.u.bf16.f32 v56;
	v16 =	vunpack.i.l.bf16.f32 v56  }
0x112: {  	v48 =	vld [tilespmem:s17+$0x90];
	v41 =	vunpack.i.u.bf16.f32 v32;
	v49 =	vunpack.i.u.bf16.f32 v35;
	v21 =	vunpack.i.l.bf16.f32 v35  }
0x113: {  	v39 =	vmul.f32 v24, v23;
	v14 =	vmul.f32 v58, v14;
	v17 =	vunpack.i.l.bf16.f32 v40  }
0x114: {  	v59 =	vld [tilespmem:s17+$0x10];
	v8 =	vadd.f32 v11, v8;
	v12 =	vadd.f32 v12, v36;
	v31 =	vunpack.i.u.bf16.f32 v52  }
0x115: {  	v18 =	vunpack.i.l.bf16.f32 v42;
	v11 =	vadd.f32 v38, v39;
	v62 =	vunpack.i.u.bf16.f32 v50  }
0x116: {  	v26 =	vld [tilespmem:s17+$0x40];
	v19 =	vunpack.i.l.bf16.f32 v50;
	v56 =	vunpack.i.u.bf16.f32 v46;
	v24 =	vunpack.i.l.bf16.f32 v46  }
0x117: {  	v51 =	vld [tilespmem:s28+$0xC0];
	v27 =	vunpack.i.u.bf16.f32 v48;
	v17 =	vmul.f32 v18, v17;
	v10 =	vadd.f32 v8, v9  }
0x118: {  	v32 =	vld [tilespmem:s28+$0x110];
	v9 =	vadd.f32 v15, v13;
	v15 =	vmul.f32 v57, v55;
	v63 =	vmul.f32 v19, v61  }
0x119: {  	v35 =	vld [tilespmem:s17+$0x110];
	v28 =	vmul.f32 v62, v60;
	v34 =	vunpack.i.u.bf16.f32 v59;
	v20 =	vunpack.i.l.bf16.f32 v59  }
0x11a: {  	v19 =	vmul.f32 v31, v29;
	v58 =	vmul.f32 v27, v56;
	v8 =	vadd.f32 v11, v12  }
0x11b: {  	v11 =	vunpack.i.l.bf16.f32 v52;
	v12 =	vadd.f32 v54, v53;
	v36 =	vmul.f32 v20, v16  }
0x11c: {  	v37 =	vmul.f32 v34, v33;
	v44 =	vunpack.i.u.bf16.f32 v26;
	v45 =	vunpack.i.l.bf16.f32 v26  }
0x11d: {  	v38 =	vld [tilespmem:s17+$0x50];
	v52 =	vunpack.i.u.bf16.f32 v40;
	v54 =	vunpack.i.u.bf16.f32 v42;
	v59 =	vunpack.i.u.bf16.f32 v51  }
0x11e: {  	v42 =	vunpack.i.u.bf16.f32 v32;
	v27 =	vunpack.i.l.bf16.f32 v35;
	v11 =	vmul.f32 v11, v30  }
0x11f: {  	v55 =	vld [tilespmem:s28+$0xD0];
	v14 =	vadd.f32 v14, v15;
	v39 =	vadd.f32 v63, v28;
	v47 =	vmul.f32 v45, v43  }
0x120: {  	v61 =	vld [tilespmem:s28+$0x100];
	v16 =	vmul.f32 v44, v41;
	v57 =	vmul.f32 v54, v52;
	v13 =	vadd.f32 v36, v37  }
0x121: {  	v53 =	vld [tilespmem:s17+$0xC0];
	v44 =	vunpack.i.u.bf16.f32 v35;
	v11 =	vadd.f32 v11, v19;
	v14 =	vadd.f32 v39, v14  }
0x122: {  	v28 =	vld [tilespmem:s17+$0xD0];
	v50 =	vunpack.i.u.bf16.f32 v38;
	v20 =	vunpack.i.l.bf16.f32 v38;
	v15 =	vadd.f32 v47, v16  }
0x123: {  	v63 =	vld [tilespmem:s17+$0x100];
	v19 =	vunpack.i.l.bf16.f32 v48;
	v16 =	vunpack.i.l.bf16.f32 v51;
	v47 =	vmul.f32 v44, v42  }
0x124: {  	v41 =	vld [tilespmem:s28+$0x140];
	v17 =	vadd.f32 v17, v57;
	v20 =	vmul.f32 v20, v21;
	v19 =	vmul.f32 v19, v24  }
0x125: {  	v43 =	vld [tilespmem:s17+$0x140];
	v62 =	vunpack.i.u.bf16.f32 v55;
	v25 =	vunpack.i.l.bf16.f32 v55;
	v38 =	vunpack.i.u.bf16.f32 v61  }
0x126: {  	v45 =	vld [tilespmem:s28+$0x150];
	v39 =	vunpack.i.l.bf16.f32 v61;
	v24 =	vunpack.i.l.bf16.f32 v32;
	v11 =	vadd.f32 v13, v11  }
0x127: {  	v52 =	vld [tilespmem:s17+$0x180];
	v13 =	vmul.f32 v50, v49;
	v60 =	vunpack.i.u.bf16.f32 v53;
	v22 =	vunpack.i.l.bf16.f32 v53  }
0x128: {  	v46 =	vmul.f32 v27, v24;
	v16 =	vmul.f32 v22, v16;
	v29 =	vunpack.i.u.bf16.f32 v28  }
0x129: {  	v31 =	vld [tilespmem:s28+$0x1D0];
	v28 =	vunpack.i.l.bf16.f32 v28;
	v23 =	vmul.f32 v60, v59;
	v36 =	vadd.f32 v19, v58  }
0x12a: {  	v40 =	vunpack.i.u.bf16.f32 v63;
	v22 =	vunpack.i.l.bf16.f32 v63;
	v51 =	vunpack.i.u.bf16.f32 v41  }
0x12b: {  	v48 =	vld [tilespmem:s17+$0x150];
	v53 =	vunpack.i.l.bf16.f32 v41;
	v54 =	vunpack.i.u.bf16.f32 v43;
	v56 =	vunpack.i.u.bf16.f32 v45  }
0x12c: {  	v57 =	vld [tilespmem:s17+$0x190];
	v61 =	vunpack.i.u.bf16.f32 v52;
	v33 =	vmul.f32 v28, v25;
	v34 =	vmul.f32 v29, v62  }
0x12d: {  	v13 =	vadd.f32 v20, v13;
	v21 =	vmul.f32 v22, v39;
	v20 =	vmul.f32 v40, v38  }
0x12e: {  	(xrf2) =	vadd.scan.msk.f32 $0xffff, v5;
	v22 =	vunpack.i.l.bf16.f32 v43;
	v5 =	vmul.f32 v54, v51;
	v39 =	vunpack.i.u.bf16.f32 v31  }
0x12f: {  	v55 =	vld [tilespmem:s28+$0x190];
	v40 =	vunpack.i.l.bf16.f32 v31;
	v16 =	vadd.f32 v16, v23;
	v17 =	vadd.f32 v36, v17  }
0x130: {  	v49 =	vld [tilespmem:s28+$0x180];
	v23 =	vunpack.i.l.bf16.f32 v45;
	v22 =	vmul.f32 v22, v53;
	v58 =	vunpack.i.u.bf16.f32 v48  }
0x131: {  	v59 =	vunpack.i.l.bf16.f32 v48;
	v30 =	vunpack.i.u.bf16.f32 v57;
	v37 =	vadd.f32 v33, v34  }
0x132: {  	(xrf2) =	vadd.scan.msk.f32 $0xffff, v6;
	v24 =	vunpack.i.l.bf16.f32 v57;
	v13 =	vadd.f32 v13, v15;
	v50 =	vadd.f32 v21, v20  }
0x133: {  	(xrf2) =	vadd.scan.msk.f32 $0xffff, v7;
	v62 =	vld [tilespmem:s28+$0x1C0];
	v15 =	vadd.f32 v46, v47;
	v6 =	vmul.f32 v59, v23;
	v20 =	vmul.f32 v58, v56  }
0x134: {  	(xrf2) =	vadd.scan.msk.f32 $0xffff, v10;
	v29 =	vld [tilespmem:s17+$0x1C0];
	v21 =	vunpack.i.l.bf16.f32 v52;
	v63 =	vunpack.i.u.bf16.f32 v55;
	v28 =	vunpack.i.l.bf16.f32 v55  }
0x135: {  	(xrf2) =	vadd.scan.msk.f32 $0xffff, v9;
	v60 =	vunpack.i.u.bf16.f32 v49;
	v7 =	vunpack.i.l.bf16.f32 v49;
	v33 =	vmul.f32 v24, v28  }
0x136: {  	(xrf2) =	vadd.scan.msk.f32 $0xffff, v8;
	v34 =	vld [tilespmem:s17+$0x1D0];
	v9 =	vmul.f32 v30, v63;
	v5 =	vadd.f32 v22, v5;
	v16 =	vadd.f32 v37, v16  }
0x137: {  	(xrf2) =	vadd.scan.msk.f32 $0xffff, v12;
	v7 =	vmul.f32 v21, v7;
	v18 =	vmul.f32 v61, v60;
	v32 =	vadd.f32 v15, v50  }
0x138: {  	(xrf2) =	vadd.scan.msk.f32 $0xffff, v14;
	v6 =	vadd.f32 v6, v20;
	v9 =	vadd.f32 v33, v9;
	v35 =	vunpack.i.u.bf16.f32 v62  }
0x139: {  	(xrf2) =	vadd.scan.msk.f32 $0xffff, v11;
	v36 =	vunpack.i.l.bf16.f32 v62;
	v37 =	vunpack.i.u.bf16.f32 v29;
	v38 =	vunpack.i.l.bf16.f32 v29  }
0x13a: {  	(xrf2) =	vadd.scan.msk.f32 $0xffff, v13;
	v7 =	vadd.f32 v7, v18;
	v11 =	vmul.f32 v38, v36;
	v12 =	vmul.f32 v37, v35  }
0x13b: {  	v41, _, _ =	vpop (xrf2);
	(xrf2) =	vadd.scan.msk.f32 $0xffff, v17;
	v5 =	vadd.f32 v6, v5;
	v42 =	vunpack.i.u.bf16.f32 v34;
	v10 =	vunpack.i.l.bf16.f32 v34  }
0x13c: {  	v43, _, _ =	vpop (xrf2);
	(xrf2) =	vadd.scan.msk.f32 $0xffff, v16;
	v6 =	vmul.f32 v10, v40;
	v44 =	vmul.f32 v42, v39;
	v7 =	vadd.f32 v9, v7  }
0x13d: {  	v45, _, _ =	vpop (xrf2);
	v14 =	vbroadcast v43, $0xF;
	v46 =	vbroadcast v41, $0xF;
	(xrf2) =	vadd.scan.msk.f32 $0xffff, v32  }
0x13e: {  	v47 =	vbroadcast v45, $0xF;
	v48, _, _ =	vpop (xrf2);
	(xrf2) =	vadd.scan.msk.f32 $0xffff, v5;
	v5 =	vadd.f32 v11, v12;
	v6 =	vadd.f32 v6, v44  }
0x13f: {  	v8 =	vsel vm0, v46, v14;
	v49 =	vbroadcast v48, $0xF;
	v50, _, _ =	vpop (xrf2)  }
0x140: {  	v8 =	vsel vm1, v8, v47;
	v51 =	vbroadcast v50, $0xF;
	(xrf2) =	vadd.scan.msk.f32 $0xffff, v7;
	v7, _, _ =	vpop (xrf2);
	v5 =	vadd.f32 v6, v5  }
0x141: {  	v8 =	vsel vm2, v8, v49;
	v7 =	vbroadcast v7, $0xF  }
0x142: {  	v8 =	vsel vm3, v8, v51;
	v6, _, _ =	vpop (xrf2)  }
0x143: {  	v6 =	vbroadcast v6, $0xF;
	v52, _, _ =	vpop (xrf2);
	v7 =	vsel vm4, v8, v7  }
0x144: {  	(xrf2) =	vadd.scan.msk.f32 $0xffff, v5;
	v5, _, _ =	vpop (xrf2);
	v53 =	vbroadcast v52, $0xF  }
0x145: {  	v54, _, _ =	vpop (xrf2);
	v6 =	vsel vm5, v7, v6;
	v5 =	vbroadcast v5, $0xF  }
0x146: {  	v7, _, _ =	vpop (xrf2);
	v6 =	vsel vm6, v6, v53;
	v55 =	vbroadcast v54, $0xF  }
0x147: {  	v56, _, _ =	vpop (xrf2);
	v5 =	vsel vm7, v6, v5;
	v6 =	vbroadcast v7, $0xF  }
0x148: {  	v7, _, _ =	vpop (xrf2);
	v5 =	vsel vm8, v5, v55;
	v57 =	vbroadcast v56, $0xF  }
0x149: {  	v58, _, _ =	vpop (xrf2);
	v5 =	vsel vm9, v5, v6;
	v6 =	vbroadcast v7, $0xF  }
0x14a: {  	v7, _, _ =	vpop (xrf2);
	v5 =	vsel vm10, v5, v57  }
0x14b: {  	v5 =	vsel vm11, v5, v6;
	v6 =	vbroadcast v7, $0xF  }
0x14c: {  	v59 =	vbroadcast v58, $0xF;
	_ =	sdelay $0x1  }
0x14d: {  	v5 =	vsel vm12, v5, v59  }
0x14e: {  	v5 =	vsel vm13, v5, v6;
	v6, _, _ =	vpop (xrf2)  }
0x14f: {  	s19 =	sshra.s32 s18, $0x2;
	v5 =	vsel vm14, v5, v6  }
0x150: {  	v6 =	vld.idx.msk [tilespmem:v2+s19+$0x0 ss:$0x1], $0xffff;
	v5 =	vmul.f32 v5, v1;
	_ =	sdelay $0x1  }
0x151: {  	v5 =	vmul.f32 $1.442695020e+00, v5  }
0x152: {  	v7 =	vld.idx.msk [tilespmem:v3+s19+$0x0 ss:$0x1], $0xffff  }
0x153: {  	(erf) = vpow2.f32 v5;
	_ =	sdelay $0x2  }
0x154: {  	v5 =	vmov s25  }
0x155: {  	v60 =	vshll.u32 v7, $0x2;
	v5 =	vshll.u32 v5, $0x4;
	v6 =	vld.idx.msk [tilespmem:v6+s9+$0x0], $0xffff  }
0x156: {  	v8 =	vand.u32 $0xC, v60;
	v5 =	vor.u32 v0, v5  }
0x157: {  	v5 =	vor.u32 v5, v8  }
0x158: {  	v8 =	vor.u32 $0x1, v5  }
0x159: {  	p1 =	sne.s32 s18, $0x1C0;
	v61 =	vor.u32 $0x2, v5  }
.Ltmp4:
0x15a: {  	v7 =	vshrl.u32 v7, $0x2;
	v63 =	vunpack.i.l.bf16.f32 v6;
	v62 =	vpop (erf);
	(pc) =	sbr.rel @p1 .LBB2_3-.Ltmp4, $4  }
0x15b: {  	[tilespmem:v4+s19+$0x0 ss:$0x1] =	vst.idx.msk $0xffff, v7;
	v6 =	vunpack.i.u.bf16.f32 v6;
	v7 =	vmul.f32 v62, v63  }
0x15c: {  	[tilespmem:v5+s0+$0x0] =	vst.idx.msk $0xffff, v62;
	v5 =	vmul.f32 v62, v6  }
0x15d: {  	s18 =	sadd.s32 $0x40, s18;
	[tilespmem:v8+s0+$0x0] =	vst.idx.msk $0xffff, v7  }
0x15e: {  	s28 =	sadd.s32 $0x400, s28;
	s17 =	sadd.s32 $0x400, s17;
	s25 =	sadd.s32 $0x10, s25;
	[tilespmem:v61+s0+$0x0] =	vst.idx.msk $0xffff, v5  }
0x15f: {  	p1 =	sgt.u32 s31, $0xBF  }
.Ltmp5:
0x160: {  	_ = 	snop;
	(pc) =	sbr.rel @!p1 .LBB2_5-.Ltmp5, $1  }
0x161: {  	_ =	sdelay $0x3  }
0x162: {  	p1 =	sgt.u32 s31, $0xC1  }
.Ltmp6:
0x163: {  	_ = 	snop;
	(pc) =	sbr.rel @p1 .LBB2_8-.Ltmp6, $4  }
.Ltmp7:
0x164: {  	_ = 	snop;
	(pc) =	sbr.rel @!p1 .LBB2_7-.Ltmp7, $4  }
0x165: {  	_ = 	snop  }
0x166: {  	_ = 	snop  }
0x167: {  	_ = 	snop  }
0x168: {  	_ = 	snop  }
.LBB2_10:
0x169: {  	_ =	sfence.sel $0x180000  }
0x16a: {  	[bflag:$0x0] =	sbarrier.arrive $0xFFFF  }
0x16b: {  	_ =	strace $0x90000047  }
0x16c: {  	s0 =	stileid.u32;
	[bflag:$0x2] =	sbarrier.arrive $0xFFFF  }
0x16d: {  	p0 =	sne.s32 s0, $0x0;
	s0 =	rddreg [dreg:$0x3]  }
0x16e: {  	s0 =	sadd.s32 @!p0 $0x100000, s0  }
0x16f: {  	[sflag:s0] =	ssyncadd.tile.s32 @!p0 $0x1;
	_ =	shalt  }
.Lfunc_end2:
_tile_overlayer_lowered:
.L_overlay_start_2:
0x170: {  	(tag) =	ssettag $0x2  }
0x171: {  	s0 =	rddreg [dreg:$0x0];
	s2 =	stileid.u32  }
0x172: {  	s1 =	rddreg [dreg:$0x1];
	p0 =	sne.s32 s2, $0x0  }
0x173: {  	s3 =	rddreg [dreg:$0x2];
	[bflag:$0x3] =	sbarrier.arrive $0xFFFF;
	s2 =	simm.s32 @!p0 $0x1C11  }
0x174: {  	[timem:s3], [sflag:s2] =	dma.local @!p0 [hbm:s0], s1  }
0x175: {  	s0 =	simm.s32 @!p0 $0x11  }
0x176: {  	_ =	swait.ge @!p0 [sflag:s0], s1  }
0x177: {  	s1 =	ssub.s32 @!p0 $0x0, s1;
	[sflag:s0] =	ssyncset.done @!p0 $0x0  }
0x178: {  	[sflag:s0] =	ssyncadd.s32 @!p0 s1  }
0x179: {  	[bflag:$0x3] =	sbarrier.arrive $0xFFFF  }
0x17a: {  	_ =	shalt  }

</sc_bundles>
